<compile_context>
chip_gen: v7x
topology: tpu7x:2x2x1
jax: 0.10.2.dev20260603
libtpu: 0.0.44.dev20260713+nightly
codegen_flags: <defaults>
</compile_context>

<pallas_src>
import functools

import jax
import jax.numpy as jnp
from jax import lax
from jax.experimental import pallas as pl
from jax.experimental.pallas import tpu as pltpu
from jax.experimental.pallas import tpu_sc as plsc

B_CLOUDS = 16
P = 2048
N = B_CLOUDS * P
D = 128
DIM = 64
K = 16
RR = 0.2 * 0.2
NEG_INF = float("-inf")
POS_INF = float("inf")

_RB = 256
_CB = 128


def _stage_a_body(x_ref, p0_ref, p1_ref, p2_ref, b_ref, w1a_ref, w1p_ref,
                  b1_ref, v_ref, q_ref, pix_ref):
    p0 = p0_ref[...]
    p1 = p1_ref[...]
    p2 = p2_ref[...]
    q = (p0 * w1p_ref[0:1, :] + p1 * w1p_ref[1:2, :] + p2 * w1p_ref[2:3, :])
    v = jnp.dot(x_ref[...], w1a_ref[...], preferred_element_type=jnp.float32)
    v_ref[...] = v + q + b1_ref[0:1, :]
    q_ref[...] = q
    rows = jnp.clip((p1 * DIM).astype(jnp.int32), 0, DIM - 1)
    cols = jnp.clip((p0 * DIM).astype(jnp.int32), 0, DIM - 1)
    pix_ref[...] = b_ref[...] * (DIM * DIM) + rows * DIM + cols


def _stage_a(x, p0, p1, p2, batch_col, w1a, w1p_pad, b1_row):
    nblk = N // _RB
    return pl.pallas_call(
        _stage_a_body,
        grid=(nblk,),
        in_specs=[
            pl.BlockSpec((_RB, D), lambda i: (i, 0)),
            pl.BlockSpec((_RB, 1), lambda i: (i, 0)),
            pl.BlockSpec((_RB, 1), lambda i: (i, 0)),
            pl.BlockSpec((_RB, 1), lambda i: (i, 0)),
            pl.BlockSpec((_RB, 1), lambda i: (i, 0)),
            pl.BlockSpec((D, D), lambda i: (0, 0)),
            pl.BlockSpec((8, D), lambda i: (0, 0)),
            pl.BlockSpec((1, D), lambda i: (0, 0)),
        ],
        out_specs=[
            pl.BlockSpec((_RB, D), lambda i: (i, 0)),
            pl.BlockSpec((_RB, D), lambda i: (i, 0)),
            pl.BlockSpec((_RB, 1), lambda i: (i, 0)),
        ],
        out_shape=[
            jax.ShapeDtypeStruct((N, D), jnp.float32),
            jax.ShapeDtypeStruct((N, D), jnp.float32),
            jax.ShapeDtypeStruct((N, 1), jnp.int32),
        ],
    )(x, p0, p1, p2, batch_col, w1a, w1p_pad, b1_row)


def _stage_b_body(pxt_ref, pyt_ref, pzt_ref, px_ref, py_ref, pz_ref,
                  nbr_ref, val_ref):
    b = pl.program_id(0)
    dx = pxt_ref[0] - px_ref[0]
    dy = pyt_ref[0] - py_ref[0]
    dz = pzt_ref[0] - pz_ref[0]
    d2 = (dx * dx + dy * dy) + dz * dz
    dm = jnp.where(d2 <= RR, d2, POS_INF)
    kd = lax.bitcast_convert_type(dm, jnp.int32)
    h = P // 4
    inf_i = 0x7F800000
    bias = 0x00800000

    def _key(kk):
        return lax.bitcast_convert_type(
            jnp.where(kk >= inf_i, inf_i, kk + bias), jnp.float32)

    a0 = _key((kd[:, 0 * h:1 * h] & -4) | 0)
    a1 = _key((kd[:, 1 * h:2 * h] & -4) | 1)
    a2 = _key((kd[:, 2 * h:3 * h] & -4) | 2)
    a3 = _key((kd[:, 3 * h:4 * h] & -4) | 3)
    a0, a1 = jnp.minimum(a0, a1), jnp.maximum(a0, a1)
    a2, a3 = jnp.minimum(a2, a3), jnp.maximum(a2, a3)
    a0, a2 = jnp.minimum(a0, a2), jnp.maximum(a0, a2)
    a1, a3 = jnp.minimum(a1, a3), jnp.maximum(a1, a3)
    a1, a2 = jnp.minimum(a1, a2), jnp.maximum(a1, a2)
    hl = jax.lax.broadcasted_iota(jnp.int32, (_RB, h), 1)
    nbr_cols = []
    val_cols = []
    for _ in range(K):
        mn = jnp.min(a0, axis=1, keepdims=True)
        gs = jnp.min(jnp.where(a0 == mn, hl, h), axis=1, keepdims=True)
        mni = lax.bitcast_convert_type(mn, jnp.int32)
        ok = mn < POS_INF
        gi = jnp.minimum(gs, h - 1) + (mni & 3) * h
        nbr_cols.append(gi + b * P)
        val_cols.append(jnp.where(ok, jnp.float32(0.0), NEG_INF))
        sel = hl == gs
        a0 = jnp.where(sel, a1, a0)
        a1 = jnp.where(sel, a2, a1)
        a2 = jnp.where(sel, a3, a2)
        a3 = jnp.where(sel, POS_INF, a3)
    nbr_ref[...] = jnp.concatenate(nbr_cols, axis=1)
    val_ref[...] = jnp.concatenate(val_cols, axis=1)


def _stage_b(pxt, pyt, pzt, px, py, pz):
    nrb = P // _RB
    return pl.pallas_call(
        _stage_b_body,
        grid=(B_CLOUDS, nrb),
        in_specs=[
            pl.BlockSpec((1, _RB, 1), lambda b, r: (b * (P // _RB) + r, 0, 0)),
            pl.BlockSpec((1, _RB, 1), lambda b, r: (b * (P // _RB) + r, 0, 0)),
            pl.BlockSpec((1, _RB, 1), lambda b, r: (b * (P // _RB) + r, 0, 0)),
            pl.BlockSpec((1, 1, P), lambda b, r: (b, 0, 0)),
            pl.BlockSpec((1, 1, P), lambda b, r: (b, 0, 0)),
            pl.BlockSpec((1, 1, P), lambda b, r: (b, 0, 0)),
        ],
        out_specs=[
            pl.BlockSpec((_RB, K), lambda b, r: (b * (P // _RB) + r, 0)),
            pl.BlockSpec((_RB, K), lambda b, r: (b * (P // _RB) + r, 0)),
        ],
        out_shape=[
            jax.ShapeDtypeStruct((N, K), jnp.int32),
            jax.ShapeDtypeStruct((N, K), jnp.float32),
        ],
    )(pxt, pyt, pzt, px, py, pz)


_EDGES = K * N


def _make_sc_gather():
    info = plsc.get_sparse_core_info()
    nw = info.num_cores * info.num_subcores
    epw = _EDGES // nw
    gch = 128
    nch = epw // gch
    mesh = plsc.VectorSubcoreMesh(core_axis_name="c", subcore_axis_name="s")

    @functools.partial(
        pl.kernel, mesh=mesh,
        out_type=jax.ShapeDtypeStruct((_EDGES, D), jnp.float32),
        scratch_types=[
            pltpu.VMEM((epw,), jnp.int32),
            pltpu.VMEM((gch, D), jnp.float32),
            pltpu.VMEM((gch, D), jnp.float32),
            pltpu.SemaphoreType.DMA,
            pltpu.SemaphoreType.DMA,
        ],
    )
    def sc_gather(v_hbm, idx_hbm, out_hbm, idx_v, buf0, buf1, sem0, sem1):
        wid = lax.axis_index("s") * info.num_cores + lax.axis_index("c")
        base = wid * epw
        pltpu.sync_copy(idx_hbm.at[pl.ds(base, epw)], idx_v)
        bufs = (buf0, buf1)
        sems = (sem0, sem1)

        def _start(i, slot):
            pltpu.async_copy(v_hbm.at[idx_v.at[pl.ds(i * gch, gch)]],
                             bufs[slot], sems[slot])

        _start(0, 0)
        def step(i, carry):
            for slot in range(2):
                @pl.when(i % 2 == slot)
                def _():
                    @pl.when(i + 1 < nch)
                    def _():
                        _start(i + 1, 1 - slot)
                    pltpu.make_async_copy(
                        v_hbm.at[idx_v.at[pl.ds(i * gch, gch)]],
                        bufs[slot], sems[slot]).wait()
                    pltpu.sync_copy(bufs[slot],
                                    out_hbm.at[pl.ds(base + i * gch, gch)])
            return carry

        lax.fori_loop(0, nch, step, 0)

    return sc_gather


_sc_gather_cache = []


def _sc_gather(v, idx):
    if not _sc_gather_cache:
        _sc_gather_cache.append(_make_sc_gather())
    return _sc_gather_cache[0](v, idx)


def _stage_c_body(e_ref, q_ref, val_ref, w2_ref, g1_ref, be1_ref, b2_ref,
                  m_ref):
    qb = q_ref[...]
    g1 = g1_ref[0:1, :]
    be1 = be1_ref[0:1, :]
    w2 = w2_ref[...]
    m = jnp.full((_CB, D), NEG_INF, jnp.float32)
    for k in range(K):
        gk = e_ref[k]
        a = jax.nn.relu((gk - qb) * g1 + be1)
        hk = jnp.dot(a, w2, preferred_element_type=jnp.float32)
        m = jnp.maximum(m, hk + val_ref[:, k:k + 1])
    m_ref[...] = m + b2_ref[0:1, :]


def _stage_c(e_kmaj, q, validf, w2, g1_row, be1_row, b2_row):
    nblk = N // _CB
    return pl.pallas_call(
        _stage_c_body,
        grid=(nblk,),
        in_specs=[
            pl.BlockSpec((K, _CB, D), lambda i: (0, i, 0)),
            pl.BlockSpec((_CB, D), lambda i: (i, 0)),
            pl.BlockSpec((_CB, K), lambda i: (i, 0)),
            pl.BlockSpec((D, D), lambda i: (0, 0)),
            pl.BlockSpec((1, D), lambda i: (0, 0)),
            pl.BlockSpec((1, D), lambda i: (0, 0)),
            pl.BlockSpec((1, D), lambda i: (0, 0)),
        ],
        out_specs=pl.BlockSpec((_CB, D), lambda i: (i, 0)),
        out_shape=jax.ShapeDtypeStruct((N, D), jnp.float32),
    )(e_kmaj, q, validf, w2, g1_row, be1_row, b2_row)


def kernel(x, pos, batch, W1, b1, g1, be1, W2, b2):
    p0 = pos[:, 0:1]
    p1 = pos[:, 1:2]
    p2 = pos[:, 2:3]
    w1a = W1[:D]
    w1p_pad = jnp.pad(W1[D:], ((0, 5), (0, 0)))
    b1_row = b1.reshape(1, D)

    v, q, pix = _stage_a(x, p0, p1, p2, batch.reshape(N, 1), w1a, w1p_pad,
                         b1_row)

    qshape = (N // _RB, _RB, 1)
    cshape = (B_CLOUDS, 1, P)
    nbr, validf = _stage_b(p0.reshape(qshape), p1.reshape(qshape),
                           p2.reshape(qshape), pos[:, 0].reshape(cshape),
                           pos[:, 1].reshape(cshape), pos[:, 2].reshape(cshape))

    e_kmaj = _sc_gather(v, nbr.T.reshape(_EDGES)).reshape(K, N, D)

    m = _stage_c(e_kmaj, q, validf, W2, g1.reshape(1, D), be1.reshape(1, D),
                 b2.reshape(1, D))

    out = jnp.full((B_CLOUDS * DIM * DIM, D), NEG_INF, jnp.float32)
    out = out.at[pix.reshape(N)].max(m)
    out = jnp.where(jnp.isneginf(out), jnp.float32(0.0), out)
    return out.reshape(B_CLOUDS, DIM, DIM, D).transpose(0, 3, 1, 2)

# --- scband reference (transcript-rebuilt; emitter-appended) ---
"""Pipeline reference for scband-points-to-image-89438398972576 (READ-ONLY COPY).

The authoritative reference and input builder live on the scoring server;
editing this copy changes nothing except your own understanding.
"""

import jax, jax.numpy as jnp
import numpy as np

B_CLOUDS = 16
P = 2048
D_FEAT = 128
POS_DIM = 3
R = 0.2
K = 16
DIM = 64

def setup_inputs(seed: int = 0):
    key = jax.random.key(seed)
    k1, k2, k3, k4 = jax.random.split(key, 4)
    N = B_CLOUDS * P
    x = jax.random.normal(k1, (N, D_FEAT), dtype=jnp.float32)
    pos = jax.random.uniform(k2, (N, POS_DIM), dtype=jnp.float32)
    batch = jnp.repeat(jnp.arange(B_CLOUDS, dtype=jnp.int32), P)
    W1 = jax.random.normal(k3, (D_FEAT + POS_DIM, 128), dtype=jnp.float32) * 0.05
    b1 = jnp.zeros((128,), jnp.float32)
    g1 = jnp.ones((128,), jnp.float32)
    be1 = jnp.zeros((128,), jnp.float32)
    W2 = jax.random.normal(k4, (128, 128), dtype=jnp.float32) * 0.05
    b2 = jnp.zeros((128,), jnp.float32)
    return {"x": x, "pos": pos, "batch": batch, "W1": W1, "b1": b1, "g1": g1, "be1": be1, "W2": W2, "b2": b2}

def _build_edges(pos):
    # radius(pos, pos, r, batch, batch, max_num_neighbors=K) with equal-size contiguous clouds
    posb = pos.reshape(B_CLOUDS, P, POS_DIM)
    d2 = jnp.sum((posb[:, :, None, :] - posb[:, None, :, :]) ** 2, axis=-1)  # (B, P, P)
    vals, idx = jax.lax.top_k(-d2, K)  # K nearest per query (includes self at distance 0)
    valid = (-vals) <= R * R
    base = (jnp.arange(B_CLOUDS, dtype=jnp.int32) * P)[:, None, None]
    src = idx.astype(jnp.int32) + base
    dst = jnp.broadcast_to(jnp.arange(P, dtype=jnp.int32)[None, :, None] + base, src.shape)
    return src.reshape(-1), dst.reshape(-1), valid.reshape(-1)

def _forward(x, pos, batch, W1, b1, g1, be1, W2, b2, src, dst, valid):
    rows = jnp.clip((pos[:, 1] * DIM).astype(jnp.int32), 0, DIM - 1)
    cols = jnp.clip((pos[:, 0] * DIM).astype(jnp.int32), 0, DIM - 1)
    pix = batch.astype(jnp.int32) * DIM * DIM + rows * DIM + cols
    # PointNetConv message: local_nn(concat([x_j, pos_j - pos_i]))
    msg_in = jnp.concatenate([x[src], pos[src] - pos[dst]], axis=-1)
    h = msg_in @ W1 + b1
    h = h * g1 + be1  # eval-mode BatchNorm (running_mean=0, running_var=1)
    h = jax.nn.relu(h)
    h = h @ W2 + b2
    h = jnp.where(valid[:, None], h, -jnp.inf)
    # scatter-max aggregation onto pixel grid (dst remapped to pixel index)
    out = jnp.full((B_CLOUDS * DIM * DIM, D_FEAT), -jnp.inf, dtype=jnp.float32)
    out = out.at[pix[dst]].max(h)
    out = jnp.where(jnp.isneginf(out), 0.0, out)
    return out.reshape(B_CLOUDS, DIM, DIM, D_FEAT).transpose(0, 3, 1, 2)

def reference(x, pos, batch, W1, b1, g1, be1, W2, b2):
    src, dst, valid = _build_edges(pos)
    return _forward(x, pos, batch, W1, b1, g1, be1, W2, b2, src, dst, valid)

if __name__ == "__main__":
    import jax
    _d = setup_inputs()
    print(jax.jit(kernel)(*tuple(_d.values())))

</pallas_src>

<mosaic_0001>
#map = affine_map<(d0, d1) -> (0, 0)>
#map1 = affine_map<(d0, d1) -> (0)>
module attributes {stable_mosaic.version = 14 : i64} {
  func.func @sc_gather(%arg0: i32, %arg1: i32, %arg2: memref<32768x128xf32, #tpu.memory_space<hbm>>, %arg3: memref<524288xi32, #tpu.memory_space<hbm>>, %arg4: memref<524288x128xf32, #tpu.memory_space<hbm>>, %arg5: memref<16384xi32, #tpu.memory_space<vmem>>, %arg6: memref<128x128xf32, #tpu.memory_space<vmem>>, %arg7: memref<128x128xf32, #tpu.memory_space<vmem>>, %arg8: memref<!tpu.dma_semaphore, #tpu.memory_space<semaphore_mem>>, %arg9: memref<!tpu.dma_semaphore, #tpu.memory_space<semaphore_mem>>) attributes {dimension_semantics = [#tpu.dimension_semantics<core_parallel>, #tpu.dimension_semantics<subcore_parallel>], iteration_bounds = array<i64: 2, 16>, scalar_prefetch = 0 : i64, scratch_operands = 5 : i64, tpu.core_type = #tpu.core_type<sc_vector_subcore>, window_params = [{transform_indices = #map}, {transform_indices = #map1}, {transform_indices = #map}]} {
    %mul3A = arith.constant 2 : i32
    %mul3A_0 = arith.muli %arg1, %mul3A : i32
    %add3A = arith.addi %mul3A_0, %arg0 : i32
    %mul3A_1 = arith.constant 16384 : i32
    %mul3A_2 = arith.muli %add3A, %mul3A_1 : i32
    "tpu.region"() ({
      %run_scoped3A = tpu.sem_alloc : memref<!tpu.dma_semaphore, #tpu.memory_space<semaphore_mem>>
      %dma_start3A_12 = tpu.memref_slice %arg3[%mul3A_2] : memref<524288xi32, #tpu.memory_space<hbm>> -> memref<16384xi32, #tpu.memory_space<hbm>>
      %dma_start3A_13 = tpu.memref_slice %arg3[%mul3A_2] : memref<524288xi32, #tpu.memory_space<hbm>> -> memref<16384xi32, #tpu.memory_space<hbm>>
      tpu.enqueue_dma source(%dma_start3A_13 : memref<16384xi32, #tpu.memory_space<hbm>>) target(%arg5 : memref<16384xi32, #tpu.memory_space<vmem>>) target_semaphore(%run_scoped3A : memref<!tpu.dma_semaphore, #tpu.memory_space<semaphore_mem>>)
      %dma_wait3A = tpu.memref_slice %arg3[%mul3A_2] : memref<524288xi32, #tpu.memory_space<hbm>> -> memref<16384xi32, #tpu.memory_space<hbm>>
      %dma_wait3A_14 = tpu.memref_slice %arg3[%mul3A_2] : memref<524288xi32, #tpu.memory_space<hbm>> -> memref<16384xi32, #tpu.memory_space<hbm>>
      tpu.wait_dma2 semaphore(%run_scoped3A : memref<!tpu.dma_semaphore, #tpu.memory_space<semaphore_mem>>) src(%dma_wait3A_14 : memref<16384xi32, #tpu.memory_space<hbm>>) dst(%arg5 : memref<16384xi32, #tpu.memory_space<vmem>>)
      tpu.yield
    }) : () -> ()
    %dma_start3A = arith.constant 0 : i32
    %dma_start3A_3 = tpu.memref_slice %arg5[%dma_start3A] : memref<16384xi32, #tpu.memory_space<vmem>> -> memref<128xi32, #tpu.memory_space<vmem>>
    %dma_start3A_4 = arith.constant 0 : i32
    %dma_start3A_5 = arith.constant 0 : i32
    %dma_start3A_6 = tpu.memref_slice %arg2[%dma_start3A_4, %dma_start3A_5] : memref<32768x128xf32, #tpu.memory_space<hbm>> -> memref<32768x128xf32, #tpu.memory_space<hbm>>
    tpu.enqueue_indirect_dma source(%dma_start3A_6 : memref<32768x128xf32, #tpu.memory_space<hbm>>) target(%arg6 : memref<128x128xf32, #tpu.memory_space<vmem>>) offsets(%dma_start3A_3 : memref<128xi32, #tpu.memory_space<vmem>>) semaphore(%arg8 : memref<!tpu.dma_semaphore, #tpu.memory_space<semaphore_mem>>)
    %scan3A = arith.constant 0 : i32
    %scan3A_7 = arith.constant 0 : i32
    %scan3A_8 = arith.constant 128 : i32
    %scan3A_9 = arith.addi %scan3A_7, %scan3A_8 : i32
    %scan3A_10 = arith.constant 1 : i32
    scf.for %scan3A_12 = %scan3A_7 to %scan3A_9 step %scan3A_10  : i32 {
      %jit3A = arith.constant 2 : i32
      %eq3A = arith.constant 0 : i32
      %eq3A_13 = arith.cmpi eq, %jit3A, %eq3A : i32
      %jit3A_14 = arith.constant 1 : i32
      %select_n3A = arith.select %eq3A_13, %jit3A_14, %jit3A : i32
      %rem3A = arith.remsi %scan3A_12, %select_n3A : i32
      %ne3A = arith.constant 0 : i32
      %ne3A_15 = arith.cmpi ne, %rem3A, %ne3A : i32
      %lt3A = arith.constant 0 : i32
      %lt3A_16 = arith.cmpi slt, %rem3A, %lt3A : i32
      %lt3A_17 = arith.constant 0 : i32
      %lt3A_18 = arith.cmpi slt, %select_n3A, %lt3A_17 : i32
      %ne3A_19 = arith.xori %lt3A_16, %lt3A_18 : i1
      %and3A = arith.andi %ne3A_19, %ne3A_15 : i1
      %add3A_20 = arith.addi %rem3A, %select_n3A : i32
      %select_n3A_21 = arith.select %and3A, %add3A_20, %rem3A : i32
      %eq3A_22 = arith.constant 0 : i32
      %eq3A_23 = arith.cmpi eq, %select_n3A_21, %eq3A_22 : i32
      %convert_element_type3A = arith.extui %eq3A_23 : i1 to i32
      %cond3A = arith.constant 0 : i32
      %cond3A_24 = arith.cmpi ne, %convert_element_type3A, %cond3A : i32
      scf.if %cond3A_24 {
        %add3A_46 = arith.constant 1 : i32
        %add3A_47 = arith.addi %scan3A_12, %add3A_46 : i32
        %lt3A_48 = arith.constant 128 : i32
        %lt3A_49 = arith.cmpi slt, %add3A_47, %lt3A_48 : i32
        %convert_element_type3A_50 = arith.extui %lt3A_49 : i1 to i32
        %cond3A_51 = arith.constant 0 : i32
        %cond3A_52 = arith.cmpi ne, %convert_element_type3A_50, %cond3A_51 : i32
        scf.if %cond3A_52 {
          %add3A_61 = arith.constant 1 : i32
          %add3A_62 = arith.addi %scan3A_12, %add3A_61 : i32
          %mul3A_63 = arith.constant 128 : i32
          %mul3A_64 = arith.muli %add3A_62, %mul3A_63 : i32
          %dma_start3A_65 = tpu.memref_slice %arg5[%mul3A_64] : memref<16384xi32, #tpu.memory_space<vmem>> -> memref<128xi32, #tpu.memory_space<vmem>>
          %dma_start3A_66 = arith.constant 0 : i32
          %dma_start3A_67 = arith.constant 0 : i32
          %dma_start3A_68 = tpu.memref_slice %arg2[%dma_start3A_66, %dma_start3A_67] : memref<32768x128xf32, #tpu.memory_space<hbm>> -> memref<32768x128xf32, #tpu.memory_space<hbm>>
          tpu.enqueue_indirect_dma source(%dma_start3A_68 : memref<32768x128xf32, #tpu.memory_space<hbm>>) target(%arg7 : memref<128x128xf32, #tpu.memory_space<vmem>>) offsets(%dma_start3A_65 : memref<128xi32, #tpu.memory_space<vmem>>) semaphore(%arg9 : memref<!tpu.dma_semaphore, #tpu.memory_space<semaphore_mem>>)
        } else {
        }
        %mul3A_53 = arith.constant 128 : i32
        %mul3A_54 = arith.muli %scan3A_12, %mul3A_53 : i32
        %dma_wait3A = tpu.memref_slice %arg5[%mul3A_54] : memref<16384xi32, #tpu.memory_space<vmem>> -> memref<128xi32, #tpu.memory_space<vmem>>
        %dma_wait3A_55 = arith.constant 0 : i32
        %dma_wait3A_56 = arith.constant 0 : i32
        %dma_wait3A_57 = tpu.memref_slice %arg2[%dma_wait3A_55, %dma_wait3A_56] : memref<32768x128xf32, #tpu.memory_space<hbm>> -> memref<32768x128xf32, #tpu.memory_space<hbm>>
        tpu.wait_indirect_dma semaphore(%arg8 : memref<!tpu.dma_semaphore, #tpu.memory_space<semaphore_mem>>) src(%dma_wait3A_57 : memref<32768x128xf32, #tpu.memory_space<hbm>>) dst(%arg6 : memref<128x128xf32, #tpu.memory_space<vmem>>)
        %mul3A_58 = arith.constant 128 : i32
        %mul3A_59 = arith.muli %scan3A_12, %mul3A_58 : i32
        %add3A_60 = arith.addi %mul3A_2, %mul3A_59 : i32
        "tpu.region"() ({
          %run_scoped3A = tpu.sem_alloc : memref<!tpu.dma_semaphore, #tpu.memory_space<semaphore_mem>>
          %dma_start3A_61 = arith.constant 0 : i32
          %dma_start3A_62 = tpu.memref_slice %arg4[%add3A_60, %dma_start3A_61] : memref<524288x128xf32, #tpu.memory_space<hbm>> -> memref<128x128xf32, #tpu.memory_space<hbm>>
          %dma_start3A_63 = arith.constant 0 : i32
          %dma_start3A_64 = tpu.memref_slice %arg4[%add3A_60, %dma_start3A_63] : memref<524288x128xf32, #tpu.memory_space<hbm>> -> memref<128x128xf32, #tpu.memory_space<hbm>>
          tpu.enqueue_dma source(%arg6 : memref<128x128xf32, #tpu.memory_space<vmem>>) target(%dma_start3A_64 : memref<128x128xf32, #tpu.memory_space<hbm>>) target_semaphore(%run_scoped3A : memref<!tpu.dma_semaphore, #tpu.memory_space<semaphore_mem>>)
          %dma_wait3A_65 = arith.constant 0 : i32
          %dma_wait3A_66 = tpu.memref_slice %arg4[%add3A_60, %dma_wait3A_65] : memref<524288x128xf32, #tpu.memory_space<hbm>> -> memref<128x128xf32, #tpu.memory_space<hbm>>
          %dma_wait3A_67 = arith.constant 0 : i32
          %dma_wait3A_68 = tpu.memref_slice %arg4[%add3A_60, %dma_wait3A_67] : memref<524288x128xf32, #tpu.memory_space<hbm>> -> memref<128x128xf32, #tpu.memory_space<hbm>>
          tpu.wait_dma2 semaphore(%run_scoped3A : memref<!tpu.dma_semaphore, #tpu.memory_space<semaphore_mem>>) src(%arg6 : memref<128x128xf32, #tpu.memory_space<vmem>>) dst(%dma_wait3A_68 : memref<128x128xf32, #tpu.memory_space<hbm>>)
          tpu.yield
        }) : () -> ()
      } else {
      }
      %jit3A_25 = arith.constant 2 : i32
      %eq3A_26 = arith.constant 0 : i32
      %eq3A_27 = arith.cmpi eq, %jit3A_25, %eq3A_26 : i32
      %jit3A_28 = arith.constant 1 : i32
      %select_n3A_29 = arith.select %eq3A_27, %jit3A_28, %jit3A_25 : i32
      %rem3A_30 = arith.remsi %scan3A_12, %select_n3A_29 : i32
      %ne3A_31 = arith.constant 0 : i32
      %ne3A_32 = arith.cmpi ne, %rem3A_30, %ne3A_31 : i32
      %lt3A_33 = arith.constant 0 : i32
      %lt3A_34 = arith.cmpi slt, %rem3A_30, %lt3A_33 : i32
      %lt3A_35 = arith.constant 0 : i32
      %lt3A_36 = arith.cmpi slt, %select_n3A_29, %lt3A_35 : i32
      %ne3A_37 = arith.xori %lt3A_34, %lt3A_36 : i1
      %and3A_38 = arith.andi %ne3A_37, %ne3A_32 : i1
      %add3A_39 = arith.addi %rem3A_30, %select_n3A_29 : i32
      %select_n3A_40 = arith.select %and3A_38, %add3A_39, %rem3A_30 : i32
      %eq3A_41 = arith.constant 1 : i32
      %eq3A_42 = arith.cmpi eq, %select_n3A_40, %eq3A_41 : i32
      %convert_element_type3A_43 = arith.extui %eq3A_42 : i1 to i32
      %cond3A_44 = arith.constant 0 : i32
      %cond3A_45 = arith.cmpi ne, %convert_element_type3A_43, %cond3A_44 : i32
      scf.if %cond3A_45 {
        %add3A_46 = arith.constant 1 : i32
        %add3A_47 = arith.addi %scan3A_12, %add3A_46 : i32
        %lt3A_48 = arith.constant 128 : i32
        %lt3A_49 = arith.cmpi slt, %add3A_47, %lt3A_48 : i32
        %convert_element_type3A_50 = arith.extui %lt3A_49 : i1 to i32
        %cond3A_51 = arith.constant 0 : i32
        %cond3A_52 = arith.cmpi ne, %convert_element_type3A_50, %cond3A_51 : i32
        scf.if %cond3A_52 {
          %add3A_61 = arith.constant 1 : i32
          %add3A_62 = arith.addi %scan3A_12, %add3A_61 : i32
          %mul3A_63 = arith.constant 128 : i32
          %mul3A_64 = arith.muli %add3A_62, %mul3A_63 : i32
          %dma_start3A_65 = tpu.memref_slice %arg5[%mul3A_64] : memref<16384xi32, #tpu.memory_space<vmem>> -> memref<128xi32, #tpu.memory_space<vmem>>
          %dma_start3A_66 = arith.constant 0 : i32
          %dma_start3A_67 = arith.constant 0 : i32
          %dma_start3A_68 = tpu.memref_slice %arg2[%dma_start3A_66, %dma_start3A_67] : memref<32768x128xf32, #tpu.memory_space<hbm>> -> memref<32768x128xf32, #tpu.memory_space<hbm>>
          tpu.enqueue_indirect_dma source(%dma_start3A_68 : memref<32768x128xf32, #tpu.memory_space<hbm>>) target(%arg6 : memref<128x128xf32, #tpu.memory_space<vmem>>) offsets(%dma_start3A_65 : memref<128xi32, #tpu.memory_space<vmem>>) semaphore(%arg8 : memref<!tpu.dma_semaphore, #tpu.memory_space<semaphore_mem>>)
        } else {
        }
        %mul3A_53 = arith.constant 128 : i32
        %mul3A_54 = arith.muli %scan3A_12, %mul3A_53 : i32
        %dma_wait3A = tpu.memref_slice %arg5[%mul3A_54] : memref<16384xi32, #tpu.memory_space<vmem>> -> memref<128xi32, #tpu.memory_space<vmem>>
        %dma_wait3A_55 = arith.constant 0 : i32
        %dma_wait3A_56 = arith.constant 0 : i32
        %dma_wait3A_57 = tpu.memref_slice %arg2[%dma_wait3A_55, %dma_wait3A_56] : memref<32768x128xf32, #tpu.memory_space<hbm>> -> memref<32768x128xf32, #tpu.memory_space<hbm>>
        tpu.wait_indirect_dma semaphore(%arg9 : memref<!tpu.dma_semaphore, #tpu.memory_space<semaphore_mem>>) src(%dma_wait3A_57 : memref<32768x128xf32, #tpu.memory_space<hbm>>) dst(%arg7 : memref<128x128xf32, #tpu.memory_space<vmem>>)
        %mul3A_58 = arith.constant 128 : i32
        %mul3A_59 = arith.muli %scan3A_12, %mul3A_58 : i32
        %add3A_60 = arith.addi %mul3A_2, %mul3A_59 : i32
        "tpu.region"() ({
          %run_scoped3A = tpu.sem_alloc : memref<!tpu.dma_semaphore, #tpu.memory_space<semaphore_mem>>
          %dma_start3A_61 = arith.constant 0 : i32
          %dma_start3A_62 = tpu.memref_slice %arg4[%add3A_60, %dma_start3A_61] : memref<524288x128xf32, #tpu.memory_space<hbm>> -> memref<128x128xf32, #tpu.memory_space<hbm>>
          %dma_start3A_63 = arith.constant 0 : i32
          %dma_start3A_64 = tpu.memref_slice %arg4[%add3A_60, %dma_start3A_63] : memref<524288x128xf32, #tpu.memory_space<hbm>> -> memref<128x128xf32, #tpu.memory_space<hbm>>
          tpu.enqueue_dma source(%arg7 : memref<128x128xf32, #tpu.memory_space<vmem>>) target(%dma_start3A_64 : memref<128x128xf32, #tpu.memory_space<hbm>>) target_semaphore(%run_scoped3A : memref<!tpu.dma_semaphore, #tpu.memory_space<semaphore_mem>>)
          %dma_wait3A_65 = arith.constant 0 : i32
          %dma_wait3A_66 = tpu.memref_slice %arg4[%add3A_60, %dma_wait3A_65] : memref<524288x128xf32, #tpu.memory_space<hbm>> -> memref<128x128xf32, #tpu.memory_space<hbm>>
          %dma_wait3A_67 = arith.constant 0 : i32
          %dma_wait3A_68 = tpu.memref_slice %arg4[%add3A_60, %dma_wait3A_67] : memref<524288x128xf32, #tpu.memory_space<hbm>> -> memref<128x128xf32, #tpu.memory_space<hbm>>
          tpu.wait_dma2 semaphore(%run_scoped3A : memref<!tpu.dma_semaphore, #tpu.memory_space<semaphore_mem>>) src(%arg7 : memref<128x128xf32, #tpu.memory_space<vmem>>) dst(%dma_wait3A_68 : memref<128x128xf32, #tpu.memory_space<hbm>>)
          tpu.yield
        }) : () -> ()
      } else {
      }
    }
    %scan3A_11 = arith.constant 128 : i32
    return
  }
}

module attributes {stable_mosaic.version = 14 : i64} {
  func.func @_stage_b_body(%arg0: i32, %arg1: i32, %arg2: memref<1x256x1xf32, #tpu.memory_space<vmem>>, %arg3: memref<1x256x1xf32, #tpu.memory_space<vmem>>, %arg4: memref<1x256x1xf32, #tpu.memory_space<vmem>>, %arg5: memref<1x1x2048xf32, #tpu.memory_space<vmem>>, %arg6: memref<1x1x2048xf32, #tpu.memory_space<vmem>>, %arg7: memref<1x1x2048xf32, #tpu.memory_space<vmem>>, %arg8: memref<256x16xi32, #tpu.memory_space<vmem>>, %arg9: memref<256x16xf32, #tpu.memory_space<vmem>>) attributes {dimension_semantics = [#tpu.dimension_semantics<arbitrary>, #tpu.dimension_semantics<arbitrary>], iteration_bounds = array<i64: 16, 8>, scalar_prefetch = 0 : i64, scratch_operands = 0 : i64, tpu.core_type = #tpu.core_type<tc>, window_params = [{transform_indices = @transform_0, window_bounds = array<i64: 1, 256, 1>}, {transform_indices = @transform_1, window_bounds = array<i64: 1, 256, 1>}, {transform_indices = @transform_2, window_bounds = array<i64: 1, 256, 1>}, {transform_indices = @transform_3, window_bounds = array<i64: 1, 1, 2048>}, {transform_indices = @transform_4, window_bounds = array<i64: 1, 1, 2048>}, {transform_indices = @transform_5, window_bounds = array<i64: 1, 1, 2048>}, {transform_indices = @transform_6, window_bounds = array<i64: 256, 16>}, {transform_indices = @transform_7, window_bounds = array<i64: 256, 16>}]} {
    %get3A = arith.constant 0 : index
    %get3A_0 = arith.constant 0 : index
    %get3A_1 = arith.constant 0 : index
    %get3A_2 = vector.load %arg2[%get3A, %get3A_0, %get3A_1] : memref<1x256x1xf32, #tpu.memory_space<vmem>>, vector<1x256x1xf32>
    %get3A_3 = vector.shape_cast %get3A_2 : vector<1x256x1xf32> to vector<256x1xf32>
    %get3A_4 = arith.constant 0 : index
    %get3A_5 = arith.constant 0 : index
    %get3A_6 = arith.constant 0 : index
    %get3A_7 = vector.load %arg5[%get3A_4, %get3A_5, %get3A_6] : memref<1x1x2048xf32, #tpu.memory_space<vmem>>, vector<1x1x2048xf32>
    %get3A_8 = vector.shape_cast %get3A_7 : vector<1x1x2048xf32> to vector<1x2048xf32>
    %sub3A = vector.broadcast %get3A_3 : vector<256x1xf32> to vector<256x2048xf32>
    %sub3A_9 = vector.broadcast %get3A_8 : vector<1x2048xf32> to vector<256x2048xf32>
    %sub3A_10 = arith.subf %sub3A, %sub3A_9 : vector<256x2048xf32>
    %get3A_11 = arith.constant 0 : index
    %get3A_12 = arith.constant 0 : index
    %get3A_13 = arith.constant 0 : index
    %get3A_14 = vector.load %arg3[%get3A_11, %get3A_12, %get3A_13] : memref<1x256x1xf32, #tpu.memory_space<vmem>>, vector<1x256x1xf32>
    %get3A_15 = vector.shape_cast %get3A_14 : vector<1x256x1xf32> to vector<256x1xf32>
    %get3A_16 = arith.constant 0 : index
    %get3A_17 = arith.constant 0 : index
    %get3A_18 = arith.constant 0 : index
    %get3A_19 = vector.load %arg6[%get3A_16, %get3A_17, %get3A_18] : memref<1x1x2048xf32, #tpu.memory_space<vmem>>, vector<1x1x2048xf32>
    %get3A_20 = vector.shape_cast %get3A_19 : vector<1x1x2048xf32> to vector<1x2048xf32>
    %sub3A_21 = vector.broadcast %get3A_15 : vector<256x1xf32> to vector<256x2048xf32>
    %sub3A_22 = vector.broadcast %get3A_20 : vector<1x2048xf32> to vector<256x2048xf32>
    %sub3A_23 = arith.subf %sub3A_21, %sub3A_22 : vector<256x2048xf32>
    %get3A_24 = arith.constant 0 : index
    %get3A_25 = arith.constant 0 : index
    %get3A_26 = arith.constant 0 : index
    %get3A_27 = vector.load %arg4[%get3A_24, %get3A_25, %get3A_26] : memref<1x256x1xf32, #tpu.memory_space<vmem>>, vector<1x256x1xf32>
    %get3A_28 = vector.shape_cast %get3A_27 : vector<1x256x1xf32> to vector<256x1xf32>
    %get3A_29 = arith.constant 0 : index
    %get3A_30 = arith.constant 0 : index
    %get3A_31 = arith.constant 0 : index
    %get3A_32 = vector.load %arg7[%get3A_29, %get3A_30, %get3A_31] : memref<1x1x2048xf32, #tpu.memory_space<vmem>>, vector<1x1x2048xf32>
    %get3A_33 = vector.shape_cast %get3A_32 : vector<1x1x2048xf32> to vector<1x2048xf32>
    %sub3A_34 = vector.broadcast %get3A_28 : vector<256x1xf32> to vector<256x2048xf32>
    %sub3A_35 = vector.broadcast %get3A_33 : vector<1x2048xf32> to vector<256x2048xf32>
    %sub3A_36 = arith.subf %sub3A_34, %sub3A_35 : vector<256x2048xf32>
    %mul3A = arith.mulf %sub3A_10, %sub3A_10 : vector<256x2048xf32>
    %mul3A_37 = arith.mulf %sub3A_23, %sub3A_23 : vector<256x2048xf32>
    %add3A = arith.addf %mul3A, %mul3A_37 : vector<256x2048xf32>
    %mul3A_38 = arith.mulf %sub3A_36, %sub3A_36 : vector<256x2048xf32>
    %add3A_39 = arith.addf %add3A, %mul3A_38 : vector<256x2048xf32>
    %le3A = arith.constant 4.000000e-02 : f32
    %le3A_40 = vector.broadcast %le3A : f32 to vector<256x2048xf32>
    %le3A_41 = arith.cmpf ole, %add3A_39, %le3A_40 : vector<256x2048xf32>
    %jit3A = arith.constant 0x7F800000 : f32
    %broadcast_in_dim3A = vector.broadcast %jit3A : f32 to vector<256x2048xf32>
    %select_n3A = arith.select %le3A_41, %add3A_39, %broadcast_in_dim3A : vector<256x2048xi1>, vector<256x2048xf32>
    %bitcast_convert_type3A = tpu.bitcast %select_n3A : vector<256x2048xf32> -> vector<256x2048xi32>
    %slice3A = vector.extract_strided_slice %bitcast_convert_type3A {offsets = [0, 0], sizes = [256, 512], strides = [1, 1]} : vector<256x2048xi32> to vector<256x512xi32>
    %and3A = arith.constant -4 : i32
    %and3A_42 = vector.broadcast %and3A : i32 to vector<256x512xi32>
    %and3A_43 = arith.andi %slice3A, %and3A_42 : vector<256x512xi32>
    %or3A = arith.constant 0 : i32
    %or3A_44 = vector.broadcast %or3A : i32 to vector<256x512xi32>
    %or3A_45 = arith.ori %and3A_43, %or3A_44 : vector<256x512xi32>
    %ge3A = arith.constant 2139095040 : i32
    %ge3A_46 = vector.broadcast %ge3A : i32 to vector<256x512xi32>
    %ge3A_47 = arith.cmpi sge, %or3A_45, %ge3A_46 : vector<256x512xi32>
    %add3A_48 = arith.constant 8388608 : i32
    %add3A_49 = vector.broadcast %add3A_48 : i32 to vector<256x512xi32>
    %add3A_50 = arith.addi %or3A_45, %add3A_49 : vector<256x512xi32>
    %jit3A_51 = arith.constant 2139095040 : i32
    %broadcast_in_dim3A_52 = vector.broadcast %jit3A_51 : i32 to vector<256x512xi32>
    %select_n3A_53 = arith.select %ge3A_47, %broadcast_in_dim3A_52, %add3A_50 : vector<256x512xi1>, vector<256x512xi32>
    %bitcast_convert_type3A_54 = tpu.bitcast %select_n3A_53 : vector<256x512xi32> -> vector<256x512xf32>
    %slice3A_55 = vector.extract_strided_slice %bitcast_convert_type3A {offsets = [0, 512], sizes = [256, 512], strides = [1, 1]} : vector<256x2048xi32> to vector<256x512xi32>
    %and3A_56 = arith.constant -4 : i32
    %and3A_57 = vector.broadcast %and3A_56 : i32 to vector<256x512xi32>
    %and3A_58 = arith.andi %slice3A_55, %and3A_57 : vector<256x512xi32>
    %or3A_59 = arith.constant 1 : i32
    %or3A_60 = vector.broadcast %or3A_59 : i32 to vector<256x512xi32>
    %or3A_61 = arith.ori %and3A_58, %or3A_60 : vector<256x512xi32>
    %ge3A_62 = arith.constant 2139095040 : i32
    %ge3A_63 = vector.broadcast %ge3A_62 : i32 to vector<256x512xi32>
    %ge3A_64 = arith.cmpi sge, %or3A_61, %ge3A_63 : vector<256x512xi32>
    %add3A_65 = arith.constant 8388608 : i32
    %add3A_66 = vector.broadcast %add3A_65 : i32 to vector<256x512xi32>
    %add3A_67 = arith.addi %or3A_61, %add3A_66 : vector<256x512xi32>
    %jit3A_68 = arith.constant 2139095040 : i32
    %broadcast_in_dim3A_69 = vector.broadcast %jit3A_68 : i32 to vector<256x512xi32>
    %select_n3A_70 = arith.select %ge3A_64, %broadcast_in_dim3A_69, %add3A_67 : vector<256x512xi1>, vector<256x512xi32>
    %bitcast_convert_type3A_71 = tpu.bitcast %select_n3A_70 : vector<256x512xi32> -> vector<256x512xf32>
    %slice3A_72 = vector.extract_strided_slice %bitcast_convert_type3A {offsets = [0, 1024], sizes = [256, 512], strides = [1, 1]} : vector<256x2048xi32> to vector<256x512xi32>
    %and3A_73 = arith.constant -4 : i32
    %and3A_74 = vector.broadcast %and3A_73 : i32 to vector<256x512xi32>
    %and3A_75 = arith.andi %slice3A_72, %and3A_74 : vector<256x512xi32>
    %or3A_76 = arith.constant 2 : i32
    %or3A_77 = vector.broadcast %or3A_76 : i32 to vector<256x512xi32>
    %or3A_78 = arith.ori %and3A_75, %or3A_77 : vector<256x512xi32>
    %ge3A_79 = arith.constant 2139095040 : i32
    %ge3A_80 = vector.broadcast %ge3A_79 : i32 to vector<256x512xi32>
    %ge3A_81 = arith.cmpi sge, %or3A_78, %ge3A_80 : vector<256x512xi32>
    %add3A_82 = arith.constant 8388608 : i32
    %add3A_83 = vector.broadcast %add3A_82 : i32 to vector<256x512xi32>
    %add3A_84 = arith.addi %or3A_78, %add3A_83 : vector<256x512xi32>
    %jit3A_85 = arith.constant 2139095040 : i32
    %broadcast_in_dim3A_86 = vector.broadcast %jit3A_85 : i32 to vector<256x512xi32>
    %select_n3A_87 = arith.select %ge3A_81, %broadcast_in_dim3A_86, %add3A_84 : vector<256x512xi1>, vector<256x512xi32>
    %bitcast_convert_type3A_88 = tpu.bitcast %select_n3A_87 : vector<256x512xi32> -> vector<256x512xf32>
    %slice3A_89 = vector.extract_strided_slice %bitcast_convert_type3A {offsets = [0, 1536], sizes = [256, 512], strides = [1, 1]} : vector<256x2048xi32> to vector<256x512xi32>
    %and3A_90 = arith.constant -4 : i32
    %and3A_91 = vector.broadcast %and3A_90 : i32 to vector<256x512xi32>
    %and3A_92 = arith.andi %slice3A_89, %and3A_91 : vector<256x512xi32>
    %or3A_93 = arith.constant 3 : i32
    %or3A_94 = vector.broadcast %or3A_93 : i32 to vector<256x512xi32>
    %or3A_95 = arith.ori %and3A_92, %or3A_94 : vector<256x512xi32>
    %ge3A_96 = arith.constant 2139095040 : i32
    %ge3A_97 = vector.broadcast %ge3A_96 : i32 to vector<256x512xi32>
    %ge3A_98 = arith.cmpi sge, %or3A_95, %ge3A_97 : vector<256x512xi32>
    %add3A_99 = arith.constant 8388608 : i32
    %add3A_100 = vector.broadcast %add3A_99 : i32 to vector<256x512xi32>
    %add3A_101 = arith.addi %or3A_95, %add3A_100 : vector<256x512xi32>
    %jit3A_102 = arith.constant 2139095040 : i32
    %broadcast_in_dim3A_103 = vector.broadcast %jit3A_102 : i32 to vector<256x512xi32>
    %select_n3A_104 = arith.select %ge3A_98, %broadcast_in_dim3A_103, %add3A_101 : vector<256x512xi1>, vector<256x512xi32>
    %bitcast_convert_type3A_105 = tpu.bitcast %select_n3A_104 : vector<256x512xi32> -> vector<256x512xf32>
    %min3A = arith.minimumf %bitcast_convert_type3A_54, %bitcast_convert_type3A_71 : vector<256x512xf32>
    %max3A = arith.maximumf %bitcast_convert_type3A_54, %bitcast_convert_type3A_71 : vector<256x512xf32>
    %min3A_106 = arith.minimumf %bitcast_convert_type3A_88, %bitcast_convert_type3A_105 : vector<256x512xf32>
    %max3A_107 = arith.maximumf %bitcast_convert_type3A_88, %bitcast_convert_type3A_105 : vector<256x512xf32>
    %min3A_108 = arith.minimumf %min3A, %min3A_106 : vector<256x512xf32>
    %max3A_109 = arith.maximumf %min3A, %min3A_106 : vector<256x512xf32>
    %min3A_110 = arith.minimumf %max3A, %max3A_107 : vector<256x512xf32>
    %max3A_111 = arith.maximumf %max3A, %max3A_107 : vector<256x512xf32>
    %min3A_112 = arith.minimumf %min3A_110, %max3A_109 : vector<256x512xf32>
    %max3A_113 = arith.maximumf %min3A_110, %max3A_109 : vector<256x512xf32>
    %iota3A = tpu.iota {dimensions = array<i32: 1>} : vector<256x512xi32>
    %reduce_min3A = arith.constant dense<0x7F800000> : vector<256xf32>
    %reduce_min3A_114 = vector.multi_reduction <minimumf>, %min3A_108, %reduce_min3A [1] : vector<256x512xf32> to vector<256xf32>
    %broadcast_in_dim3A_115 = vector.shape_cast %reduce_min3A_114 : vector<256xf32> to vector<256x1xf32>
    %eq3A = vector.broadcast %broadcast_in_dim3A_115 : vector<256x1xf32> to vector<256x512xf32>
    %eq3A_116 = arith.cmpf oeq, %min3A_108, %eq3A : vector<256x512xf32>
    %jit3A_117 = arith.constant 512 : i32
    %broadcast_in_dim3A_118 = vector.broadcast %jit3A_117 : i32 to vector<256x512xi32>
    %select_n3A_119 = arith.select %eq3A_116, %iota3A, %broadcast_in_dim3A_118 : vector<256x512xi1>, vector<256x512xi32>
    %reduce_min3A_120 = arith.constant dense<2147483647> : vector<256xi32>
    %reduce_min3A_121 = vector.multi_reduction <minsi>, %select_n3A_119, %reduce_min3A_120 [1] : vector<256x512xi32> to vector<256xi32>
    %broadcast_in_dim3A_122 = vector.shape_cast %reduce_min3A_121 : vector<256xi32> to vector<256x1xi32>
    %bitcast_convert_type3A_123 = tpu.bitcast %broadcast_in_dim3A_115 : vector<256x1xf32> -> vector<256x1xi32>
    %lt3A = arith.constant 0x7F800000 : f32
    %lt3A_124 = vector.broadcast %lt3A : f32 to vector<256x1xf32>
    %lt3A_125 = arith.cmpf olt, %broadcast_in_dim3A_115, %lt3A_124 : vector<256x1xf32>
    %min3A_126 = arith.constant 511 : i32
    %min3A_127 = vector.broadcast %min3A_126 : i32 to vector<256x1xi32>
    %min3A_128 = arith.minsi %broadcast_in_dim3A_122, %min3A_127 : vector<256x1xi32>
    %and3A_129 = arith.constant 3 : i32
    %and3A_130 = vector.broadcast %and3A_129 : i32 to vector<256x1xi32>
    %and3A_131 = arith.andi %bitcast_convert_type3A_123, %and3A_130 : vector<256x1xi32>
    %mul3A_132 = arith.constant 512 : i32
    %mul3A_133 = vector.broadcast %mul3A_132 : i32 to vector<256x1xi32>
    %mul3A_134 = arith.muli %and3A_131, %mul3A_133 : vector<256x1xi32>
    %add3A_135 = arith.addi %min3A_128, %mul3A_134 : vector<256x1xi32>
    %mul3A_136 = arith.constant 2048 : i32
    %mul3A_137 = arith.muli %arg0, %mul3A_136 : i32
    %add3A_138 = vector.broadcast %mul3A_137 : i32 to vector<256x1xi32>
    %add3A_139 = arith.addi %add3A_135, %add3A_138 : vector<256x1xi32>
    %jit3A_140 = arith.constant 0.000000e+00 : f32
    %jit3A_141 = arith.constant 0xFF800000 : f32
    %broadcast_in_dim3A_142 = vector.broadcast %jit3A_140 : f32 to vector<256x1xf32>
    %broadcast_in_dim3A_143 = vector.broadcast %jit3A_141 : f32 to vector<256x1xf32>
    %select_n3A_144 = arith.select %lt3A_125, %broadcast_in_dim3A_142, %broadcast_in_dim3A_143 : vector<256x1xi1>, vector<256x1xf32>
    %eq3A_145 = vector.broadcast %broadcast_in_dim3A_122 : vector<256x1xi32> to vector<256x512xi32>
    %eq3A_146 = arith.cmpi eq, %iota3A, %eq3A_145 : vector<256x512xi32>
    %select_n3A_147 = arith.select %eq3A_146, %min3A_112, %min3A_108 : vector<256x512xi1>, vector<256x512xf32>
    %select_n3A_148 = arith.select %eq3A_146, %max3A_113, %min3A_112 : vector<256x512xi1>, vector<256x512xf32>
    %select_n3A_149 = arith.select %eq3A_146, %max3A_111, %max3A_113 : vector<256x512xi1>, vector<256x512xf32>
    %jit3A_150 = arith.constant 0x7F800000 : f32
    %broadcast_in_dim3A_151 = vector.broadcast %jit3A_150 : f32 to vector<256x512xf32>
    %select_n3A_152 = arith.select %eq3A_146, %broadcast_in_dim3A_151, %max3A_111 : vector<256x512xi1>, vector<256x512xf32>
    %reduce_min3A_153 = arith.constant dense<0x7F800000> : vector<256xf32>
    %reduce_min3A_154 = vector.multi_reduction <minimumf>, %select_n3A_147, %reduce_min3A_153 [1] : vector<256x512xf32> to vector<256xf32>
    %broadcast_in_dim3A_155 = vector.shape_cast %reduce_min3A_154 : vector<256xf32> to vector<256x1xf32>
    %eq3A_156 = vector.broadcast %broadcast_in_dim3A_155 : vector<256x1xf32> to vector<256x512xf32>
    %eq3A_157 = arith.cmpf oeq, %select_n3A_147, %eq3A_156 : vector<256x512xf32>
    %jit3A_158 = arith.constant 512 : i32
    %broadcast_in_dim3A_159 = vector.broadcast %jit3A_158 : i32 to vector<256x512xi32>
    %select_n3A_160 = arith.select %eq3A_157, %iota3A, %broadcast_in_dim3A_159 : vector<256x512xi1>, vector<256x512xi32>
    %reduce_min3A_161 = arith.constant dense<2147483647> : vector<256xi32>
    %reduce_min3A_162 = vector.multi_reduction <minsi>, %select_n3A_160, %reduce_min3A_161 [1] : vector<256x512xi32> to vector<256xi32>
    %broadcast_in_dim3A_163 = vector.shape_cast %reduce_min3A_162 : vector<256xi32> to vector<256x1xi32>
    %bitcast_convert_type3A_164 = tpu.bitcast %broadcast_in_dim3A_155 : vector<256x1xf32> -> vector<256x1xi32>
    %lt3A_165 = arith.constant 0x7F800000 : f32
    %lt3A_166 = vector.broadcast %lt3A_165 : f32 to vector<256x1xf32>
    %lt3A_167 = arith.cmpf olt, %broadcast_in_dim3A_155, %lt3A_166 : vector<256x1xf32>
    %min3A_168 = arith.constant 511 : i32
    %min3A_169 = vector.broadcast %min3A_168 : i32 to vector<256x1xi32>
    %min3A_170 = arith.minsi %broadcast_in_dim3A_163, %min3A_169 : vector<256x1xi32>
    %and3A_171 = arith.constant 3 : i32
    %and3A_172 = vector.broadcast %and3A_171 : i32 to vector<256x1xi32>
    %and3A_173 = arith.andi %bitcast_convert_type3A_164, %and3A_172 : vector<256x1xi32>
    %mul3A_174 = arith.constant 512 : i32
    %mul3A_175 = vector.broadcast %mul3A_174 : i32 to vector<256x1xi32>
    %mul3A_176 = arith.muli %and3A_173, %mul3A_175 : vector<256x1xi32>
    %add3A_177 = arith.addi %min3A_170, %mul3A_176 : vector<256x1xi32>
    %mul3A_178 = arith.constant 2048 : i32
    %mul3A_179 = arith.muli %arg0, %mul3A_178 : i32
    %add3A_180 = vector.broadcast %mul3A_179 : i32 to vector<256x1xi32>
    %add3A_181 = arith.addi %add3A_177, %add3A_180 : vector<256x1xi32>
    %jit3A_182 = arith.constant 0.000000e+00 : f32
    %jit3A_183 = arith.constant 0xFF800000 : f32
    %broadcast_in_dim3A_184 = vector.broadcast %jit3A_182 : f32 to vector<256x1xf32>
    %broadcast_in_dim3A_185 = vector.broadcast %jit3A_183 : f32 to vector<256x1xf32>
    %select_n3A_186 = arith.select %lt3A_167, %broadcast_in_dim3A_184, %broadcast_in_dim3A_185 : vector<256x1xi1>, vector<256x1xf32>
    %eq3A_187 = vector.broadcast %broadcast_in_dim3A_163 : vector<256x1xi32> to vector<256x512xi32>
    %eq3A_188 = arith.cmpi eq, %iota3A, %eq3A_187 : vector<256x512xi32>
    %select_n3A_189 = arith.select %eq3A_188, %select_n3A_148, %select_n3A_147 : vector<256x512xi1>, vector<256x512xf32>
    %select_n3A_190 = arith.select %eq3A_188, %select_n3A_149, %select_n3A_148 : vector<256x512xi1>, vector<256x512xf32>
    %select_n3A_191 = arith.select %eq3A_188, %select_n3A_152, %select_n3A_149 : vector<256x512xi1>, vector<256x512xf32>
    %jit3A_192 = arith.constant 0x7F800000 : f32
    %broadcast_in_dim3A_193 = vector.broadcast %jit3A_192 : f32 to vector<256x512xf32>
    %select_n3A_194 = arith.select %eq3A_188, %broadcast_in_dim3A_193, %select_n3A_152 : vector<256x512xi1>, vector<256x512xf32>
    %reduce_min3A_195 = arith.constant dense<0x7F800000> : vector<256xf32>
    %reduce_min3A_196 = vector.multi_reduction <minimumf>, %select_n3A_189, %reduce_min3A_195 [1] : vector<256x512xf32> to vector<256xf32>
    %broadcast_in_dim3A_197 = vector.shape_cast %reduce_min3A_196 : vector<256xf32> to vector<256x1xf32>
    %eq3A_198 = vector.broadcast %broadcast_in_dim3A_197 : vector<256x1xf32> to vector<256x512xf32>
    %eq3A_199 = arith.cmpf oeq, %select_n3A_189, %eq3A_198 : vector<256x512xf32>
    %jit3A_200 = arith.constant 512 : i32
    %broadcast_in_dim3A_201 = vector.broadcast %jit3A_200 : i32 to vector<256x512xi32>
    %select_n3A_202 = arith.select %eq3A_199, %iota3A, %broadcast_in_dim3A_201 : vector<256x512xi1>, vector<256x512xi32>
    %reduce_min3A_203 = arith.constant dense<2147483647> : vector<256xi32>
    %reduce_min3A_204 = vector.multi_reduction <minsi>, %select_n3A_202, %reduce_min3A_203 [1] : vector<256x512xi32> to vector<256xi32>
    %broadcast_in_dim3A_205 = vector.shape_cast %reduce_min3A_204 : vector<256xi32> to vector<256x1xi32>
    %bitcast_convert_type3A_206 = tpu.bitcast %broadcast_in_dim3A_197 : vector<256x1xf32> -> vector<256x1xi32>
    %lt3A_207 = arith.constant 0x7F800000 : f32
    %lt3A_208 = vector.broadcast %lt3A_207 : f32 to vector<256x1xf32>
    %lt3A_209 = arith.cmpf olt, %broadcast_in_dim3A_197, %lt3A_208 : vector<256x1xf32>
    %min3A_210 = arith.constant 511 : i32
    %min3A_211 = vector.broadcast %min3A_210 : i32 to vector<256x1xi32>
    %min3A_212 = arith.minsi %broadcast_in_dim3A_205, %min3A_211 : vector<256x1xi32>
    %and3A_213 = arith.constant 3 : i32
    %and3A_214 = vector.broadcast %and3A_213 : i32 to vector<256x1xi32>
    %and3A_215 = arith.andi %bitcast_convert_type3A_206, %and3A_214 : vector<256x1xi32>
    %mul3A_216 = arith.constant 512 : i32
    %mul3A_217 = vector.broadcast %mul3A_216 : i32 to vector<256x1xi32>
    %mul3A_218 = arith.muli %and3A_215, %mul3A_217 : vector<256x1xi32>
    %add3A_219 = arith.addi %min3A_212, %mul3A_218 : vector<256x1xi32>
    %mul3A_220 = arith.constant 2048 : i32
    %mul3A_221 = arith.muli %arg0, %mul3A_220 : i32
    %add3A_222 = vector.broadcast %mul3A_221 : i32 to vector<256x1xi32>
    %add3A_223 = arith.addi %add3A_219, %add3A_222 : vector<256x1xi32>
    %jit3A_224 = arith.constant 0.000000e+00 : f32
    %jit3A_225 = arith.constant 0xFF800000 : f32
    %broadcast_in_dim3A_226 = vector.broadcast %jit3A_224 : f32 to vector<256x1xf32>
    %broadcast_in_dim3A_227 = vector.broadcast %jit3A_225 : f32 to vector<256x1xf32>
    %select_n3A_228 = arith.select %lt3A_209, %broadcast_in_dim3A_226, %broadcast_in_dim3A_227 : vector<256x1xi1>, vector<256x1xf32>
    %eq3A_229 = vector.broadcast %broadcast_in_dim3A_205 : vector<256x1xi32> to vector<256x512xi32>
    %eq3A_230 = arith.cmpi eq, %iota3A, %eq3A_229 : vector<256x512xi32>
    %select_n3A_231 = arith.select %eq3A_230, %select_n3A_190, %select_n3A_189 : vector<256x512xi1>, vector<256x512xf32>
    %select_n3A_232 = arith.select %eq3A_230, %select_n3A_191, %select_n3A_190 : vector<256x512xi1>, vector<256x512xf32>
    %select_n3A_233 = arith.select %eq3A_230, %select_n3A_194, %select_n3A_191 : vector<256x512xi1>, vector<256x512xf32>
    %jit3A_234 = arith.constant 0x7F800000 : f32
    %broadcast_in_dim3A_235 = vector.broadcast %jit3A_234 : f32 to vector<256x512xf32>
    %select_n3A_236 = arith.select %eq3A_230, %broadcast_in_dim3A_235, %select_n3A_194 : vector<256x512xi1>, vector<256x512xf32>
    %reduce_min3A_237 = arith.constant dense<0x7F800000> : vector<256xf32>
    %reduce_min3A_238 = vector.multi_reduction <minimumf>, %select_n3A_231, %reduce_min3A_237 [1] : vector<256x512xf32> to vector<256xf32>
    %broadcast_in_dim3A_239 = vector.shape_cast %reduce_min3A_238 : vector<256xf32> to vector<256x1xf32>
    %eq3A_240 = vector.broadcast %broadcast_in_dim3A_239 : vector<256x1xf32> to vector<256x512xf32>
    %eq3A_241 = arith.cmpf oeq, %select_n3A_231, %eq3A_240 : vector<256x512xf32>
    %jit3A_242 = arith.constant 512 : i32
    %broadcast_in_dim3A_243 = vector.broadcast %jit3A_242 : i32 to vector<256x512xi32>
    %select_n3A_244 = arith.select %eq3A_241, %iota3A, %broadcast_in_dim3A_243 : vector<256x512xi1>, vector<256x512xi32>
    %reduce_min3A_245 = arith.constant dense<2147483647> : vector<256xi32>
    %reduce_min3A_246 = vector.multi_reduction <minsi>, %select_n3A_244, %reduce_min3A_245 [1] : vector<256x512xi32> to vector<256xi32>
    %broadcast_in_dim3A_247 = vector.shape_cast %reduce_min3A_246 : vector<256xi32> to vector<256x1xi32>
    %bitcast_convert_type3A_248 = tpu.bitcast %broadcast_in_dim3A_239 : vector<256x1xf32> -> vector<256x1xi32>
    %lt3A_249 = arith.constant 0x7F800000 : f32
    %lt3A_250 = vector.broadcast %lt3A_249 : f32 to vector<256x1xf32>
    %lt3A_251 = arith.cmpf olt, %broadcast_in_dim3A_239, %lt3A_250 : vector<256x1xf32>
    %min3A_252 = arith.constant 511 : i32
    %min3A_253 = vector.broadcast %min3A_252 : i32 to vector<256x1xi32>
    %min3A_254 = arith.minsi %broadcast_in_dim3A_247, %min3A_253 : vector<256x1xi32>
    %and3A_255 = arith.constant 3 : i32
    %and3A_256 = vector.broadcast %and3A_255 : i32 to vector<256x1xi32>
    %and3A_257 = arith.andi %bitcast_convert_type3A_248, %and3A_256 : vector<256x1xi32>
    %mul3A_258 = arith.constant 512 : i32
    %mul3A_259 = vector.broadcast %mul3A_258 : i32 to vector<256x1xi32>
    %mul3A_260 = arith.muli %and3A_257, %mul3A_259 : vector<256x1xi32>
    %add3A_261 = arith.addi %min3A_254, %mul3A_260 : vector<256x1xi32>
    %mul3A_262 = arith.constant 2048 : i32
    %mul3A_263 = arith.muli %arg0, %mul3A_262 : i32
    %add3A_264 = vector.broadcast %mul3A_263 : i32 to vector<256x1xi32>
    %add3A_265 = arith.addi %add3A_261, %add3A_264 : vector<256x1xi32>
    %jit3A_266 = arith.constant 0.000000e+00 : f32
    %jit3A_267 = arith.constant 0xFF800000 : f32
    %broadcast_in_dim3A_268 = vector.broadcast %jit3A_266 : f32 to vector<256x1xf32>
    %broadcast_in_dim3A_269 = vector.broadcast %jit3A_267 : f32 to vector<256x1xf32>
    %select_n3A_270 = arith.select %lt3A_251, %broadcast_in_dim3A_268, %broadcast_in_dim3A_269 : vector<256x1xi1>, vector<256x1xf32>
    %eq3A_271 = vector.broadcast %broadcast_in_dim3A_247 : vector<256x1xi32> to vector<256x512xi32>
    %eq3A_272 = arith.cmpi eq, %iota3A, %eq3A_271 : vector<256x512xi32>
    %select_n3A_273 = arith.select %eq3A_272, %select_n3A_232, %select_n3A_231 : vector<256x512xi1>, vector<256x512xf32>
    %select_n3A_274 = arith.select %eq3A_272, %select_n3A_233, %select_n3A_232 : vector<256x512xi1>, vector<256x512xf32>
    %select_n3A_275 = arith.select %eq3A_272, %select_n3A_236, %select_n3A_233 : vector<256x512xi1>, vector<256x512xf32>
    %jit3A_276 = arith.constant 0x7F800000 : f32
    %broadcast_in_dim3A_277 = vector.broadcast %jit3A_276 : f32 to vector<256x512xf32>
    %select_n3A_278 = arith.select %eq3A_272, %broadcast_in_dim3A_277, %select_n3A_236 : vector<256x512xi1>, vector<256x512xf32>
    %reduce_min3A_279 = arith.constant dense<0x7F800000> : vector<256xf32>
    %reduce_min3A_280 = vector.multi_reduction <minimumf>, %select_n3A_273, %reduce_min3A_279 [1] : vector<256x512xf32> to vector<256xf32>
    %broadcast_in_dim3A_281 = vector.shape_cast %reduce_min3A_280 : vector<256xf32> to vector<256x1xf32>
    %eq3A_282 = vector.broadcast %broadcast_in_dim3A_281 : vector<256x1xf32> to vector<256x512xf32>
    %eq3A_283 = arith.cmpf oeq, %select_n3A_273, %eq3A_282 : vector<256x512xf32>
    %jit3A_284 = arith.constant 512 : i32
    %broadcast_in_dim3A_285 = vector.broadcast %jit3A_284 : i32 to vector<256x512xi32>
    %select_n3A_286 = arith.select %eq3A_283, %iota3A, %broadcast_in_dim3A_285 : vector<256x512xi1>, vector<256x512xi32>
    %reduce_min3A_287 = arith.constant dense<2147483647> : vector<256xi32>
    %reduce_min3A_288 = vector.multi_reduction <minsi>, %select_n3A_286, %reduce_min3A_287 [1] : vector<256x512xi32> to vector<256xi32>
    %broadcast_in_dim3A_289 = vector.shape_cast %reduce_min3A_288 : vector<256xi32> to vector<256x1xi32>
    %bitcast_convert_type3A_290 = tpu.bitcast %broadcast_in_dim3A_281 : vector<256x1xf32> -> vector<256x1xi32>
    %lt3A_291 = arith.constant 0x7F800000 : f32
    %lt3A_292 = vector.broadcast %lt3A_291 : f32 to vector<256x1xf32>
    %lt3A_293 = arith.cmpf olt, %broadcast_in_dim3A_281, %lt3A_292 : vector<256x1xf32>
    %min3A_294 = arith.constant 511 : i32
    %min3A_295 = vector.broadcast %min3A_294 : i32 to vector<256x1xi32>
    %min3A_296 = arith.minsi %broadcast_in_dim3A_289, %min3A_295 : vector<256x1xi32>
    %and3A_297 = arith.constant 3 : i32
    %and3A_298 = vector.broadcast %and3A_297 : i32 to vector<256x1xi32>
    %and3A_299 = arith.andi %bitcast_convert_type3A_290, %and3A_298 : vector<256x1xi32>
    %mul3A_300 = arith.constant 512 : i32
    %mul3A_301 = vector.broadcast %mul3A_300 : i32 to vector<256x1xi32>
    %mul3A_302 = arith.muli %and3A_299, %mul3A_301 : vector<256x1xi32>
    %add3A_303 = arith.addi %min3A_296, %mul3A_302 : vector<256x1xi32>
    %mul3A_304 = arith.constant 2048 : i32
    %mul3A_305 = arith.muli %arg0, %mul3A_304 : i32
    %add3A_306 = vector.broadcast %mul3A_305 : i32 to vector<256x1xi32>
    %add3A_307 = arith.addi %add3A_303, %add3A_306 : vector<256x1xi32>
    %jit3A_308 = arith.constant 0.000000e+00 : f32
    %jit3A_309 = arith.constant 0xFF800000 : f32
    %broadcast_in_dim3A_310 = vector.broadcast %jit3A_308 : f32 to vector<256x1xf32>
    %broadcast_in_dim3A_311 = vector.broadcast %jit3A_309 : f32 to vector<256x1xf32>
    %select_n3A_312 = arith.select %lt3A_293, %broadcast_in_dim3A_310, %broadcast_in_dim3A_311 : vector<256x1xi1>, vector<256x1xf32>
    %eq3A_313 = vector.broadcast %broadcast_in_dim3A_289 : vector<256x1xi32> to vector<256x512xi32>
    %eq3A_314 = arith.cmpi eq, %iota3A, %eq3A_313 : vector<256x512xi32>
    %select_n3A_315 = arith.select %eq3A_314, %select_n3A_274, %select_n3A_273 : vector<256x512xi1>, vector<256x512xf32>
    %select_n3A_316 = arith.select %eq3A_314, %select_n3A_275, %select_n3A_274 : vector<256x512xi1>, vector<256x512xf32>
    %select_n3A_317 = arith.select %eq3A_314, %select_n3A_278, %select_n3A_275 : vector<256x512xi1>, vector<256x512xf32>
    %jit3A_318 = arith.constant 0x7F800000 : f32
    %broadcast_in_dim3A_319 = vector.broadcast %jit3A_318 : f32 to vector<256x512xf32>
    %select_n3A_320 = arith.select %eq3A_314, %broadcast_in_dim3A_319, %select_n3A_278 : vector<256x512xi1>, vector<256x512xf32>
    %reduce_min3A_321 = arith.constant dense<0x7F800000> : vector<256xf32>
    %reduce_min3A_322 = vector.multi_reduction <minimumf>, %select_n3A_315, %reduce_min3A_321 [1] : vector<256x512xf32> to vector<256xf32>
    %broadcast_in_dim3A_323 = vector.shape_cast %reduce_min3A_322 : vector<256xf32> to vector<256x1xf32>
    %eq3A_324 = vector.broadcast %broadcast_in_dim3A_323 : vector<256x1xf32> to vector<256x512xf32>
    %eq3A_325 = arith.cmpf oeq, %select_n3A_315, %eq3A_324 : vector<256x512xf32>
    %jit3A_326 = arith.constant 512 : i32
    %broadcast_in_dim3A_327 = vector.broadcast %jit3A_326 : i32 to vector<256x512xi32>
    %select_n3A_328 = arith.select %eq3A_325, %iota3A, %broadcast_in_dim3A_327 : vector<256x512xi1>, vector<256x512xi32>
    %reduce_min3A_329 = arith.constant dense<2147483647> : vector<256xi32>
    %reduce_min3A_330 = vector.multi_reduction <minsi>, %select_n3A_328, %reduce_min3A_329 [1] : vector<256x512xi32> to vector<256xi32>
    %broadcast_in_dim3A_331 = vector.shape_cast %reduce_min3A_330 : vector<256xi32> to vector<256x1xi32>
    %bitcast_convert_type3A_332 = tpu.bitcast %broadcast_in_dim3A_323 : vector<256x1xf32> -> vector<256x1xi32>
    %lt3A_333 = arith.constant 0x7F800000 : f32
    %lt3A_334 = vector.broadcast %lt3A_333 : f32 to vector<256x1xf32>
    %lt3A_335 = arith.cmpf olt, %broadcast_in_dim3A_323, %lt3A_334 : vector<256x1xf32>
    %min3A_336 = arith.constant 511 : i32
    %min3A_337 = vector.broadcast %min3A_336 : i32 to vector<256x1xi32>
    %min3A_338 = arith.minsi %broadcast_in_dim3A_331, %min3A_337 : vector<256x1xi32>
    %and3A_339 = arith.constant 3 : i32
    %and3A_340 = vector.broadcast %and3A_339 : i32 to vector<256x1xi32>
    %and3A_341 = arith.andi %bitcast_convert_type3A_332, %and3A_340 : vector<256x1xi32>
    %mul3A_342 = arith.constant 512 : i32
    %mul3A_343 = vector.broadcast %mul3A_342 : i32 to vector<256x1xi32>
    %mul3A_344 = arith.muli %and3A_341, %mul3A_343 : vector<256x1xi32>
    %add3A_345 = arith.addi %min3A_338, %mul3A_344 : vector<256x1xi32>
    %mul3A_346 = arith.constant 2048 : i32
    %mul3A_347 = arith.muli %arg0, %mul3A_346 : i32
    %add3A_348 = vector.broadcast %mul3A_347 : i32 to vector<256x1xi32>
    %add3A_349 = arith.addi %add3A_345, %add3A_348 : vector<256x1xi32>
    %jit3A_350 = arith.constant 0.000000e+00 : f32
    %jit3A_351 = arith.constant 0xFF800000 : f32
    %broadcast_in_dim3A_352 = vector.broadcast %jit3A_350 : f32 to vector<256x1xf32>
    %broadcast_in_dim3A_353 = vector.broadcast %jit3A_351 : f32 to vector<256x1xf32>
    %select_n3A_354 = arith.select %lt3A_335, %broadcast_in_dim3A_352, %broadcast_in_dim3A_353 : vector<256x1xi1>, vector<256x1xf32>
    %eq3A_355 = vector.broadcast %broadcast_in_dim3A_331 : vector<256x1xi32> to vector<256x512xi32>
    %eq3A_356 = arith.cmpi eq, %iota3A, %eq3A_355 : vector<256x512xi32>
    %select_n3A_357 = arith.select %eq3A_356, %select_n3A_316, %select_n3A_315 : vector<256x512xi1>, vector<256x512xf32>
    %select_n3A_358 = arith.select %eq3A_356, %select_n3A_317, %select_n3A_316 : vector<256x512xi1>, vector<256x512xf32>
    %select_n3A_359 = arith.select %eq3A_356, %select_n3A_320, %select_n3A_317 : vector<256x512xi1>, vector<256x512xf32>
    %jit3A_360 = arith.constant 0x7F800000 : f32
    %broadcast_in_dim3A_361 = vector.broadcast %jit3A_360 : f32 to vector<256x512xf32>
    %select_n3A_362 = arith.select %eq3A_356, %broadcast_in_dim3A_361, %select_n3A_320 : vector<256x512xi1>, vector<256x512xf32>
    %reduce_min3A_363 = arith.constant dense<0x7F800000> : vector<256xf32>
    %reduce_min3A_364 = vector.multi_reduction <minimumf>, %select_n3A_357, %reduce_min3A_363 [1] : vector<256x512xf32> to vector<256xf32>
    %broadcast_in_dim3A_365 = vector.shape_cast %reduce_min3A_364 : vector<256xf32> to vector<256x1xf32>
    %eq3A_366 = vector.broadcast %broadcast_in_dim3A_365 : vector<256x1xf32> to vector<256x512xf32>
    %eq3A_367 = arith.cmpf oeq, %select_n3A_357, %eq3A_366 : vector<256x512xf32>
    %jit3A_368 = arith.constant 512 : i32
    %broadcast_in_dim3A_369 = vector.broadcast %jit3A_368 : i32 to vector<256x512xi32>
    %select_n3A_370 = arith.select %eq3A_367, %iota3A, %broadcast_in_dim3A_369 : vector<256x512xi1>, vector<256x512xi32>
    %reduce_min3A_371 = arith.constant dense<2147483647> : vector<256xi32>
    %reduce_min3A_372 = vector.multi_reduction <minsi>, %select_n3A_370, %reduce_min3A_371 [1] : vector<256x512xi32> to vector<256xi32>
    %broadcast_in_dim3A_373 = vector.shape_cast %reduce_min3A_372 : vector<256xi32> to vector<256x1xi32>
    %bitcast_convert_type3A_374 = tpu.bitcast %broadcast_in_dim3A_365 : vector<256x1xf32> -> vector<256x1xi32>
    %lt3A_375 = arith.constant 0x7F800000 : f32
    %lt3A_376 = vector.broadcast %lt3A_375 : f32 to vector<256x1xf32>
    %lt3A_377 = arith.cmpf olt, %broadcast_in_dim3A_365, %lt3A_376 : vector<256x1xf32>
    %min3A_378 = arith.constant 511 : i32
    %min3A_379 = vector.broadcast %min3A_378 : i32 to vector<256x1xi32>
    %min3A_380 = arith.minsi %broadcast_in_dim3A_373, %min3A_379 : vector<256x1xi32>
    %and3A_381 = arith.constant 3 : i32
    %and3A_382 = vector.broadcast %and3A_381 : i32 to vector<256x1xi32>
    %and3A_383 = arith.andi %bitcast_convert_type3A_374, %and3A_382 : vector<256x1xi32>
    %mul3A_384 = arith.constant 512 : i32
    %mul3A_385 = vector.broadcast %mul3A_384 : i32 to vector<256x1xi32>
    %mul3A_386 = arith.muli %and3A_383, %mul3A_385 : vector<256x1xi32>
    %add3A_387 = arith.addi %min3A_380, %mul3A_386 : vector<256x1xi32>
    %mul3A_388 = arith.constant 2048 : i32
    %mul3A_389 = arith.muli %arg0, %mul3A_388 : i32
    %add3A_390 = vector.broadcast %mul3A_389 : i32 to vector<256x1xi32>
    %add3A_391 = arith.addi %add3A_387, %add3A_390 : vector<256x1xi32>
    %jit3A_392 = arith.constant 0.000000e+00 : f32
    %jit3A_393 = arith.constant 0xFF800000 : f32
    %broadcast_in_dim3A_394 = vector.broadcast %jit3A_392 : f32 to vector<256x1xf32>
    %broadcast_in_dim3A_395 = vector.broadcast %jit3A_393 : f32 to vector<256x1xf32>
    %select_n3A_396 = arith.select %lt3A_377, %broadcast_in_dim3A_394, %broadcast_in_dim3A_395 : vector<256x1xi1>, vector<256x1xf32>
    %eq3A_397 = vector.broadcast %broadcast_in_dim3A_373 : vector<256x1xi32> to vector<256x512xi32>
    %eq3A_398 = arith.cmpi eq, %iota3A, %eq3A_397 : vector<256x512xi32>
    %select_n3A_399 = arith.select %eq3A_398, %select_n3A_358, %select_n3A_357 : vector<256x512xi1>, vector<256x512xf32>
    %select_n3A_400 = arith.select %eq3A_398, %select_n3A_359, %select_n3A_358 : vector<256x512xi1>, vector<256x512xf32>
    %select_n3A_401 = arith.select %eq3A_398, %select_n3A_362, %select_n3A_359 : vector<256x512xi1>, vector<256x512xf32>
    %jit3A_402 = arith.constant 0x7F800000 : f32
    %broadcast_in_dim3A_403 = vector.broadcast %jit3A_402 : f32 to vector<256x512xf32>
    %select_n3A_404 = arith.select %eq3A_398, %broadcast_in_dim3A_403, %select_n3A_362 : vector<256x512xi1>, vector<256x512xf32>
    %reduce_min3A_405 = arith.constant dense<0x7F800000> : vector<256xf32>
    %reduce_min3A_406 = vector.multi_reduction <minimumf>, %select_n3A_399, %reduce_min3A_405 [1] : vector<256x512xf32> to vector<256xf32>
    %broadcast_in_dim3A_407 = vector.shape_cast %reduce_min3A_406 : vector<256xf32> to vector<256x1xf32>
    %eq3A_408 = vector.broadcast %broadcast_in_dim3A_407 : vector<256x1xf32> to vector<256x512xf32>
    %eq3A_409 = arith.cmpf oeq, %select_n3A_399, %eq3A_408 : vector<256x512xf32>
    %jit3A_410 = arith.constant 512 : i32
    %broadcast_in_dim3A_411 = vector.broadcast %jit3A_410 : i32 to vector<256x512xi32>
    %select_n3A_412 = arith.select %eq3A_409, %iota3A, %broadcast_in_dim3A_411 : vector<256x512xi1>, vector<256x512xi32>
    %reduce_min3A_413 = arith.constant dense<2147483647> : vector<256xi32>
    %reduce_min3A_414 = vector.multi_reduction <minsi>, %select_n3A_412, %reduce_min3A_413 [1] : vector<256x512xi32> to vector<256xi32>
    %broadcast_in_dim3A_415 = vector.shape_cast %reduce_min3A_414 : vector<256xi32> to vector<256x1xi32>
    %bitcast_convert_type3A_416 = tpu.bitcast %broadcast_in_dim3A_407 : vector<256x1xf32> -> vector<256x1xi32>
    %lt3A_417 = arith.constant 0x7F800000 : f32
    %lt3A_418 = vector.broadcast %lt3A_417 : f32 to vector<256x1xf32>
    %lt3A_419 = arith.cmpf olt, %broadcast_in_dim3A_407, %lt3A_418 : vector<256x1xf32>
    %min3A_420 = arith.constant 511 : i32
    %min3A_421 = vector.broadcast %min3A_420 : i32 to vector<256x1xi32>
    %min3A_422 = arith.minsi %broadcast_in_dim3A_415, %min3A_421 : vector<256x1xi32>
    %and3A_423 = arith.constant 3 : i32
    %and3A_424 = vector.broadcast %and3A_423 : i32 to vector<256x1xi32>
    %and3A_425 = arith.andi %bitcast_convert_type3A_416, %and3A_424 : vector<256x1xi32>
    %mul3A_426 = arith.constant 512 : i32
    %mul3A_427 = vector.broadcast %mul3A_426 : i32 to vector<256x1xi32>
    %mul3A_428 = arith.muli %and3A_425, %mul3A_427 : vector<256x1xi32>
    %add3A_429 = arith.addi %min3A_422, %mul3A_428 : vector<256x1xi32>
    %mul3A_430 = arith.constant 2048 : i32
    %mul3A_431 = arith.muli %arg0, %mul3A_430 : i32
    %add3A_432 = vector.broadcast %mul3A_431 : i32 to vector<256x1xi32>
    %add3A_433 = arith.addi %add3A_429, %add3A_432 : vector<256x1xi32>
    %jit3A_434 = arith.constant 0.000000e+00 : f32
    %jit3A_435 = arith.constant 0xFF800000 : f32
    %broadcast_in_dim3A_436 = vector.broadcast %jit3A_434 : f32 to vector<256x1xf32>
    %broadcast_in_dim3A_437 = vector.broadcast %jit3A_435 : f32 to vector<256x1xf32>
    %select_n3A_438 = arith.select %lt3A_419, %broadcast_in_dim3A_436, %broadcast_in_dim3A_437 : vector<256x1xi1>, vector<256x1xf32>
    %eq3A_439 = vector.broadcast %broadcast_in_dim3A_415 : vector<256x1xi32> to vector<256x512xi32>
    %eq3A_440 = arith.cmpi eq, %iota3A, %eq3A_439 : vector<256x512xi32>
    %select_n3A_441 = arith.select %eq3A_440, %select_n3A_400, %select_n3A_399 : vector<256x512xi1>, vector<256x512xf32>
    %select_n3A_442 = arith.select %eq3A_440, %select_n3A_401, %select_n3A_400 : vector<256x512xi1>, vector<256x512xf32>
    %select_n3A_443 = arith.select %eq3A_440, %select_n3A_404, %select_n3A_401 : vector<256x512xi1>, vector<256x512xf32>
    %jit3A_444 = arith.constant 0x7F800000 : f32
    %broadcast_in_dim3A_445 = vector.broadcast %jit3A_444 : f32 to vector<256x512xf32>
    %select_n3A_446 = arith.select %eq3A_440, %broadcast_in_dim3A_445, %select_n3A_404 : vector<256x512xi1>, vector<256x512xf32>
    %reduce_min3A_447 = arith.constant dense<0x7F800000> : vector<256xf32>
    %reduce_min3A_448 = vector.multi_reduction <minimumf>, %select_n3A_441, %reduce_min3A_447 [1] : vector<256x512xf32> to vector<256xf32>
    %broadcast_in_dim3A_449 = vector.shape_cast %reduce_min3A_448 : vector<256xf32> to vector<256x1xf32>
    %eq3A_450 = vector.broadcast %broadcast_in_dim3A_449 : vector<256x1xf32> to vector<256x512xf32>
    %eq3A_451 = arith.cmpf oeq, %select_n3A_441, %eq3A_450 : vector<256x512xf32>
    %jit3A_452 = arith.constant 512 : i32
    %broadcast_in_dim3A_453 = vector.broadcast %jit3A_452 : i32 to vector<256x512xi32>
    %select_n3A_454 = arith.select %eq3A_451, %iota3A, %broadcast_in_dim3A_453 : vector<256x512xi1>, vector<256x512xi32>
    %reduce_min3A_455 = arith.constant dense<2147483647> : vector<256xi32>
    %reduce_min3A_456 = vector.multi_reduction <minsi>, %select_n3A_454, %reduce_min3A_455 [1] : vector<256x512xi32> to vector<256xi32>
    %broadcast_in_dim3A_457 = vector.shape_cast %reduce_min3A_456 : vector<256xi32> to vector<256x1xi32>
    %bitcast_convert_type3A_458 = tpu.bitcast %broadcast_in_dim3A_449 : vector<256x1xf32> -> vector<256x1xi32>
    %lt3A_459 = arith.constant 0x7F800000 : f32
    %lt3A_460 = vector.broadcast %lt3A_459 : f32 to vector<256x1xf32>
    %lt3A_461 = arith.cmpf olt, %broadcast_in_dim3A_449, %lt3A_460 : vector<256x1xf32>
    %min3A_462 = arith.constant 511 : i32
    %min3A_463 = vector.broadcast %min3A_462 : i32 to vector<256x1xi32>
    %min3A_464 = arith.minsi %broadcast_in_dim3A_457, %min3A_463 : vector<256x1xi32>
    %and3A_465 = arith.constant 3 : i32
    %and3A_466 = vector.broadcast %and3A_465 : i32 to vector<256x1xi32>
    %and3A_467 = arith.andi %bitcast_convert_type3A_458, %and3A_466 : vector<256x1xi32>
    %mul3A_468 = arith.constant 512 : i32
    %mul3A_469 = vector.broadcast %mul3A_468 : i32 to vector<256x1xi32>
    %mul3A_470 = arith.muli %and3A_467, %mul3A_469 : vector<256x1xi32>
    %add3A_471 = arith.addi %min3A_464, %mul3A_470 : vector<256x1xi32>
    %mul3A_472 = arith.constant 2048 : i32
    %mul3A_473 = arith.muli %arg0, %mul3A_472 : i32
    %add3A_474 = vector.broadcast %mul3A_473 : i32 to vector<256x1xi32>
    %add3A_475 = arith.addi %add3A_471, %add3A_474 : vector<256x1xi32>
    %jit3A_476 = arith.constant 0.000000e+00 : f32
    %jit3A_477 = arith.constant 0xFF800000 : f32
    %broadcast_in_dim3A_478 = vector.broadcast %jit3A_476 : f32 to vector<256x1xf32>
    %broadcast_in_dim3A_479 = vector.broadcast %jit3A_477 : f32 to vector<256x1xf32>
    %select_n3A_480 = arith.select %lt3A_461, %broadcast_in_dim3A_478, %broadcast_in_dim3A_479 : vector<256x1xi1>, vector<256x1xf32>
    %eq3A_481 = vector.broadcast %broadcast_in_dim3A_457 : vector<256x1xi32> to vector<256x512xi32>
    %eq3A_482 = arith.cmpi eq, %iota3A, %eq3A_481 : vector<256x512xi32>
    %select_n3A_483 = arith.select %eq3A_482, %select_n3A_442, %select_n3A_441 : vector<256x512xi1>, vector<256x512xf32>
    %select_n3A_484 = arith.select %eq3A_482, %select_n3A_443, %select_n3A_442 : vector<256x512xi1>, vector<256x512xf32>
    %select_n3A_485 = arith.select %eq3A_482, %select_n3A_446, %select_n3A_443 : vector<256x512xi1>, vector<256x512xf32>
    %jit3A_486 = arith.constant 0x7F800000 : f32
    %broadcast_in_dim3A_487 = vector.broadcast %jit3A_486 : f32 to vector<256x512xf32>
    %select_n3A_488 = arith.select %eq3A_482, %broadcast_in_dim3A_487, %select_n3A_446 : vector<256x512xi1>, vector<256x512xf32>
    %reduce_min3A_489 = arith.constant dense<0x7F800000> : vector<256xf32>
    %reduce_min3A_490 = vector.multi_reduction <minimumf>, %select_n3A_483, %reduce_min3A_489 [1] : vector<256x512xf32> to vector<256xf32>
    %broadcast_in_dim3A_491 = vector.shape_cast %reduce_min3A_490 : vector<256xf32> to vector<256x1xf32>
    %eq3A_492 = vector.broadcast %broadcast_in_dim3A_491 : vector<256x1xf32> to vector<256x512xf32>
    %eq3A_493 = arith.cmpf oeq, %select_n3A_483, %eq3A_492 : vector<256x512xf32>
    %jit3A_494 = arith.constant 512 : i32
    %broadcast_in_dim3A_495 = vector.broadcast %jit3A_494 : i32 to vector<256x512xi32>
    %select_n3A_496 = arith.select %eq3A_493, %iota3A, %broadcast_in_dim3A_495 : vector<256x512xi1>, vector<256x512xi32>
    %reduce_min3A_497 = arith.constant dense<2147483647> : vector<256xi32>
    %reduce_min3A_498 = vector.multi_reduction <minsi>, %select_n3A_496, %reduce_min3A_497 [1] : vector<256x512xi32> to vector<256xi32>
    %broadcast_in_dim3A_499 = vector.shape_cast %reduce_min3A_498 : vector<256xi32> to vector<256x1xi32>
    %bitcast_convert_type3A_500 = tpu.bitcast %broadcast_in_dim3A_491 : vector<256x1xf32> -> vector<256x1xi32>
    %lt3A_501 = arith.constant 0x7F800000 : f32
    %lt3A_502 = vector.broadcast %lt3A_501 : f32 to vector<256x1xf32>
    %lt3A_503 = arith.cmpf olt, %broadcast_in_dim3A_491, %lt3A_502 : vector<256x1xf32>
    %min3A_504 = arith.constant 511 : i32
    %min3A_505 = vector.broadcast %min3A_504 : i32 to vector<256x1xi32>
    %min3A_506 = arith.minsi %broadcast_in_dim3A_499, %min3A_505 : vector<256x1xi32>
    %and3A_507 = arith.constant 3 : i32
    %and3A_508 = vector.broadcast %and3A_507 : i32 to vector<256x1xi32>
    %and3A_509 = arith.andi %bitcast_convert_type3A_500, %and3A_508 : vector<256x1xi32>
    %mul3A_510 = arith.constant 512 : i32
    %mul3A_511 = vector.broadcast %mul3A_510 : i32 to vector<256x1xi32>
    %mul3A_512 = arith.muli %and3A_509, %mul3A_511 : vector<256x1xi32>
    %add3A_513 = arith.addi %min3A_506, %mul3A_512 : vector<256x1xi32>
    %mul3A_514 = arith.constant 2048 : i32
    %mul3A_515 = arith.muli %arg0, %mul3A_514 : i32
    %add3A_516 = vector.broadcast %mul3A_515 : i32 to vector<256x1xi32>
    %add3A_517 = arith.addi %add3A_513, %add3A_516 : vector<256x1xi32>
    %jit3A_518 = arith.constant 0.000000e+00 : f32
    %jit3A_519 = arith.constant 0xFF800000 : f32
    %broadcast_in_dim3A_520 = vector.broadcast %jit3A_518 : f32 to vector<256x1xf32>
    %broadcast_in_dim3A_521 = vector.broadcast %jit3A_519 : f32 to vector<256x1xf32>
    %select_n3A_522 = arith.select %lt3A_503, %broadcast_in_dim3A_520, %broadcast_in_dim3A_521 : vector<256x1xi1>, vector<256x1xf32>
    %eq3A_523 = vector.broadcast %broadcast_in_dim3A_499 : vector<256x1xi32> to vector<256x512xi32>
    %eq3A_524 = arith.cmpi eq, %iota3A, %eq3A_523 : vector<256x512xi32>
    %select_n3A_525 = arith.select %eq3A_524, %select_n3A_484, %select_n3A_483 : vector<256x512xi1>, vector<256x512xf32>
    %select_n3A_526 = arith.select %eq3A_524, %select_n3A_485, %select_n3A_484 : vector<256x512xi1>, vector<256x512xf32>
    %select_n3A_527 = arith.select %eq3A_524, %select_n3A_488, %select_n3A_485 : vector<256x512xi1>, vector<256x512xf32>
    %jit3A_528 = arith.constant 0x7F800000 : f32
    %broadcast_in_dim3A_529 = vector.broadcast %jit3A_528 : f32 to vector<256x512xf32>
    %select_n3A_530 = arith.select %eq3A_524, %broadcast_in_dim3A_529, %select_n3A_488 : vector<256x512xi1>, vector<256x512xf32>
    %reduce_min3A_531 = arith.constant dense<0x7F800000> : vector<256xf32>
    %reduce_min3A_532 = vector.multi_reduction <minimumf>, %select_n3A_525, %reduce_min3A_531 [1] : vector<256x512xf32> to vector<256xf32>
    %broadcast_in_dim3A_533 = vector.shape_cast %reduce_min3A_532 : vector<256xf32> to vector<256x1xf32>
    %eq3A_534 = vector.broadcast %broadcast_in_dim3A_533 : vector<256x1xf32> to vector<256x512xf32>
    %eq3A_535 = arith.cmpf oeq, %select_n3A_525, %eq3A_534 : vector<256x512xf32>
    %jit3A_536 = arith.constant 512 : i32
    %broadcast_in_dim3A_537 = vector.broadcast %jit3A_536 : i32 to vector<256x512xi32>
    %select_n3A_538 = arith.select %eq3A_535, %iota3A, %broadcast_in_dim3A_537 : vector<256x512xi1>, vector<256x512xi32>
    %reduce_min3A_539 = arith.constant dense<2147483647> : vector<256xi32>
    %reduce_min3A_540 = vector.multi_reduction <minsi>, %select_n3A_538, %reduce_min3A_539 [1] : vector<256x512xi32> to vector<256xi32>
    %broadcast_in_dim3A_541 = vector.shape_cast %reduce_min3A_540 : vector<256xi32> to vector<256x1xi32>
    %bitcast_convert_type3A_542 = tpu.bitcast %broadcast_in_dim3A_533 : vector<256x1xf32> -> vector<256x1xi32>
    %lt3A_543 = arith.constant 0x7F800000 : f32
    %lt3A_544 = vector.broadcast %lt3A_543 : f32 to vector<256x1xf32>
    %lt3A_545 = arith.cmpf olt, %broadcast_in_dim3A_533, %lt3A_544 : vector<256x1xf32>
    %min3A_546 = arith.constant 511 : i32
    %min3A_547 = vector.broadcast %min3A_546 : i32 to vector<256x1xi32>
    %min3A_548 = arith.minsi %broadcast_in_dim3A_541, %min3A_547 : vector<256x1xi32>
    %and3A_549 = arith.constant 3 : i32
    %and3A_550 = vector.broadcast %and3A_549 : i32 to vector<256x1xi32>
    %and3A_551 = arith.andi %bitcast_convert_type3A_542, %and3A_550 : vector<256x1xi32>
    %mul3A_552 = arith.constant 512 : i32
    %mul3A_553 = vector.broadcast %mul3A_552 : i32 to vector<256x1xi32>
    %mul3A_554 = arith.muli %and3A_551, %mul3A_553 : vector<256x1xi32>
    %add3A_555 = arith.addi %min3A_548, %mul3A_554 : vector<256x1xi32>
    %mul3A_556 = arith.constant 2048 : i32
    %mul3A_557 = arith.muli %arg0, %mul3A_556 : i32
    %add3A_558 = vector.broadcast %mul3A_557 : i32 to vector<256x1xi32>
    %add3A_559 = arith.addi %add3A_555, %add3A_558 : vector<256x1xi32>
    %jit3A_560 = arith.constant 0.000000e+00 : f32
    %jit3A_561 = arith.constant 0xFF800000 : f32
    %broadcast_in_dim3A_562 = vector.broadcast %jit3A_560 : f32 to vector<256x1xf32>
    %broadcast_in_dim3A_563 = vector.broadcast %jit3A_561 : f32 to vector<256x1xf32>
    %select_n3A_564 = arith.select %lt3A_545, %broadcast_in_dim3A_562, %broadcast_in_dim3A_563 : vector<256x1xi1>, vector<256x1xf32>
    %eq3A_565 = vector.broadcast %broadcast_in_dim3A_541 : vector<256x1xi32> to vector<256x512xi32>
    %eq3A_566 = arith.cmpi eq, %iota3A, %eq3A_565 : vector<256x512xi32>
    %select_n3A_567 = arith.select %eq3A_566, %select_n3A_526, %select_n3A_525 : vector<256x512xi1>, vector<256x512xf32>
    %select_n3A_568 = arith.select %eq3A_566, %select_n3A_527, %select_n3A_526 : vector<256x512xi1>, vector<256x512xf32>
    %select_n3A_569 = arith.select %eq3A_566, %select_n3A_530, %select_n3A_527 : vector<256x512xi1>, vector<256x512xf32>
    %jit3A_570 = arith.constant 0x7F800000 : f32
    %broadcast_in_dim3A_571 = vector.broadcast %jit3A_570 : f32 to vector<256x512xf32>
    %select_n3A_572 = arith.select %eq3A_566, %broadcast_in_dim3A_571, %select_n3A_530 : vector<256x512xi1>, vector<256x512xf32>
    %reduce_min3A_573 = arith.constant dense<0x7F800000> : vector<256xf32>
    %reduce_min3A_574 = vector.multi_reduction <minimumf>, %select_n3A_567, %reduce_min3A_573 [1] : vector<256x512xf32> to vector<256xf32>
    %broadcast_in_dim3A_575 = vector.shape_cast %reduce_min3A_574 : vector<256xf32> to vector<256x1xf32>
    %eq3A_576 = vector.broadcast %broadcast_in_dim3A_575 : vector<256x1xf32> to vector<256x512xf32>
    %eq3A_577 = arith.cmpf oeq, %select_n3A_567, %eq3A_576 : vector<256x512xf32>
    %jit3A_578 = arith.constant 512 : i32
    %broadcast_in_dim3A_579 = vector.broadcast %jit3A_578 : i32 to vector<256x512xi32>
    %select_n3A_580 = arith.select %eq3A_577, %iota3A, %broadcast_in_dim3A_579 : vector<256x512xi1>, vector<256x512xi32>
    %reduce_min3A_581 = arith.constant dense<2147483647> : vector<256xi32>
    %reduce_min3A_582 = vector.multi_reduction <minsi>, %select_n3A_580, %reduce_min3A_581 [1] : vector<256x512xi32> to vector<256xi32>
    %broadcast_in_dim3A_583 = vector.shape_cast %reduce_min3A_582 : vector<256xi32> to vector<256x1xi32>
    %bitcast_convert_type3A_584 = tpu.bitcast %broadcast_in_dim3A_575 : vector<256x1xf32> -> vector<256x1xi32>
    %lt3A_585 = arith.constant 0x7F800000 : f32
    %lt3A_586 = vector.broadcast %lt3A_585 : f32 to vector<256x1xf32>
    %lt3A_587 = arith.cmpf olt, %broadcast_in_dim3A_575, %lt3A_586 : vector<256x1xf32>
    %min3A_588 = arith.constant 511 : i32
    %min3A_589 = vector.broadcast %min3A_588 : i32 to vector<256x1xi32>
    %min3A_590 = arith.minsi %broadcast_in_dim3A_583, %min3A_589 : vector<256x1xi32>
    %and3A_591 = arith.constant 3 : i32
    %and3A_592 = vector.broadcast %and3A_591 : i32 to vector<256x1xi32>
    %and3A_593 = arith.andi %bitcast_convert_type3A_584, %and3A_592 : vector<256x1xi32>
    %mul3A_594 = arith.constant 512 : i32
    %mul3A_595 = vector.broadcast %mul3A_594 : i32 to vector<256x1xi32>
    %mul3A_596 = arith.muli %and3A_593, %mul3A_595 : vector<256x1xi32>
    %add3A_597 = arith.addi %min3A_590, %mul3A_596 : vector<256x1xi32>
    %mul3A_598 = arith.constant 2048 : i32
    %mul3A_599 = arith.muli %arg0, %mul3A_598 : i32
    %add3A_600 = vector.broadcast %mul3A_599 : i32 to vector<256x1xi32>
    %add3A_601 = arith.addi %add3A_597, %add3A_600 : vector<256x1xi32>
    %jit3A_602 = arith.constant 0.000000e+00 : f32
    %jit3A_603 = arith.constant 0xFF800000 : f32
    %broadcast_in_dim3A_604 = vector.broadcast %jit3A_602 : f32 to vector<256x1xf32>
    %broadcast_in_dim3A_605 = vector.broadcast %jit3A_603 : f32 to vector<256x1xf32>
    %select_n3A_606 = arith.select %lt3A_587, %broadcast_in_dim3A_604, %broadcast_in_dim3A_605 : vector<256x1xi1>, vector<256x1xf32>
    %eq3A_607 = vector.broadcast %broadcast_in_dim3A_583 : vector<256x1xi32> to vector<256x512xi32>
    %eq3A_608 = arith.cmpi eq, %iota3A, %eq3A_607 : vector<256x512xi32>
    %select_n3A_609 = arith.select %eq3A_608, %select_n3A_568, %select_n3A_567 : vector<256x512xi1>, vector<256x512xf32>
    %select_n3A_610 = arith.select %eq3A_608, %select_n3A_569, %select_n3A_568 : vector<256x512xi1>, vector<256x512xf32>
    %select_n3A_611 = arith.select %eq3A_608, %select_n3A_572, %select_n3A_569 : vector<256x512xi1>, vector<256x512xf32>
    %jit3A_612 = arith.constant 0x7F800000 : f32
    %broadcast_in_dim3A_613 = vector.broadcast %jit3A_612 : f32 to vector<256x512xf32>
    %select_n3A_614 = arith.select %eq3A_608, %broadcast_in_dim3A_613, %select_n3A_572 : vector<256x512xi1>, vector<256x512xf32>
    %reduce_min3A_615 = arith.constant dense<0x7F800000> : vector<256xf32>
    %reduce_min3A_616 = vector.multi_reduction <minimumf>, %select_n3A_609, %reduce_min3A_615 [1] : vector<256x512xf32> to vector<256xf32>
    %broadcast_in_dim3A_617 = vector.shape_cast %reduce_min3A_616 : vector<256xf32> to vector<256x1xf32>
    %eq3A_618 = vector.broadcast %broadcast_in_dim3A_617 : vector<256x1xf32> to vector<256x512xf32>
    %eq3A_619 = arith.cmpf oeq, %select_n3A_609, %eq3A_618 : vector<256x512xf32>
    %jit3A_620 = arith.constant 512 : i32
    %broadcast_in_dim3A_621 = vector.broadcast %jit3A_620 : i32 to vector<256x512xi32>
    %select_n3A_622 = arith.select %eq3A_619, %iota3A, %broadcast_in_dim3A_621 : vector<256x512xi1>, vector<256x512xi32>
    %reduce_min3A_623 = arith.constant dense<2147483647> : vector<256xi32>
    %reduce_min3A_624 = vector.multi_reduction <minsi>, %select_n3A_622, %reduce_min3A_623 [1] : vector<256x512xi32> to vector<256xi32>
    %broadcast_in_dim3A_625 = vector.shape_cast %reduce_min3A_624 : vector<256xi32> to vector<256x1xi32>
    %bitcast_convert_type3A_626 = tpu.bitcast %broadcast_in_dim3A_617 : vector<256x1xf32> -> vector<256x1xi32>
    %lt3A_627 = arith.constant 0x7F800000 : f32
    %lt3A_628 = vector.broadcast %lt3A_627 : f32 to vector<256x1xf32>
    %lt3A_629 = arith.cmpf olt, %broadcast_in_dim3A_617, %lt3A_628 : vector<256x1xf32>
    %min3A_630 = arith.constant 511 : i32
    %min3A_631 = vector.broadcast %min3A_630 : i32 to vector<256x1xi32>
    %min3A_632 = arith.minsi %broadcast_in_dim3A_625, %min3A_631 : vector<256x1xi32>
    %and3A_633 = arith.constant 3 : i32
    %and3A_634 = vector.broadcast %and3A_633 : i32 to vector<256x1xi32>
    %and3A_635 = arith.andi %bitcast_convert_type3A_626, %and3A_634 : vector<256x1xi32>
    %mul3A_636 = arith.constant 512 : i32
    %mul3A_637 = vector.broadcast %mul3A_636 : i32 to vector<256x1xi32>
    %mul3A_638 = arith.muli %and3A_635, %mul3A_637 : vector<256x1xi32>
    %add3A_639 = arith.addi %min3A_632, %mul3A_638 : vector<256x1xi32>
    %mul3A_640 = arith.constant 2048 : i32
    %mul3A_641 = arith.muli %arg0, %mul3A_640 : i32
    %add3A_642 = vector.broadcast %mul3A_641 : i32 to vector<256x1xi32>
    %add3A_643 = arith.addi %add3A_639, %add3A_642 : vector<256x1xi32>
    %jit3A_644 = arith.constant 0.000000e+00 : f32
    %jit3A_645 = arith.constant 0xFF800000 : f32
    %broadcast_in_dim3A_646 = vector.broadcast %jit3A_644 : f32 to vector<256x1xf32>
    %broadcast_in_dim3A_647 = vector.broadcast %jit3A_645 : f32 to vector<256x1xf32>
    %select_n3A_648 = arith.select %lt3A_629, %broadcast_in_dim3A_646, %broadcast_in_dim3A_647 : vector<256x1xi1>, vector<256x1xf32>
    %eq3A_649 = vector.broadcast %broadcast_in_dim3A_625 : vector<256x1xi32> to vector<256x512xi32>
    %eq3A_650 = arith.cmpi eq, %iota3A, %eq3A_649 : vector<256x512xi32>
    %select_n3A_651 = arith.select %eq3A_650, %select_n3A_610, %select_n3A_609 : vector<256x512xi1>, vector<256x512xf32>
    %select_n3A_652 = arith.select %eq3A_650, %select_n3A_611, %select_n3A_610 : vector<256x512xi1>, vector<256x512xf32>
    %select_n3A_653 = arith.select %eq3A_650, %select_n3A_614, %select_n3A_611 : vector<256x512xi1>, vector<256x512xf32>
    %reduce_min3A_654 = arith.constant dense<0x7F800000> : vector<256xf32>
    %reduce_min3A_655 = vector.multi_reduction <minimumf>, %select_n3A_651, %reduce_min3A_654 [1] : vector<256x512xf32> to vector<256xf32>
    %broadcast_in_dim3A_656 = vector.shape_cast %reduce_min3A_655 : vector<256xf32> to vector<256x1xf32>
    %eq3A_657 = vector.broadcast %broadcast_in_dim3A_656 : vector<256x1xf32> to vector<256x512xf32>
    %eq3A_658 = arith.cmpf oeq, %select_n3A_651, %eq3A_657 : vector<256x512xf32>
    %jit3A_659 = arith.constant 512 : i32
    %broadcast_in_dim3A_660 = vector.broadcast %jit3A_659 : i32 to vector<256x512xi32>
    %select_n3A_661 = arith.select %eq3A_658, %iota3A, %broadcast_in_dim3A_660 : vector<256x512xi1>, vector<256x512xi32>
    %reduce_min3A_662 = arith.constant dense<2147483647> : vector<256xi32>
    %reduce_min3A_663 = vector.multi_reduction <minsi>, %select_n3A_661, %reduce_min3A_662 [1] : vector<256x512xi32> to vector<256xi32>
    %broadcast_in_dim3A_664 = vector.shape_cast %reduce_min3A_663 : vector<256xi32> to vector<256x1xi32>
    %bitcast_convert_type3A_665 = tpu.bitcast %broadcast_in_dim3A_656 : vector<256x1xf32> -> vector<256x1xi32>
    %lt3A_666 = arith.constant 0x7F800000 : f32
    %lt3A_667 = vector.broadcast %lt3A_666 : f32 to vector<256x1xf32>
    %lt3A_668 = arith.cmpf olt, %broadcast_in_dim3A_656, %lt3A_667 : vector<256x1xf32>
    %min3A_669 = arith.constant 511 : i32
    %min3A_670 = vector.broadcast %min3A_669 : i32 to vector<256x1xi32>
    %min3A_671 = arith.minsi %broadcast_in_dim3A_664, %min3A_670 : vector<256x1xi32>
    %and3A_672 = arith.constant 3 : i32
    %and3A_673 = vector.broadcast %and3A_672 : i32 to vector<256x1xi32>
    %and3A_674 = arith.andi %bitcast_convert_type3A_665, %and3A_673 : vector<256x1xi32>
    %mul3A_675 = arith.constant 512 : i32
    %mul3A_676 = vector.broadcast %mul3A_675 : i32 to vector<256x1xi32>
    %mul3A_677 = arith.muli %and3A_674, %mul3A_676 : vector<256x1xi32>
    %add3A_678 = arith.addi %min3A_671, %mul3A_677 : vector<256x1xi32>
    %mul3A_679 = arith.constant 2048 : i32
    %mul3A_680 = arith.muli %arg0, %mul3A_679 : i32
    %add3A_681 = vector.broadcast %mul3A_680 : i32 to vector<256x1xi32>
    %add3A_682 = arith.addi %add3A_678, %add3A_681 : vector<256x1xi32>
    %jit3A_683 = arith.constant 0.000000e+00 : f32
    %jit3A_684 = arith.constant 0xFF800000 : f32
    %broadcast_in_dim3A_685 = vector.broadcast %jit3A_683 : f32 to vector<256x1xf32>
    %broadcast_in_dim3A_686 = vector.broadcast %jit3A_684 : f32 to vector<256x1xf32>
    %select_n3A_687 = arith.select %lt3A_668, %broadcast_in_dim3A_685, %broadcast_in_dim3A_686 : vector<256x1xi1>, vector<256x1xf32>
    %eq3A_688 = vector.broadcast %broadcast_in_dim3A_664 : vector<256x1xi32> to vector<256x512xi32>
    %eq3A_689 = arith.cmpi eq, %iota3A, %eq3A_688 : vector<256x512xi32>
    %select_n3A_690 = arith.select %eq3A_689, %select_n3A_652, %select_n3A_651 : vector<256x512xi1>, vector<256x512xf32>
    %select_n3A_691 = arith.select %eq3A_689, %select_n3A_653, %select_n3A_652 : vector<256x512xi1>, vector<256x512xf32>
    %reduce_min3A_692 = arith.constant dense<0x7F800000> : vector<256xf32>
    %reduce_min3A_693 = vector.multi_reduction <minimumf>, %select_n3A_690, %reduce_min3A_692 [1] : vector<256x512xf32> to vector<256xf32>
    %broadcast_in_dim3A_694 = vector.shape_cast %reduce_min3A_693 : vector<256xf32> to vector<256x1xf32>
    %eq3A_695 = vector.broadcast %broadcast_in_dim3A_694 : vector<256x1xf32> to vector<256x512xf32>
    %eq3A_696 = arith.cmpf oeq, %select_n3A_690, %eq3A_695 : vector<256x512xf32>
    %jit3A_697 = arith.constant 512 : i32
    %broadcast_in_dim3A_698 = vector.broadcast %jit3A_697 : i32 to vector<256x512xi32>
    %select_n3A_699 = arith.select %eq3A_696, %iota3A, %broadcast_in_dim3A_698 : vector<256x512xi1>, vector<256x512xi32>
    %reduce_min3A_700 = arith.constant dense<2147483647> : vector<256xi32>
    %reduce_min3A_701 = vector.multi_reduction <minsi>, %select_n3A_699, %reduce_min3A_700 [1] : vector<256x512xi32> to vector<256xi32>
    %broadcast_in_dim3A_702 = vector.shape_cast %reduce_min3A_701 : vector<256xi32> to vector<256x1xi32>
    %bitcast_convert_type3A_703 = tpu.bitcast %broadcast_in_dim3A_694 : vector<256x1xf32> -> vector<256x1xi32>
    %lt3A_704 = arith.constant 0x7F800000 : f32
    %lt3A_705 = vector.broadcast %lt3A_704 : f32 to vector<256x1xf32>
    %lt3A_706 = arith.cmpf olt, %broadcast_in_dim3A_694, %lt3A_705 : vector<256x1xf32>
    %min3A_707 = arith.constant 511 : i32
    %min3A_708 = vector.broadcast %min3A_707 : i32 to vector<256x1xi32>
    %min3A_709 = arith.minsi %broadcast_in_dim3A_702, %min3A_708 : vector<256x1xi32>
    %and3A_710 = arith.constant 3 : i32
    %and3A_711 = vector.broadcast %and3A_710 : i32 to vector<256x1xi32>
    %and3A_712 = arith.andi %bitcast_convert_type3A_703, %and3A_711 : vector<256x1xi32>
    %mul3A_713 = arith.constant 512 : i32
    %mul3A_714 = vector.broadcast %mul3A_713 : i32 to vector<256x1xi32>
    %mul3A_715 = arith.muli %and3A_712, %mul3A_714 : vector<256x1xi32>
    %add3A_716 = arith.addi %min3A_709, %mul3A_715 : vector<256x1xi32>
    %mul3A_717 = arith.constant 2048 : i32
    %mul3A_718 = arith.muli %arg0, %mul3A_717 : i32
    %add3A_719 = vector.broadcast %mul3A_718 : i32 to vector<256x1xi32>
    %add3A_720 = arith.addi %add3A_716, %add3A_719 : vector<256x1xi32>
    %jit3A_721 = arith.constant 0.000000e+00 : f32
    %jit3A_722 = arith.constant 0xFF800000 : f32
    %broadcast_in_dim3A_723 = vector.broadcast %jit3A_721 : f32 to vector<256x1xf32>
    %broadcast_in_dim3A_724 = vector.broadcast %jit3A_722 : f32 to vector<256x1xf32>
    %select_n3A_725 = arith.select %lt3A_706, %broadcast_in_dim3A_723, %broadcast_in_dim3A_724 : vector<256x1xi1>, vector<256x1xf32>
    %eq3A_726 = vector.broadcast %broadcast_in_dim3A_702 : vector<256x1xi32> to vector<256x512xi32>
    %eq3A_727 = arith.cmpi eq, %iota3A, %eq3A_726 : vector<256x512xi32>
    %select_n3A_728 = arith.select %eq3A_727, %select_n3A_691, %select_n3A_690 : vector<256x512xi1>, vector<256x512xf32>
    %reduce_min3A_729 = arith.constant dense<0x7F800000> : vector<256xf32>
    %reduce_min3A_730 = vector.multi_reduction <minimumf>, %select_n3A_728, %reduce_min3A_729 [1] : vector<256x512xf32> to vector<256xf32>
    %broadcast_in_dim3A_731 = vector.shape_cast %reduce_min3A_730 : vector<256xf32> to vector<256x1xf32>
    %eq3A_732 = vector.broadcast %broadcast_in_dim3A_731 : vector<256x1xf32> to vector<256x512xf32>
    %eq3A_733 = arith.cmpf oeq, %select_n3A_728, %eq3A_732 : vector<256x512xf32>
    %jit3A_734 = arith.constant 512 : i32
    %broadcast_in_dim3A_735 = vector.broadcast %jit3A_734 : i32 to vector<256x512xi32>
    %select_n3A_736 = arith.select %eq3A_733, %iota3A, %broadcast_in_dim3A_735 : vector<256x512xi1>, vector<256x512xi32>
    %reduce_min3A_737 = arith.constant dense<2147483647> : vector<256xi32>
    %reduce_min3A_738 = vector.multi_reduction <minsi>, %select_n3A_736, %reduce_min3A_737 [1] : vector<256x512xi32> to vector<256xi32>
    %broadcast_in_dim3A_739 = vector.shape_cast %reduce_min3A_738 : vector<256xi32> to vector<256x1xi32>
    %bitcast_convert_type3A_740 = tpu.bitcast %broadcast_in_dim3A_731 : vector<256x1xf32> -> vector<256x1xi32>
    %lt3A_741 = arith.constant 0x7F800000 : f32
    %lt3A_742 = vector.broadcast %lt3A_741 : f32 to vector<256x1xf32>
    %lt3A_743 = arith.cmpf olt, %broadcast_in_dim3A_731, %lt3A_742 : vector<256x1xf32>
    %min3A_744 = arith.constant 511 : i32
    %min3A_745 = vector.broadcast %min3A_744 : i32 to vector<256x1xi32>
    %min3A_746 = arith.minsi %broadcast_in_dim3A_739, %min3A_745 : vector<256x1xi32>
    %and3A_747 = arith.constant 3 : i32
    %and3A_748 = vector.broadcast %and3A_747 : i32 to vector<256x1xi32>
    %and3A_749 = arith.andi %bitcast_convert_type3A_740, %and3A_748 : vector<256x1xi32>
    %mul3A_750 = arith.constant 512 : i32
    %mul3A_751 = vector.broadcast %mul3A_750 : i32 to vector<256x1xi32>
    %mul3A_752 = arith.muli %and3A_749, %mul3A_751 : vector<256x1xi32>
    %add3A_753 = arith.addi %min3A_746, %mul3A_752 : vector<256x1xi32>
    %mul3A_754 = arith.constant 2048 : i32
    %mul3A_755 = arith.muli %arg0, %mul3A_754 : i32
    %add3A_756 = vector.broadcast %mul3A_755 : i32 to vector<256x1xi32>
    %add3A_757 = arith.addi %add3A_753, %add3A_756 : vector<256x1xi32>
    %jit3A_758 = arith.constant 0.000000e+00 : f32
    %jit3A_759 = arith.constant 0xFF800000 : f32
    %broadcast_in_dim3A_760 = vector.broadcast %jit3A_758 : f32 to vector<256x1xf32>
    %broadcast_in_dim3A_761 = vector.broadcast %jit3A_759 : f32 to vector<256x1xf32>
    %select_n3A_762 = arith.select %lt3A_743, %broadcast_in_dim3A_760, %broadcast_in_dim3A_761 : vector<256x1xi1>, vector<256x1xf32>
    %concatenate3A = tpu.concatenate %add3A_139, %add3A_181, %add3A_223, %add3A_265, %add3A_307, %add3A_349, %add3A_391, %add3A_433, %add3A_475, %add3A_517, %add3A_559, %add3A_601, %add3A_643, %add3A_682, %add3A_720, %add3A_757 in 1 : vector<256x1xi32>, vector<256x1xi32>, vector<256x1xi32>, vector<256x1xi32>, vector<256x1xi32>, vector<256x1xi32>, vector<256x1xi32>, vector<256x1xi32>, vector<256x1xi32>, vector<256x1xi32>, vector<256x1xi32>, vector<256x1xi32>, vector<256x1xi32>, vector<256x1xi32>, vector<256x1xi32>, vector<256x1xi32> -> vector<256x16xi32>
    %swap3A = arith.constant 0 : index
    %swap3A_763 = arith.constant 0 : index
    %swap3A_764 = vector.load %arg8[%swap3A, %swap3A_763] : memref<256x16xi32, #tpu.memory_space<vmem>>, vector<256x16xi32>
    tpu.vector_store %arg8[%swap3A, %swap3A_763], %concatenate3A {strides = array<i32>} : memref<256x16xi32, #tpu.memory_space<vmem>>, vector<256x16xi32>,
    %concatenate3A_765 = tpu.concatenate %select_n3A_144, %select_n3A_186, %select_n3A_228, %select_n3A_270, %select_n3A_312, %select_n3A_354, %select_n3A_396, %select_n3A_438, %select_n3A_480, %select_n3A_522, %select_n3A_564, %select_n3A_606, %select_n3A_648, %select_n3A_687, %select_n3A_725, %select_n3A_762 in 1 : vector<256x1xf32>, vector<256x1xf32>, vector<256x1xf32>, vector<256x1xf32>, vector<256x1xf32>, vector<256x1xf32>, vector<256x1xf32>, vector<256x1xf32>, vector<256x1xf32>, vector<256x1xf32>, vector<256x1xf32>, vector<256x1xf32>, vector<256x1xf32>, vector<256x1xf32>, vector<256x1xf32>, vector<256x1xf32> -> vector<256x16xf32>
    %swap3A_766 = arith.constant 0 : index
    %swap3A_767 = arith.constant 0 : index
    %swap3A_768 = vector.load %arg9[%swap3A_766, %swap3A_767] : memref<256x16xf32, #tpu.memory_space<vmem>>, vector<256x16xf32>
    tpu.vector_store %arg9[%swap3A_766, %swap3A_767], %concatenate3A_765 {strides = array<i32>} : memref<256x16xf32, #tpu.memory_space<vmem>>, vector<256x16xf32>,
    return
  }
  func.func @transform_0(%arg0: i32, %arg1: i32) -> (i32, i32, i32) {
    %mul3A = arith.constant 8 : i32
    %mul3A_0 = arith.muli %arg0, %mul3A : i32
    %add3A = arith.addi %mul3A_0, %arg1 : i32
    %c0_i32 = arith.constant 0 : i32
    %c0_i32_1 = arith.constant 0 : i32
    %c0_i32_2 = arith.constant 0 : i32
    return %add3A, %c0_i32, %c0_i32_1 : i32, i32, i32
  }
  func.func @transform_1(%arg0: i32, %arg1: i32) -> (i32, i32, i32) {
    %mul3A = arith.constant 8 : i32
    %mul3A_0 = arith.muli %arg0, %mul3A : i32
    %add3A = arith.addi %mul3A_0, %arg1 : i32
    %c0_i32 = arith.constant 0 : i32
    %c0_i32_1 = arith.constant 0 : i32
    %c0_i32_2 = arith.constant 0 : i32
    return %add3A, %c0_i32, %c0_i32_1 : i32, i32, i32
  }
  func.func @transform_2(%arg0: i32, %arg1: i32) -> (i32, i32, i32) {
    %mul3A = arith.constant 8 : i32
    %mul3A_0 = arith.muli %arg0, %mul3A : i32
    %add3A = arith.addi %mul3A_0, %arg1 : i32
    %c0_i32 = arith.constant 0 : i32
    %c0_i32_1 = arith.constant 0 : i32
    %c0_i32_2 = arith.constant 0 : i32
    return %add3A, %c0_i32, %c0_i32_1 : i32, i32, i32
  }
  func.func @transform_3(%arg0: i32, %arg1: i32) -> (i32, i32, i32) {
    %c0_i32 = arith.constant 0 : i32
    %c0_i32_0 = arith.constant 0 : i32
    %c0_i32_1 = arith.constant 0 : i32
    return %arg0, %c0_i32, %c0_i32_0 : i32, i32, i32
  }
  func.func @transform_4(%arg0: i32, %arg1: i32) -> (i32, i32, i32) {
    %c0_i32 = arith.constant 0 : i32
    %c0_i32_0 = arith.constant 0 : i32
    %c0_i32_1 = arith.constant 0 : i32
    return %arg0, %c0_i32, %c0_i32_0 : i32, i32, i32
  }
  func.func @transform_5(%arg0: i32, %arg1: i32) -> (i32, i32, i32) {
    %c0_i32 = arith.constant 0 : i32
    %c0_i32_0 = arith.constant 0 : i32
    %c0_i32_1 = arith.constant 0 : i32
    return %arg0, %c0_i32, %c0_i32_0 : i32, i32, i32
  }
  func.func @transform_6(%arg0: i32, %arg1: i32) -> (i32, i32) {
    %mul3A = arith.constant 8 : i32
    %mul3A_0 = arith.muli %arg0, %mul3A : i32
    %add3A = arith.addi %mul3A_0, %arg1 : i32
    %c0_i32 = arith.constant 0 : i32
    %c0_i32_1 = arith.constant 0 : i32
    return %add3A, %c0_i32 : i32, i32
  }
  func.func @transform_7(%arg0: i32, %arg1: i32) -> (i32, i32) {
    %mul3A = arith.constant 8 : i32
    %mul3A_0 = arith.muli %arg0, %mul3A : i32
    %add3A = arith.addi %mul3A_0, %arg1 : i32
    %c0_i32 = arith.constant 0 : i32
    %c0_i32_1 = arith.constant 0 : i32
    return %add3A, %c0_i32 : i32, i32
  }
}

module attributes {stable_mosaic.version = 14 : i64} {
  func.func @_stage_a_body(%arg0: i32, %arg1: memref<256x128xf32, #tpu.memory_space<vmem>>, %arg2: memref<256x1xf32, #tpu.memory_space<vmem>>, %arg3: memref<256x1xf32, #tpu.memory_space<vmem>>, %arg4: memref<256x1xf32, #tpu.memory_space<vmem>>, %arg5: memref<256x1xi32, #tpu.memory_space<vmem>>, %arg6: memref<128x128xf32, #tpu.memory_space<vmem>>, %arg7: memref<8x128xf32, #tpu.memory_space<vmem>>, %arg8: memref<1x128xf32, #tpu.memory_space<vmem>>, %arg9: memref<256x128xf32, #tpu.memory_space<vmem>>, %arg10: memref<256x128xf32, #tpu.memory_space<vmem>>, %arg11: memref<256x1xi32, #tpu.memory_space<vmem>>) attributes {dimension_semantics = [#tpu.dimension_semantics<arbitrary>], iteration_bounds = array<i64: 128>, scalar_prefetch = 0 : i64, scratch_operands = 0 : i64, tpu.core_type = #tpu.core_type<tc>, window_params = [{transform_indices = @transform_0, window_bounds = array<i64: 256, 128>}, {transform_indices = @transform_1, window_bounds = array<i64: 256, 1>}, {transform_indices = @transform_2, window_bounds = array<i64: 256, 1>}, {transform_indices = @transform_3, window_bounds = array<i64: 256, 1>}, {transform_indices = @transform_4, window_bounds = array<i64: 256, 1>}, {pipeline_mode = #tpu.pipeline_mode<synchronous>, transform_indices = @transform_5, window_bounds = array<i64: 128, 128>}, {pipeline_mode = #tpu.pipeline_mode<synchronous>, transform_indices = @transform_6, window_bounds = array<i64: 8, 128>}, {pipeline_mode = #tpu.pipeline_mode<synchronous>, transform_indices = @transform_7, window_bounds = array<i64: 1, 128>}, {transform_indices = @transform_8, window_bounds = array<i64: 256, 128>}, {transform_indices = @transform_9, window_bounds = array<i64: 256, 128>}, {transform_indices = @transform_10, window_bounds = array<i64: 256, 1>}]} {
    %get3A = arith.constant 0 : index
    %get3A_0 = arith.constant 0 : index
    %get3A_1 = vector.load %arg2[%get3A, %get3A_0] : memref<256x1xf32, #tpu.memory_space<vmem>>, vector<256x1xf32>
    %get3A_2 = arith.constant 0 : index
    %get3A_3 = arith.constant 0 : index
    %get3A_4 = vector.load %arg3[%get3A_2, %get3A_3] : memref<256x1xf32, #tpu.memory_space<vmem>>, vector<256x1xf32>
    %get3A_5 = arith.constant 0 : index
    %get3A_6 = arith.constant 0 : index
    %get3A_7 = vector.load %arg4[%get3A_5, %get3A_6] : memref<256x1xf32, #tpu.memory_space<vmem>>, vector<256x1xf32>
    %get3A_8 = arith.constant 0 : index
    %get3A_9 = arith.constant 0 : index
    %get3A_10 = vector.load %arg7[%get3A_8, %get3A_9] : memref<8x128xf32, #tpu.memory_space<vmem>>, vector<1x128xf32>
    %mul3A = vector.broadcast %get3A_1 : vector<256x1xf32> to vector<256x128xf32>
    %mul3A_11 = vector.broadcast %get3A_10 : vector<1x128xf32> to vector<256x128xf32>
    %mul3A_12 = arith.mulf %mul3A, %mul3A_11 : vector<256x128xf32>
    %get3A_13 = arith.constant 1 : index
    %get3A_14 = arith.constant 0 : index
    %get3A_15 = vector.load %arg7[%get3A_13, %get3A_14] : memref<8x128xf32, #tpu.memory_space<vmem>>, vector<1x128xf32>
    %mul3A_16 = vector.broadcast %get3A_4 : vector<256x1xf32> to vector<256x128xf32>
    %mul3A_17 = vector.broadcast %get3A_15 : vector<1x128xf32> to vector<256x128xf32>
    %mul3A_18 = arith.mulf %mul3A_16, %mul3A_17 : vector<256x128xf32>
    %add3A = arith.addf %mul3A_12, %mul3A_18 : vector<256x128xf32>
    %get3A_19 = arith.constant 2 : index
    %get3A_20 = arith.constant 0 : index
    %get3A_21 = vector.load %arg7[%get3A_19, %get3A_20] : memref<8x128xf32, #tpu.memory_space<vmem>>, vector<1x128xf32>
    %mul3A_22 = vector.broadcast %get3A_7 : vector<256x1xf32> to vector<256x128xf32>
    %mul3A_23 = vector.broadcast %get3A_21 : vector<1x128xf32> to vector<256x128xf32>
    %mul3A_24 = arith.mulf %mul3A_22, %mul3A_23 : vector<256x128xf32>
    %add3A_25 = arith.addf %add3A, %mul3A_24 : vector<256x128xf32>
    %get3A_26 = arith.constant 0 : index
    %get3A_27 = arith.constant 0 : index
    %get3A_28 = vector.load %arg1[%get3A_26, %get3A_27] : memref<256x128xf32, #tpu.memory_space<vmem>>, vector<256x128xf32>
    %get3A_29 = arith.constant 0 : index
    %get3A_30 = arith.constant 0 : index
    %get3A_31 = vector.load %arg6[%get3A_29, %get3A_30] : memref<128x128xf32, #tpu.memory_space<vmem>>, vector<128x128xf32>
    %dot_general3A = arith.constant dense<0.000000e+00> : vector<256x128xf32>
    %dot_general3A_32 = tpu.matmul %get3A_28, %get3A_31, %dot_general3A {dimension_numbers = #tpu.dot_dimension_numbers<[1], [0], [0], [1], [0, 0, 1, 1], [], []>, transpose_lhs_hint = false} : vector<256x128xf32>, vector<128x128xf32>, vector<256x128xf32> -> vector<256x128xf32>
    %add3A_33 = arith.addf %dot_general3A_32, %add3A_25 : vector<256x128xf32>
    %get3A_34 = arith.constant 0 : index
    %get3A_35 = arith.constant 0 : index
    %get3A_36 = vector.load %arg8[%get3A_34, %get3A_35] : memref<1x128xf32, #tpu.memory_space<vmem>>, vector<1x128xf32>
    %add3A_37 = vector.broadcast %get3A_36 : vector<1x128xf32> to vector<256x128xf32>
    %add3A_38 = arith.addf %add3A_33, %add3A_37 : vector<256x128xf32>
    %swap3A = arith.constant 0 : index
    %swap3A_39 = arith.constant 0 : index
    %swap3A_40 = vector.load %arg9[%swap3A, %swap3A_39] : memref<256x128xf32, #tpu.memory_space<vmem>>, vector<256x128xf32>
    tpu.vector_store %arg9[%swap3A, %swap3A_39], %add3A_38 {strides = array<i32>} : memref<256x128xf32, #tpu.memory_space<vmem>>, vector<256x128xf32>,
    %swap3A_41 = arith.constant 0 : index
    %swap3A_42 = arith.constant 0 : index
    %swap3A_43 = vector.load %arg10[%swap3A_41, %swap3A_42] : memref<256x128xf32, #tpu.memory_space<vmem>>, vector<256x128xf32>
    tpu.vector_store %arg10[%swap3A_41, %swap3A_42], %add3A_25 {strides = array<i32>} : memref<256x128xf32, #tpu.memory_space<vmem>>, vector<256x128xf32>,
    %mul3A_44 = arith.constant 6.400000e+01 : f32
    %mul3A_45 = vector.broadcast %mul3A_44 : f32 to vector<256x1xf32>
    %mul3A_46 = arith.mulf %get3A_4, %mul3A_45 : vector<256x1xf32>
    %convert_element_type3A = arith.fptosi %mul3A_46 : vector<256x1xf32> to vector<256x1xi32>
    %jit3A = arith.constant 0 : i32
    %jit3A_47 = arith.constant 63 : i32
    %max3A = vector.broadcast %jit3A : i32 to vector<256x1xi32>
    %max3A_48 = arith.maxsi %max3A, %convert_element_type3A : vector<256x1xi32>
    %min3A = vector.broadcast %jit3A_47 : i32 to vector<256x1xi32>
    %min3A_49 = arith.minsi %min3A, %max3A_48 : vector<256x1xi32>
    %mul3A_50 = arith.constant 6.400000e+01 : f32
    %mul3A_51 = vector.broadcast %mul3A_50 : f32 to vector<256x1xf32>
    %mul3A_52 = arith.mulf %get3A_1, %mul3A_51 : vector<256x1xf32>
    %convert_element_type3A_53 = arith.fptosi %mul3A_52 : vector<256x1xf32> to vector<256x1xi32>
    %jit3A_54 = arith.constant 0 : i32
    %jit3A_55 = arith.constant 63 : i32
    %max3A_56 = vector.broadcast %jit3A_54 : i32 to vector<256x1xi32>
    %max3A_57 = arith.maxsi %max3A_56, %convert_element_type3A_53 : vector<256x1xi32>
    %min3A_58 = vector.broadcast %jit3A_55 : i32 to vector<256x1xi32>
    %min3A_59 = arith.minsi %min3A_58, %max3A_57 : vector<256x1xi32>
    %get3A_60 = arith.constant 0 : index
    %get3A_61 = arith.constant 0 : index
    %get3A_62 = vector.load %arg5[%get3A_60, %get3A_61] : memref<256x1xi32, #tpu.memory_space<vmem>>, vector<256x1xi32>
    %mul3A_63 = arith.constant 4096 : i32
    %mul3A_64 = vector.broadcast %mul3A_63 : i32 to vector<256x1xi32>
    %mul3A_65 = arith.muli %get3A_62, %mul3A_64 : vector<256x1xi32>
    %mul3A_66 = arith.constant 64 : i32
    %mul3A_67 = vector.broadcast %mul3A_66 : i32 to vector<256x1xi32>
    %mul3A_68 = arith.muli %min3A_49, %mul3A_67 : vector<256x1xi32>
    %add3A_69 = arith.addi %mul3A_65, %mul3A_68 : vector<256x1xi32>
    %add3A_70 = arith.addi %add3A_69, %min3A_59 : vector<256x1xi32>
    %swap3A_71 = arith.constant 0 : index
    %swap3A_72 = arith.constant 0 : index
    %swap3A_73 = vector.load %arg11[%swap3A_71, %swap3A_72] : memref<256x1xi32, #tpu.memory_space<vmem>>, vector<256x1xi32>
    tpu.vector_store %arg11[%swap3A_71, %swap3A_72], %add3A_70 {strides = array<i32>} : memref<256x1xi32, #tpu.memory_space<vmem>>, vector<256x1xi32>,
    return
  }
  func.func @transform_0(%arg0: i32) -> (i32, i32) {
    %c0_i32 = arith.constant 0 : i32
    %c0_i32_0 = arith.constant 0 : i32
    return %arg0, %c0_i32 : i32, i32
  }
  func.func @transform_1(%arg0: i32) -> (i32, i32) {
    %c0_i32 = arith.constant 0 : i32
    %c0_i32_0 = arith.constant 0 : i32
    return %arg0, %c0_i32 : i32, i32
  }
  func.func @transform_2(%arg0: i32) -> (i32, i32) {
    %c0_i32 = arith.constant 0 : i32
    %c0_i32_0 = arith.constant 0 : i32
    return %arg0, %c0_i32 : i32, i32
  }
  func.func @transform_3(%arg0: i32) -> (i32, i32) {
    %c0_i32 = arith.constant 0 : i32
    %c0_i32_0 = arith.constant 0 : i32
    return %arg0, %c0_i32 : i32, i32
  }
  func.func @transform_4(%arg0: i32) -> (i32, i32) {
    %c0_i32 = arith.constant 0 : i32
    %c0_i32_0 = arith.constant 0 : i32
    return %arg0, %c0_i32 : i32, i32
  }
  func.func @transform_5(%arg0: i32) -> (i32, i32) {
    %c0_i32 = arith.constant 0 : i32
    %c0_i32_0 = arith.constant 0 : i32
    %c0_i32_1 = arith.constant 0 : i32
    return %c0_i32, %c0_i32_0 : i32, i32
  }
  func.func @transform_6(%arg0: i32) -> (i32, i32) {
    %c0_i32 = arith.constant 0 : i32
    %c0_i32_0 = arith.constant 0 : i32
    %c0_i32_1 = arith.constant 0 : i32
    return %c0_i32, %c0_i32_0 : i32, i32
  }
  func.func @transform_7(%arg0: i32) -> (i32, i32) {
    %c0_i32 = arith.constant 0 : i32
    %c0_i32_0 = arith.constant 0 : i32
    %c0_i32_1 = arith.constant 0 : i32
    return %c0_i32, %c0_i32_0 : i32, i32
  }
  func.func @transform_8(%arg0: i32) -> (i32, i32) {
    %c0_i32 = arith.constant 0 : i32
    %c0_i32_0 = arith.constant 0 : i32
    return %arg0, %c0_i32 : i32, i32
  }
  func.func @transform_9(%arg0: i32) -> (i32, i32) {
    %c0_i32 = arith.constant 0 : i32
    %c0_i32_0 = arith.constant 0 : i32
    return %arg0, %c0_i32 : i32, i32
  }
  func.func @transform_10(%arg0: i32) -> (i32, i32) {
    %c0_i32 = arith.constant 0 : i32
    %c0_i32_0 = arith.constant 0 : i32
    return %arg0, %c0_i32 : i32, i32
  }
}

module attributes {stable_mosaic.version = 14 : i64} {
  func.func @_stage_c_body(%arg0: i32, %arg1: memref<16x128x128xf32, #tpu.memory_space<vmem>>, %arg2: memref<128x128xf32, #tpu.memory_space<vmem>>, %arg3: memref<128x16xf32, #tpu.memory_space<vmem>>, %arg4: memref<128x128xf32, #tpu.memory_space<vmem>>, %arg5: memref<1x128xf32, #tpu.memory_space<vmem>>, %arg6: memref<1x128xf32, #tpu.memory_space<vmem>>, %arg7: memref<1x128xf32, #tpu.memory_space<vmem>>, %arg8: memref<128x128xf32, #tpu.memory_space<vmem>>) attributes {dimension_semantics = [#tpu.dimension_semantics<arbitrary>], iteration_bounds = array<i64: 256>, scalar_prefetch = 0 : i64, scratch_operands = 0 : i64, tpu.core_type = #tpu.core_type<tc>, window_params = [{transform_indices = @transform_0, window_bounds = array<i64: 16, 128, 128>}, {transform_indices = @transform_1, window_bounds = array<i64: 128, 128>}, {transform_indices = @transform_2, window_bounds = array<i64: 128, 16>}, {pipeline_mode = #tpu.pipeline_mode<synchronous>, transform_indices = @transform_3, window_bounds = array<i64: 128, 128>}, {pipeline_mode = #tpu.pipeline_mode<synchronous>, transform_indices = @transform_4, window_bounds = array<i64: 1, 128>}, {pipeline_mode = #tpu.pipeline_mode<synchronous>, transform_indices = @transform_5, window_bounds = array<i64: 1, 128>}, {pipeline_mode = #tpu.pipeline_mode<synchronous>, transform_indices = @transform_6, window_bounds = array<i64: 1, 128>}, {transform_indices = @transform_7, window_bounds = array<i64: 128, 128>}]} {
    %get3A = arith.constant 0 : index
    %get3A_0 = arith.constant 0 : index
    %get3A_1 = vector.load %arg2[%get3A, %get3A_0] : memref<128x128xf32, #tpu.memory_space<vmem>>, vector<128x128xf32>
    %get3A_2 = arith.constant 0 : index
    %get3A_3 = arith.constant 0 : index
    %get3A_4 = vector.load %arg5[%get3A_2, %get3A_3] : memref<1x128xf32, #tpu.memory_space<vmem>>, vector<1x128xf32>
    %get3A_5 = arith.constant 0 : index
    %get3A_6 = arith.constant 0 : index
    %get3A_7 = vector.load %arg6[%get3A_5, %get3A_6] : memref<1x128xf32, #tpu.memory_space<vmem>>, vector<1x128xf32>
    %get3A_8 = arith.constant 0 : index
    %get3A_9 = arith.constant 0 : index
    %get3A_10 = vector.load %arg4[%get3A_8, %get3A_9] : memref<128x128xf32, #tpu.memory_space<vmem>>, vector<128x128xf32>
    %broadcast_in_dim3A = arith.constant 0xFF800000 : f32
    %broadcast_in_dim3A_11 = vector.broadcast %broadcast_in_dim3A : f32 to vector<128x128xf32>
    %get3A_12 = arith.constant 0 : index
    %get3A_13 = arith.constant 0 : index
    %get3A_14 = arith.constant 0 : index
    %get3A_15 = vector.load %arg1[%get3A_12, %get3A_13, %get3A_14] : memref<16x128x128xf32, #tpu.memory_space<vmem>>, vector<1x128x128xf32>
    %get3A_16 = vector.shape_cast %get3A_15 : vector<1x128x128xf32> to vector<128x128xf32>
    %sub3A = arith.subf %get3A_16, %get3A_1 : vector<128x128xf32>
    %mul3A = vector.broadcast %get3A_4 : vector<1x128xf32> to vector<128x128xf32>
    %mul3A_17 = arith.mulf %sub3A, %mul3A : vector<128x128xf32>
    %add3A = vector.broadcast %get3A_7 : vector<1x128xf32> to vector<128x128xf32>
    %add3A_18 = arith.addf %mul3A_17, %add3A : vector<128x128xf32>
    %max3A = arith.constant 0.000000e+00 : f32
    %max3A_19 = vector.broadcast %max3A : f32 to vector<128x128xf32>
    %max3A_20 = arith.maximumf %add3A_18, %max3A_19 : vector<128x128xf32>
    %dot_general3A = arith.constant dense<0.000000e+00> : vector<128x128xf32>
    %dot_general3A_21 = tpu.matmul %max3A_20, %get3A_10, %dot_general3A {dimension_numbers = #tpu.dot_dimension_numbers<[1], [0], [0], [1], [0, 0, 1, 1], [], []>, transpose_lhs_hint = false} : vector<128x128xf32>, vector<128x128xf32>, vector<128x128xf32> -> vector<128x128xf32>
    %get3A_22 = arith.constant 0 : index
    %get3A_23 = arith.constant 0 : index
    %get3A_24 = vector.load %arg3[%get3A_22, %get3A_23] : memref<128x16xf32, #tpu.memory_space<vmem>>, vector<128x1xf32>
    %add3A_25 = vector.broadcast %get3A_24 : vector<128x1xf32> to vector<128x128xf32>
    %add3A_26 = arith.addf %dot_general3A_21, %add3A_25 : vector<128x128xf32>
    %max3A_27 = arith.maximumf %broadcast_in_dim3A_11, %add3A_26 : vector<128x128xf32>
    %get3A_28 = arith.constant 1 : index
    %get3A_29 = arith.constant 0 : index
    %get3A_30 = arith.constant 0 : index
    %get3A_31 = vector.load %arg1[%get3A_28, %get3A_29, %get3A_30] : memref<16x128x128xf32, #tpu.memory_space<vmem>>, vector<1x128x128xf32>
    %get3A_32 = vector.shape_cast %get3A_31 : vector<1x128x128xf32> to vector<128x128xf32>
    %sub3A_33 = arith.subf %get3A_32, %get3A_1 : vector<128x128xf32>
    %mul3A_34 = vector.broadcast %get3A_4 : vector<1x128xf32> to vector<128x128xf32>
    %mul3A_35 = arith.mulf %sub3A_33, %mul3A_34 : vector<128x128xf32>
    %add3A_36 = vector.broadcast %get3A_7 : vector<1x128xf32> to vector<128x128xf32>
    %add3A_37 = arith.addf %mul3A_35, %add3A_36 : vector<128x128xf32>
    %max3A_38 = arith.constant 0.000000e+00 : f32
    %max3A_39 = vector.broadcast %max3A_38 : f32 to vector<128x128xf32>
    %max3A_40 = arith.maximumf %add3A_37, %max3A_39 : vector<128x128xf32>
    %dot_general3A_41 = arith.constant dense<0.000000e+00> : vector<128x128xf32>
    %dot_general3A_42 = tpu.matmul %max3A_40, %get3A_10, %dot_general3A_41 {dimension_numbers = #tpu.dot_dimension_numbers<[1], [0], [0], [1], [0, 0, 1, 1], [], []>, transpose_lhs_hint = false} : vector<128x128xf32>, vector<128x128xf32>, vector<128x128xf32> -> vector<128x128xf32>
    %get3A_43 = arith.constant 0 : index
    %get3A_44 = arith.constant 1 : index
    %get3A_45 = vector.load %arg3[%get3A_43, %get3A_44] : memref<128x16xf32, #tpu.memory_space<vmem>>, vector<128x1xf32>
    %add3A_46 = vector.broadcast %get3A_45 : vector<128x1xf32> to vector<128x128xf32>
    %add3A_47 = arith.addf %dot_general3A_42, %add3A_46 : vector<128x128xf32>
    %max3A_48 = arith.maximumf %max3A_27, %add3A_47 : vector<128x128xf32>
    %get3A_49 = arith.constant 2 : index
    %get3A_50 = arith.constant 0 : index
    %get3A_51 = arith.constant 0 : index
    %get3A_52 = vector.load %arg1[%get3A_49, %get3A_50, %get3A_51] : memref<16x128x128xf32, #tpu.memory_space<vmem>>, vector<1x128x128xf32>
    %get3A_53 = vector.shape_cast %get3A_52 : vector<1x128x128xf32> to vector<128x128xf32>
    %sub3A_54 = arith.subf %get3A_53, %get3A_1 : vector<128x128xf32>
    %mul3A_55 = vector.broadcast %get3A_4 : vector<1x128xf32> to vector<128x128xf32>
    %mul3A_56 = arith.mulf %sub3A_54, %mul3A_55 : vector<128x128xf32>
    %add3A_57 = vector.broadcast %get3A_7 : vector<1x128xf32> to vector<128x128xf32>
    %add3A_58 = arith.addf %mul3A_56, %add3A_57 : vector<128x128xf32>
    %max3A_59 = arith.constant 0.000000e+00 : f32
    %max3A_60 = vector.broadcast %max3A_59 : f32 to vector<128x128xf32>
    %max3A_61 = arith.maximumf %add3A_58, %max3A_60 : vector<128x128xf32>
    %dot_general3A_62 = arith.constant dense<0.000000e+00> : vector<128x128xf32>
    %dot_general3A_63 = tpu.matmul %max3A_61, %get3A_10, %dot_general3A_62 {dimension_numbers = #tpu.dot_dimension_numbers<[1], [0], [0], [1], [0, 0, 1, 1], [], []>, transpose_lhs_hint = false} : vector<128x128xf32>, vector<128x128xf32>, vector<128x128xf32> -> vector<128x128xf32>
    %get3A_64 = arith.constant 0 : index
    %get3A_65 = arith.constant 2 : index
    %get3A_66 = vector.load %arg3[%get3A_64, %get3A_65] : memref<128x16xf32, #tpu.memory_space<vmem>>, vector<128x1xf32>
    %add3A_67 = vector.broadcast %get3A_66 : vector<128x1xf32> to vector<128x128xf32>
    %add3A_68 = arith.addf %dot_general3A_63, %add3A_67 : vector<128x128xf32>
    %max3A_69 = arith.maximumf %max3A_48, %add3A_68 : vector<128x128xf32>
    %get3A_70 = arith.constant 3 : index
    %get3A_71 = arith.constant 0 : index
    %get3A_72 = arith.constant 0 : index
    %get3A_73 = vector.load %arg1[%get3A_70, %get3A_71, %get3A_72] : memref<16x128x128xf32, #tpu.memory_space<vmem>>, vector<1x128x128xf32>
    %get3A_74 = vector.shape_cast %get3A_73 : vector<1x128x128xf32> to vector<128x128xf32>
    %sub3A_75 = arith.subf %get3A_74, %get3A_1 : vector<128x128xf32>
    %mul3A_76 = vector.broadcast %get3A_4 : vector<1x128xf32> to vector<128x128xf32>
    %mul3A_77 = arith.mulf %sub3A_75, %mul3A_76 : vector<128x128xf32>
    %add3A_78 = vector.broadcast %get3A_7 : vector<1x128xf32> to vector<128x128xf32>
    %add3A_79 = arith.addf %mul3A_77, %add3A_78 : vector<128x128xf32>
    %max3A_80 = arith.constant 0.000000e+00 : f32
    %max3A_81 = vector.broadcast %max3A_80 : f32 to vector<128x128xf32>
    %max3A_82 = arith.maximumf %add3A_79, %max3A_81 : vector<128x128xf32>
    %dot_general3A_83 = arith.constant dense<0.000000e+00> : vector<128x128xf32>
    %dot_general3A_84 = tpu.matmul %max3A_82, %get3A_10, %dot_general3A_83 {dimension_numbers = #tpu.dot_dimension_numbers<[1], [0], [0], [1], [0, 0, 1, 1], [], []>, transpose_lhs_hint = false} : vector<128x128xf32>, vector<128x128xf32>, vector<128x128xf32> -> vector<128x128xf32>
    %get3A_85 = arith.constant 0 : index
    %get3A_86 = arith.constant 3 : index
    %get3A_87 = vector.load %arg3[%get3A_85, %get3A_86] : memref<128x16xf32, #tpu.memory_space<vmem>>, vector<128x1xf32>
    %add3A_88 = vector.broadcast %get3A_87 : vector<128x1xf32> to vector<128x128xf32>
    %add3A_89 = arith.addf %dot_general3A_84, %add3A_88 : vector<128x128xf32>
    %max3A_90 = arith.maximumf %max3A_69, %add3A_89 : vector<128x128xf32>
    %get3A_91 = arith.constant 4 : index
    %get3A_92 = arith.constant 0 : index
    %get3A_93 = arith.constant 0 : index
    %get3A_94 = vector.load %arg1[%get3A_91, %get3A_92, %get3A_93] : memref<16x128x128xf32, #tpu.memory_space<vmem>>, vector<1x128x128xf32>
    %get3A_95 = vector.shape_cast %get3A_94 : vector<1x128x128xf32> to vector<128x128xf32>
    %sub3A_96 = arith.subf %get3A_95, %get3A_1 : vector<128x128xf32>
    %mul3A_97 = vector.broadcast %get3A_4 : vector<1x128xf32> to vector<128x128xf32>
    %mul3A_98 = arith.mulf %sub3A_96, %mul3A_97 : vector<128x128xf32>
    %add3A_99 = vector.broadcast %get3A_7 : vector<1x128xf32> to vector<128x128xf32>
    %add3A_100 = arith.addf %mul3A_98, %add3A_99 : vector<128x128xf32>
    %max3A_101 = arith.constant 0.000000e+00 : f32
    %max3A_102 = vector.broadcast %max3A_101 : f32 to vector<128x128xf32>
    %max3A_103 = arith.maximumf %add3A_100, %max3A_102 : vector<128x128xf32>
    %dot_general3A_104 = arith.constant dense<0.000000e+00> : vector<128x128xf32>
    %dot_general3A_105 = tpu.matmul %max3A_103, %get3A_10, %dot_general3A_104 {dimension_numbers = #tpu.dot_dimension_numbers<[1], [0], [0], [1], [0, 0, 1, 1], [], []>, transpose_lhs_hint = false} : vector<128x128xf32>, vector<128x128xf32>, vector<128x128xf32> -> vector<128x128xf32>
    %get3A_106 = arith.constant 0 : index
    %get3A_107 = arith.constant 4 : index
    %get3A_108 = vector.load %arg3[%get3A_106, %get3A_107] : memref<128x16xf32, #tpu.memory_space<vmem>>, vector<128x1xf32>
    %add3A_109 = vector.broadcast %get3A_108 : vector<128x1xf32> to vector<128x128xf32>
    %add3A_110 = arith.addf %dot_general3A_105, %add3A_109 : vector<128x128xf32>
    %max3A_111 = arith.maximumf %max3A_90, %add3A_110 : vector<128x128xf32>
    %get3A_112 = arith.constant 5 : index
    %get3A_113 = arith.constant 0 : index
    %get3A_114 = arith.constant 0 : index
    %get3A_115 = vector.load %arg1[%get3A_112, %get3A_113, %get3A_114] : memref<16x128x128xf32, #tpu.memory_space<vmem>>, vector<1x128x128xf32>
    %get3A_116 = vector.shape_cast %get3A_115 : vector<1x128x128xf32> to vector<128x128xf32>
    %sub3A_117 = arith.subf %get3A_116, %get3A_1 : vector<128x128xf32>
    %mul3A_118 = vector.broadcast %get3A_4 : vector<1x128xf32> to vector<128x128xf32>
    %mul3A_119 = arith.mulf %sub3A_117, %mul3A_118 : vector<128x128xf32>
    %add3A_120 = vector.broadcast %get3A_7 : vector<1x128xf32> to vector<128x128xf32>
    %add3A_121 = arith.addf %mul3A_119, %add3A_120 : vector<128x128xf32>
    %max3A_122 = arith.constant 0.000000e+00 : f32
    %max3A_123 = vector.broadcast %max3A_122 : f32 to vector<128x128xf32>
    %max3A_124 = arith.maximumf %add3A_121, %max3A_123 : vector<128x128xf32>
    %dot_general3A_125 = arith.constant dense<0.000000e+00> : vector<128x128xf32>
    %dot_general3A_126 = tpu.matmul %max3A_124, %get3A_10, %dot_general3A_125 {dimension_numbers = #tpu.dot_dimension_numbers<[1], [0], [0], [1], [0, 0, 1, 1], [], []>, transpose_lhs_hint = false} : vector<128x128xf32>, vector<128x128xf32>, vector<128x128xf32> -> vector<128x128xf32>
    %get3A_127 = arith.constant 0 : index
    %get3A_128 = arith.constant 5 : index
    %get3A_129 = vector.load %arg3[%get3A_127, %get3A_128] : memref<128x16xf32, #tpu.memory_space<vmem>>, vector<128x1xf32>
    %add3A_130 = vector.broadcast %get3A_129 : vector<128x1xf32> to vector<128x128xf32>
    %add3A_131 = arith.addf %dot_general3A_126, %add3A_130 : vector<128x128xf32>
    %max3A_132 = arith.maximumf %max3A_111, %add3A_131 : vector<128x128xf32>
    %get3A_133 = arith.constant 6 : index
    %get3A_134 = arith.constant 0 : index
    %get3A_135 = arith.constant 0 : index
    %get3A_136 = vector.load %arg1[%get3A_133, %get3A_134, %get3A_135] : memref<16x128x128xf32, #tpu.memory_space<vmem>>, vector<1x128x128xf32>
    %get3A_137 = vector.shape_cast %get3A_136 : vector<1x128x128xf32> to vector<128x128xf32>
    %sub3A_138 = arith.subf %get3A_137, %get3A_1 : vector<128x128xf32>
    %mul3A_139 = vector.broadcast %get3A_4 : vector<1x128xf32> to vector<128x128xf32>
    %mul3A_140 = arith.mulf %sub3A_138, %mul3A_139 : vector<128x128xf32>
    %add3A_141 = vector.broadcast %get3A_7 : vector<1x128xf32> to vector<128x128xf32>
    %add3A_142 = arith.addf %mul3A_140, %add3A_141 : vector<128x128xf32>
    %max3A_143 = arith.constant 0.000000e+00 : f32
    %max3A_144 = vector.broadcast %max3A_143 : f32 to vector<128x128xf32>
    %max3A_145 = arith.maximumf %add3A_142, %max3A_144 : vector<128x128xf32>
    %dot_general3A_146 = arith.constant dense<0.000000e+00> : vector<128x128xf32>
    %dot_general3A_147 = tpu.matmul %max3A_145, %get3A_10, %dot_general3A_146 {dimension_numbers = #tpu.dot_dimension_numbers<[1], [0], [0], [1], [0, 0, 1, 1], [], []>, transpose_lhs_hint = false} : vector<128x128xf32>, vector<128x128xf32>, vector<128x128xf32> -> vector<128x128xf32>
    %get3A_148 = arith.constant 0 : index
    %get3A_149 = arith.constant 6 : index
    %get3A_150 = vector.load %arg3[%get3A_148, %get3A_149] : memref<128x16xf32, #tpu.memory_space<vmem>>, vector<128x1xf32>
    %add3A_151 = vector.broadcast %get3A_150 : vector<128x1xf32> to vector<128x128xf32>
    %add3A_152 = arith.addf %dot_general3A_147, %add3A_151 : vector<128x128xf32>
    %max3A_153 = arith.maximumf %max3A_132, %add3A_152 : vector<128x128xf32>
    %get3A_154 = arith.constant 7 : index
    %get3A_155 = arith.constant 0 : index
    %get3A_156 = arith.constant 0 : index
    %get3A_157 = vector.load %arg1[%get3A_154, %get3A_155, %get3A_156] : memref<16x128x128xf32, #tpu.memory_space<vmem>>, vector<1x128x128xf32>
    %get3A_158 = vector.shape_cast %get3A_157 : vector<1x128x128xf32> to vector<128x128xf32>
    %sub3A_159 = arith.subf %get3A_158, %get3A_1 : vector<128x128xf32>
    %mul3A_160 = vector.broadcast %get3A_4 : vector<1x128xf32> to vector<128x128xf32>
    %mul3A_161 = arith.mulf %sub3A_159, %mul3A_160 : vector<128x128xf32>
    %add3A_162 = vector.broadcast %get3A_7 : vector<1x128xf32> to vector<128x128xf32>
    %add3A_163 = arith.addf %mul3A_161, %add3A_162 : vector<128x128xf32>
    %max3A_164 = arith.constant 0.000000e+00 : f32
    %max3A_165 = vector.broadcast %max3A_164 : f32 to vector<128x128xf32>
    %max3A_166 = arith.maximumf %add3A_163, %max3A_165 : vector<128x128xf32>
    %dot_general3A_167 = arith.constant dense<0.000000e+00> : vector<128x128xf32>
    %dot_general3A_168 = tpu.matmul %max3A_166, %get3A_10, %dot_general3A_167 {dimension_numbers = #tpu.dot_dimension_numbers<[1], [0], [0], [1], [0, 0, 1, 1], [], []>, transpose_lhs_hint = false} : vector<128x128xf32>, vector<128x128xf32>, vector<128x128xf32> -> vector<128x128xf32>
    %get3A_169 = arith.constant 0 : index
    %get3A_170 = arith.constant 7 : index
    %get3A_171 = vector.load %arg3[%get3A_169, %get3A_170] : memref<128x16xf32, #tpu.memory_space<vmem>>, vector<128x1xf32>
    %add3A_172 = vector.broadcast %get3A_171 : vector<128x1xf32> to vector<128x128xf32>
    %add3A_173 = arith.addf %dot_general3A_168, %add3A_172 : vector<128x128xf32>
    %max3A_174 = arith.maximumf %max3A_153, %add3A_173 : vector<128x128xf32>
    %get3A_175 = arith.constant 8 : index
    %get3A_176 = arith.constant 0 : index
    %get3A_177 = arith.constant 0 : index
    %get3A_178 = vector.load %arg1[%get3A_175, %get3A_176, %get3A_177] : memref<16x128x128xf32, #tpu.memory_space<vmem>>, vector<1x128x128xf32>
    %get3A_179 = vector.shape_cast %get3A_178 : vector<1x128x128xf32> to vector<128x128xf32>
    %sub3A_180 = arith.subf %get3A_179, %get3A_1 : vector<128x128xf32>
    %mul3A_181 = vector.broadcast %get3A_4 : vector<1x128xf32> to vector<128x128xf32>
    %mul3A_182 = arith.mulf %sub3A_180, %mul3A_181 : vector<128x128xf32>
    %add3A_183 = vector.broadcast %get3A_7 : vector<1x128xf32> to vector<128x128xf32>
    %add3A_184 = arith.addf %mul3A_182, %add3A_183 : vector<128x128xf32>
    %max3A_185 = arith.constant 0.000000e+00 : f32
    %max3A_186 = vector.broadcast %max3A_185 : f32 to vector<128x128xf32>
    %max3A_187 = arith.maximumf %add3A_184, %max3A_186 : vector<128x128xf32>
    %dot_general3A_188 = arith.constant dense<0.000000e+00> : vector<128x128xf32>
    %dot_general3A_189 = tpu.matmul %max3A_187, %get3A_10, %dot_general3A_188 {dimension_numbers = #tpu.dot_dimension_numbers<[1], [0], [0], [1], [0, 0, 1, 1], [], []>, transpose_lhs_hint = false} : vector<128x128xf32>, vector<128x128xf32>, vector<128x128xf32> -> vector<128x128xf32>
    %get3A_190 = arith.constant 0 : index
    %get3A_191 = arith.constant 8 : index
    %get3A_192 = vector.load %arg3[%get3A_190, %get3A_191] : memref<128x16xf32, #tpu.memory_space<vmem>>, vector<128x1xf32>
    %add3A_193 = vector.broadcast %get3A_192 : vector<128x1xf32> to vector<128x128xf32>
    %add3A_194 = arith.addf %dot_general3A_189, %add3A_193 : vector<128x128xf32>
    %max3A_195 = arith.maximumf %max3A_174, %add3A_194 : vector<128x128xf32>
    %get3A_196 = arith.constant 9 : index
    %get3A_197 = arith.constant 0 : index
    %get3A_198 = arith.constant 0 : index
    %get3A_199 = vector.load %arg1[%get3A_196, %get3A_197, %get3A_198] : memref<16x128x128xf32, #tpu.memory_space<vmem>>, vector<1x128x128xf32>
    %get3A_200 = vector.shape_cast %get3A_199 : vector<1x128x128xf32> to vector<128x128xf32>
    %sub3A_201 = arith.subf %get3A_200, %get3A_1 : vector<128x128xf32>
    %mul3A_202 = vector.broadcast %get3A_4 : vector<1x128xf32> to vector<128x128xf32>
    %mul3A_203 = arith.mulf %sub3A_201, %mul3A_202 : vector<128x128xf32>
    %add3A_204 = vector.broadcast %get3A_7 : vector<1x128xf32> to vector<128x128xf32>
    %add3A_205 = arith.addf %mul3A_203, %add3A_204 : vector<128x128xf32>
    %max3A_206 = arith.constant 0.000000e+00 : f32
    %max3A_207 = vector.broadcast %max3A_206 : f32 to vector<128x128xf32>
    %max3A_208 = arith.maximumf %add3A_205, %max3A_207 : vector<128x128xf32>
    %dot_general3A_209 = arith.constant dense<0.000000e+00> : vector<128x128xf32>
    %dot_general3A_210 = tpu.matmul %max3A_208, %get3A_10, %dot_general3A_209 {dimension_numbers = #tpu.dot_dimension_numbers<[1], [0], [0], [1], [0, 0, 1, 1], [], []>, transpose_lhs_hint = false} : vector<128x128xf32>, vector<128x128xf32>, vector<128x128xf32> -> vector<128x128xf32>
    %get3A_211 = arith.constant 0 : index
    %get3A_212 = arith.constant 9 : index
    %get3A_213 = vector.load %arg3[%get3A_211, %get3A_212] : memref<128x16xf32, #tpu.memory_space<vmem>>, vector<128x1xf32>
    %add3A_214 = vector.broadcast %get3A_213 : vector<128x1xf32> to vector<128x128xf32>
    %add3A_215 = arith.addf %dot_general3A_210, %add3A_214 : vector<128x128xf32>
    %max3A_216 = arith.maximumf %max3A_195, %add3A_215 : vector<128x128xf32>
    %get3A_217 = arith.constant 10 : index
    %get3A_218 = arith.constant 0 : index
    %get3A_219 = arith.constant 0 : index
    %get3A_220 = vector.load %arg1[%get3A_217, %get3A_218, %get3A_219] : memref<16x128x128xf32, #tpu.memory_space<vmem>>, vector<1x128x128xf32>
    %get3A_221 = vector.shape_cast %get3A_220 : vector<1x128x128xf32> to vector<128x128xf32>
    %sub3A_222 = arith.subf %get3A_221, %get3A_1 : vector<128x128xf32>
    %mul3A_223 = vector.broadcast %get3A_4 : vector<1x128xf32> to vector<128x128xf32>
    %mul3A_224 = arith.mulf %sub3A_222, %mul3A_223 : vector<128x128xf32>
    %add3A_225 = vector.broadcast %get3A_7 : vector<1x128xf32> to vector<128x128xf32>
    %add3A_226 = arith.addf %mul3A_224, %add3A_225 : vector<128x128xf32>
    %max3A_227 = arith.constant 0.000000e+00 : f32
    %max3A_228 = vector.broadcast %max3A_227 : f32 to vector<128x128xf32>
    %max3A_229 = arith.maximumf %add3A_226, %max3A_228 : vector<128x128xf32>
    %dot_general3A_230 = arith.constant dense<0.000000e+00> : vector<128x128xf32>
    %dot_general3A_231 = tpu.matmul %max3A_229, %get3A_10, %dot_general3A_230 {dimension_numbers = #tpu.dot_dimension_numbers<[1], [0], [0], [1], [0, 0, 1, 1], [], []>, transpose_lhs_hint = false} : vector<128x128xf32>, vector<128x128xf32>, vector<128x128xf32> -> vector<128x128xf32>
    %get3A_232 = arith.constant 0 : index
    %get3A_233 = arith.constant 10 : index
    %get3A_234 = vector.load %arg3[%get3A_232, %get3A_233] : memref<128x16xf32, #tpu.memory_space<vmem>>, vector<128x1xf32>
    %add3A_235 = vector.broadcast %get3A_234 : vector<128x1xf32> to vector<128x128xf32>
    %add3A_236 = arith.addf %dot_general3A_231, %add3A_235 : vector<128x128xf32>
    %max3A_237 = arith.maximumf %max3A_216, %add3A_236 : vector<128x128xf32>
    %get3A_238 = arith.constant 11 : index
    %get3A_239 = arith.constant 0 : index
    %get3A_240 = arith.constant 0 : index
    %get3A_241 = vector.load %arg1[%get3A_238, %get3A_239, %get3A_240] : memref<16x128x128xf32, #tpu.memory_space<vmem>>, vector<1x128x128xf32>
    %get3A_242 = vector.shape_cast %get3A_241 : vector<1x128x128xf32> to vector<128x128xf32>
    %sub3A_243 = arith.subf %get3A_242, %get3A_1 : vector<128x128xf32>
    %mul3A_244 = vector.broadcast %get3A_4 : vector<1x128xf32> to vector<128x128xf32>
    %mul3A_245 = arith.mulf %sub3A_243, %mul3A_244 : vector<128x128xf32>
    %add3A_246 = vector.broadcast %get3A_7 : vector<1x128xf32> to vector<128x128xf32>
    %add3A_247 = arith.addf %mul3A_245, %add3A_246 : vector<128x128xf32>
    %max3A_248 = arith.constant 0.000000e+00 : f32
    %max3A_249 = vector.broadcast %max3A_248 : f32 to vector<128x128xf32>
    %max3A_250 = arith.maximumf %add3A_247, %max3A_249 : vector<128x128xf32>
    %dot_general3A_251 = arith.constant dense<0.000000e+00> : vector<128x128xf32>
    %dot_general3A_252 = tpu.matmul %max3A_250, %get3A_10, %dot_general3A_251 {dimension_numbers = #tpu.dot_dimension_numbers<[1], [0], [0], [1], [0, 0, 1, 1], [], []>, transpose_lhs_hint = false} : vector<128x128xf32>, vector<128x128xf32>, vector<128x128xf32> -> vector<128x128xf32>
    %get3A_253 = arith.constant 0 : index
    %get3A_254 = arith.constant 11 : index
    %get3A_255 = vector.load %arg3[%get3A_253, %get3A_254] : memref<128x16xf32, #tpu.memory_space<vmem>>, vector<128x1xf32>
    %add3A_256 = vector.broadcast %get3A_255 : vector<128x1xf32> to vector<128x128xf32>
    %add3A_257 = arith.addf %dot_general3A_252, %add3A_256 : vector<128x128xf32>
    %max3A_258 = arith.maximumf %max3A_237, %add3A_257 : vector<128x128xf32>
    %get3A_259 = arith.constant 12 : index
    %get3A_260 = arith.constant 0 : index
    %get3A_261 = arith.constant 0 : index
    %get3A_262 = vector.load %arg1[%get3A_259, %get3A_260, %get3A_261] : memref<16x128x128xf32, #tpu.memory_space<vmem>>, vector<1x128x128xf32>
    %get3A_263 = vector.shape_cast %get3A_262 : vector<1x128x128xf32> to vector<128x128xf32>
    %sub3A_264 = arith.subf %get3A_263, %get3A_1 : vector<128x128xf32>
    %mul3A_265 = vector.broadcast %get3A_4 : vector<1x128xf32> to vector<128x128xf32>
    %mul3A_266 = arith.mulf %sub3A_264, %mul3A_265 : vector<128x128xf32>
    %add3A_267 = vector.broadcast %get3A_7 : vector<1x128xf32> to vector<128x128xf32>
    %add3A_268 = arith.addf %mul3A_266, %add3A_267 : vector<128x128xf32>
    %max3A_269 = arith.constant 0.000000e+00 : f32
    %max3A_270 = vector.broadcast %max3A_269 : f32 to vector<128x128xf32>
    %max3A_271 = arith.maximumf %add3A_268, %max3A_270 : vector<128x128xf32>
    %dot_general3A_272 = arith.constant dense<0.000000e+00> : vector<128x128xf32>
    %dot_general3A_273 = tpu.matmul %max3A_271, %get3A_10, %dot_general3A_272 {dimension_numbers = #tpu.dot_dimension_numbers<[1], [0], [0], [1], [0, 0, 1, 1], [], []>, transpose_lhs_hint = false} : vector<128x128xf32>, vector<128x128xf32>, vector<128x128xf32> -> vector<128x128xf32>
    %get3A_274 = arith.constant 0 : index
    %get3A_275 = arith.constant 12 : index
    %get3A_276 = vector.load %arg3[%get3A_274, %get3A_275] : memref<128x16xf32, #tpu.memory_space<vmem>>, vector<128x1xf32>
    %add3A_277 = vector.broadcast %get3A_276 : vector<128x1xf32> to vector<128x128xf32>
    %add3A_278 = arith.addf %dot_general3A_273, %add3A_277 : vector<128x128xf32>
    %max3A_279 = arith.maximumf %max3A_258, %add3A_278 : vector<128x128xf32>
    %get3A_280 = arith.constant 13 : index
    %get3A_281 = arith.constant 0 : index
    %get3A_282 = arith.constant 0 : index
    %get3A_283 = vector.load %arg1[%get3A_280, %get3A_281, %get3A_282] : memref<16x128x128xf32, #tpu.memory_space<vmem>>, vector<1x128x128xf32>
    %get3A_284 = vector.shape_cast %get3A_283 : vector<1x128x128xf32> to vector<128x128xf32>
    %sub3A_285 = arith.subf %get3A_284, %get3A_1 : vector<128x128xf32>
    %mul3A_286 = vector.broadcast %get3A_4 : vector<1x128xf32> to vector<128x128xf32>
    %mul3A_287 = arith.mulf %sub3A_285, %mul3A_286 : vector<128x128xf32>
    %add3A_288 = vector.broadcast %get3A_7 : vector<1x128xf32> to vector<128x128xf32>
    %add3A_289 = arith.addf %mul3A_287, %add3A_288 : vector<128x128xf32>
    %max3A_290 = arith.constant 0.000000e+00 : f32
    %max3A_291 = vector.broadcast %max3A_290 : f32 to vector<128x128xf32>
    %max3A_292 = arith.maximumf %add3A_289, %max3A_291 : vector<128x128xf32>
    %dot_general3A_293 = arith.constant dense<0.000000e+00> : vector<128x128xf32>
    %dot_general3A_294 = tpu.matmul %max3A_292, %get3A_10, %dot_general3A_293 {dimension_numbers = #tpu.dot_dimension_numbers<[1], [0], [0], [1], [0, 0, 1, 1], [], []>, transpose_lhs_hint = false} : vector<128x128xf32>, vector<128x128xf32>, vector<128x128xf32> -> vector<128x128xf32>
    %get3A_295 = arith.constant 0 : index
    %get3A_296 = arith.constant 13 : index
    %get3A_297 = vector.load %arg3[%get3A_295, %get3A_296] : memref<128x16xf32, #tpu.memory_space<vmem>>, vector<128x1xf32>
    %add3A_298 = vector.broadcast %get3A_297 : vector<128x1xf32> to vector<128x128xf32>
    %add3A_299 = arith.addf %dot_general3A_294, %add3A_298 : vector<128x128xf32>
    %max3A_300 = arith.maximumf %max3A_279, %add3A_299 : vector<128x128xf32>
    %get3A_301 = arith.constant 14 : index
    %get3A_302 = arith.constant 0 : index
    %get3A_303 = arith.constant 0 : index
    %get3A_304 = vector.load %arg1[%get3A_301, %get3A_302, %get3A_303] : memref<16x128x128xf32, #tpu.memory_space<vmem>>, vector<1x128x128xf32>
    %get3A_305 = vector.shape_cast %get3A_304 : vector<1x128x128xf32> to vector<128x128xf32>
    %sub3A_306 = arith.subf %get3A_305, %get3A_1 : vector<128x128xf32>
    %mul3A_307 = vector.broadcast %get3A_4 : vector<1x128xf32> to vector<128x128xf32>
    %mul3A_308 = arith.mulf %sub3A_306, %mul3A_307 : vector<128x128xf32>
    %add3A_309 = vector.broadcast %get3A_7 : vector<1x128xf32> to vector<128x128xf32>
    %add3A_310 = arith.addf %mul3A_308, %add3A_309 : vector<128x128xf32>
    %max3A_311 = arith.constant 0.000000e+00 : f32
    %max3A_312 = vector.broadcast %max3A_311 : f32 to vector<128x128xf32>
    %max3A_313 = arith.maximumf %add3A_310, %max3A_312 : vector<128x128xf32>
    %dot_general3A_314 = arith.constant dense<0.000000e+00> : vector<128x128xf32>
    %dot_general3A_315 = tpu.matmul %max3A_313, %get3A_10, %dot_general3A_314 {dimension_numbers = #tpu.dot_dimension_numbers<[1], [0], [0], [1], [0, 0, 1, 1], [], []>, transpose_lhs_hint = false} : vector<128x128xf32>, vector<128x128xf32>, vector<128x128xf32> -> vector<128x128xf32>
    %get3A_316 = arith.constant 0 : index
    %get3A_317 = arith.constant 14 : index
    %get3A_318 = vector.load %arg3[%get3A_316, %get3A_317] : memref<128x16xf32, #tpu.memory_space<vmem>>, vector<128x1xf32>
    %add3A_319 = vector.broadcast %get3A_318 : vector<128x1xf32> to vector<128x128xf32>
    %add3A_320 = arith.addf %dot_general3A_315, %add3A_319 : vector<128x128xf32>
    %max3A_321 = arith.maximumf %max3A_300, %add3A_320 : vector<128x128xf32>
    %get3A_322 = arith.constant 15 : index
    %get3A_323 = arith.constant 0 : index
    %get3A_324 = arith.constant 0 : index
    %get3A_325 = vector.load %arg1[%get3A_322, %get3A_323, %get3A_324] : memref<16x128x128xf32, #tpu.memory_space<vmem>>, vector<1x128x128xf32>
    %get3A_326 = vector.shape_cast %get3A_325 : vector<1x128x128xf32> to vector<128x128xf32>
    %sub3A_327 = arith.subf %get3A_326, %get3A_1 : vector<128x128xf32>
    %mul3A_328 = vector.broadcast %get3A_4 : vector<1x128xf32> to vector<128x128xf32>
    %mul3A_329 = arith.mulf %sub3A_327, %mul3A_328 : vector<128x128xf32>
    %add3A_330 = vector.broadcast %get3A_7 : vector<1x128xf32> to vector<128x128xf32>
    %add3A_331 = arith.addf %mul3A_329, %add3A_330 : vector<128x128xf32>
    %max3A_332 = arith.constant 0.000000e+00 : f32
    %max3A_333 = vector.broadcast %max3A_332 : f32 to vector<128x128xf32>
    %max3A_334 = arith.maximumf %add3A_331, %max3A_333 : vector<128x128xf32>
    %dot_general3A_335 = arith.constant dense<0.000000e+00> : vector<128x128xf32>
    %dot_general3A_336 = tpu.matmul %max3A_334, %get3A_10, %dot_general3A_335 {dimension_numbers = #tpu.dot_dimension_numbers<[1], [0], [0], [1], [0, 0, 1, 1], [], []>, transpose_lhs_hint = false} : vector<128x128xf32>, vector<128x128xf32>, vector<128x128xf32> -> vector<128x128xf32>
    %get3A_337 = arith.constant 0 : index
    %get3A_338 = arith.constant 15 : index
    %get3A_339 = vector.load %arg3[%get3A_337, %get3A_338] : memref<128x16xf32, #tpu.memory_space<vmem>>, vector<128x1xf32>
    %add3A_340 = vector.broadcast %get3A_339 : vector<128x1xf32> to vector<128x128xf32>
    %add3A_341 = arith.addf %dot_general3A_336, %add3A_340 : vector<128x128xf32>
    %max3A_342 = arith.maximumf %max3A_321, %add3A_341 : vector<128x128xf32>
    %get3A_343 = arith.constant 0 : index
    %get3A_344 = arith.constant 0 : index
    %get3A_345 = vector.load %arg7[%get3A_343, %get3A_344] : memref<1x128xf32, #tpu.memory_space<vmem>>, vector<1x128xf32>
    %add3A_346 = vector.broadcast %get3A_345 : vector<1x128xf32> to vector<128x128xf32>
    %add3A_347 = arith.addf %max3A_342, %add3A_346 : vector<128x128xf32>
    %swap3A = arith.constant 0 : index
    %swap3A_348 = arith.constant 0 : index
    %swap3A_349 = vector.load %arg8[%swap3A, %swap3A_348] : memref<128x128xf32, #tpu.memory_space<vmem>>, vector<128x128xf32>
    tpu.vector_store %arg8[%swap3A, %swap3A_348], %add3A_347 {strides = array<i32>} : memref<128x128xf32, #tpu.memory_space<vmem>>, vector<128x128xf32>,
    return
  }
  func.func @transform_0(%arg0: i32) -> (i32, i32, i32) {
    %c0_i32 = arith.constant 0 : i32
    %c0_i32_0 = arith.constant 0 : i32
    %c0_i32_1 = arith.constant 0 : i32
    return %c0_i32, %arg0, %c0_i32_0 : i32, i32, i32
  }
  func.func @transform_1(%arg0: i32) -> (i32, i32) {
    %c0_i32 = arith.constant 0 : i32
    %c0_i32_0 = arith.constant 0 : i32
    return %arg0, %c0_i32 : i32, i32
  }
  func.func @transform_2(%arg0: i32) -> (i32, i32) {
    %c0_i32 = arith.constant 0 : i32
    %c0_i32_0 = arith.constant 0 : i32
    return %arg0, %c0_i32 : i32, i32
  }
  func.func @transform_3(%arg0: i32) -> (i32, i32) {
    %c0_i32 = arith.constant 0 : i32
    %c0_i32_0 = arith.constant 0 : i32
    %c0_i32_1 = arith.constant 0 : i32
    return %c0_i32, %c0_i32_0 : i32, i32
  }
  func.func @transform_4(%arg0: i32) -> (i32, i32) {
    %c0_i32 = arith.constant 0 : i32
    %c0_i32_0 = arith.constant 0 : i32
    %c0_i32_1 = arith.constant 0 : i32
    return %c0_i32, %c0_i32_0 : i32, i32
  }
  func.func @transform_5(%arg0: i32) -> (i32, i32) {
    %c0_i32 = arith.constant 0 : i32
    %c0_i32_0 = arith.constant 0 : i32
    %c0_i32_1 = arith.constant 0 : i32
    return %c0_i32, %c0_i32_0 : i32, i32
  }
  func.func @transform_6(%arg0: i32) -> (i32, i32) {
    %c0_i32 = arith.constant 0 : i32
    %c0_i32_0 = arith.constant 0 : i32
    %c0_i32_1 = arith.constant 0 : i32
    return %c0_i32, %c0_i32_0 : i32, i32
  }
  func.func @transform_7(%arg0: i32) -> (i32, i32) {
    %c0_i32 = arith.constant 0 : i32
    %c0_i32_0 = arith.constant 0 : i32
    return %arg0, %c0_i32 : i32, i32
  }
}

</mosaic_0001>

<sc_bundles>
// kernel: kernel.6.cloned.1.call-start
scs
__scs_entry_jumppad:
0x0: {  	(pc) =	sbr.rel $0x88, $3  }
0x1: {  	(tag) =	ssettag $0x0;
	lr =	simm.s32 $0x1  }
0x2: {  	[smem:$0x3F98] =	sst lr;
	_ =	strace $0xD0000000  }
0x3: {  	_ = 	snop  }
0x4: {  	_ = 	snop  }
0x5: {  	_ = 	snop  }
0x6: {  	_ = 	snop  }
0x7: {  	_ = 	snop  }
__scs_overlays_trampoline_lowered:
0x8: {  	[smem:$0x3FA7] =	sst s0  }
0x9: {  	[smem:$0x3FA8] =	sst s1  }
0xa: {  	[smem:$0x3FA9] =	sst s2  }
0xb: {  	[smem:$0x3FAA] =	sst s3  }
0xc: {  	[smem:$0x3FAB] =	sst s4  }
0xd: {  	[smem:$0x3FAC] =	sst s5  }
0xe: {  	[smem:$0x3FAD] =	sst s6  }
0xf: {  	[smem:$0x3FAE] =	sst s7  }
0x10: {  	[smem:$0x3FAF] =	sst s8  }
0x11: {  	[smem:$0x3FB0] =	sst s9;
	s0 =	simm.s32 @!p0 $0x0  }
0x12: {  	s1 =	sld [smem:$0x3F96];
	s0 =	simm.s32 @p0 $0x1  }
0x13: {  	[smem:$0x3FB1] =	sst s0;
	s0 =	simm.s32 @!p1 $0x0  }
0x14: {  	s2 =	sld [smem:$0x3F95];
	s0 =	simm.s32 @p1 $0x1  }
0x15: {  	[smem:$0x3FB2] =	sst s0;
	s0 =	simm.s32 @!p2 $0x0  }
0x16: {  	s3 =	sld [smem:$0x3FDB];
	s0 =	simm.s32 @p2 $0x1  }
0x17: {  	s4 =	simm.s32 $0x1BF5;
	[smem:$0x3FB4] =	sst s0  }
0x18: {  	s0 =	sld [smem:$0x3F97];
	_ =	swait.ge [sflag:s4], $0x0  }
0x19: {  	s7 =	sld [smem:$0x3F98]  }
0x1a: {  	s8 =	sadd.s32 $0xFFFFE003, lr  }
0x1b: {  	s9 =	sadd.s32 $0xFFFFFEF7, lr;
	s5 =	simm.s32 $0xFFFFFFFF;
	p2 =	slt.u32 s8, $0xFFFFF086  }
0x1c: {  	p1 =	slt.u32 s9, $0xF7A;
	s5 =	simm.s32 @!p2 $0x0  }
0x1d: {  	s5 =	simm.s32 @p1 $0x1;
	p0 =	seq.s32 s7, s2  }
0x1e: {  	s7 =	smul.u32 @!p0 $0xF7A, s2;
	p2 =	seq.s32 @!p0 s5, $0x0  }
0x1f: {  	s9 =	smul.u32 $0xF7A, s1;
	s8 =	simm.s32 @!p0 $0x1BF5;
	p2 =	por !p2, p0  }
0x20: {  	[sflag:s8] =	ssyncset.s32 @!p0 $0xFFFFF086;
	s6 =	sadd.s32 @!p0 s3, s7;
	s7 =	simm.s32 @!p0 $0x108  }
0x21: {  	s3 =	sadd.s32 s3, s9;
	s6 =	sadd.s32 @!p0 $0x88, s6;
	s7 =	simm.s32 @p2 $0x1082  }
0x22: {  	[simem:s7], [sflag:s8] =	dma.local @!p0 [hbm:s6], $0xF7A  }
0x23: {  	s9 =	sor.u32 $0xD0000000, s2;
	s6 =	simm.s32 $0x108;
	_ =	swait.ge @!p0 [sflag:s8], $0x0  }
0x24: {  	s3 =	sadd.s32 $0x88, s3;
	s6 =	simm.s32 @!p1 $0x1082;
	[sflag:s4] =	ssyncset.s32 $0xFFFFF086  }
0x25: {  	[simem:s6], [sflag:s4] =	dma.local [hbm:s3], $0xF7A  }
0x26: {  	[smem:$0x3F98] =	sst s1;
	(tag) =	ssettag s2;
	_ =	strace s9  }
0x27: {  	s1 =	sld [smem:$0x3FA8]  }
0x28: {  	s2 =	sld [smem:$0x3FA9]  }
0x29: {  	s4 =	sld [smem:$0x3FAB]  }
0x2a: {  	p0 =	seq.s32 s5, $0x0;
	s5 =	sld [smem:$0x3FAC]  }
0x2b: {  	s6 =	sld [smem:$0x3FAD]  }
0x2c: {  	s7 =	sld [smem:$0x3FAE]  }
0x2d: {  	s3 =	simm.s32 $0x108;
	s8 =	sld [smem:$0x3FAF]  }
0x2e: {  	s3 =	simm.s32 @!p0 $0x1082;
	s9 =	sld [smem:$0x3FB0]  }
0x2f: {  	lr =	sadd.s32 s0, s3;
	s0 =	sld [smem:$0x3FA7]  }
0x30: {  	s3 =	sld [smem:$0x3FAA]  }
0x31: {  	[smem:$0x3FB3] =	sst s10  }
0x32: {  	s10 =	sld [smem:$0x3FB1];
	_ =	sdelay $0x3  }
0x33: {  	p0 =	seq.s32 s10, $0x1;
	s10 =	sld [smem:$0x3FB3];
	_ =	sdelay $0x3  }
0x34: {  	[smem:$0x3FB3] =	sst s10  }
0x35: {  	s10 =	sld [smem:$0x3FB2];
	_ =	sdelay $0x3  }
0x36: {  	p1 =	seq.s32 s10, $0x1;
	s10 =	sld [smem:$0x3FB3];
	_ =	sdelay $0x3  }
0x37: {  	[smem:$0x3FB3] =	sst s10  }
0x38: {  	s10 =	sld [smem:$0x3FB4]  }
0x39: {  	_ = 	snop;
	(pc) =	sbr.ind lr, $3  }
0x3a: {  	_ = 	snop  }
0x3b: {  	_ = 	snop  }
0x3c: {  	p2 =	seq.s32 s10, $0x1;
	s10 =	sld [smem:$0x3FB3]  }
0x3d: {  	_ =	shalt  }
0x3e: {  	_ =	shalt  }
0x3f: {  	_ =	shalt  }
0x40: {  	_ =	shalt  }
0x41: {  	_ =	shalt  }
0x42: {  	_ =	shalt  }
0x43: {  	_ =	shalt  }
0x44: {  	_ =	shalt  }
0x45: {  	_ =	shalt  }
0x46: {  	_ =	shalt  }
0x47: {  	_ =	shalt  }
0x48: {  	_ =	shalt  }
0x49: {  	_ =	shalt  }
0x4a: {  	_ =	shalt  }
0x4b: {  	_ =	shalt  }
0x4c: {  	_ =	shalt  }
0x4d: {  	_ =	shalt  }
0x4e: {  	_ =	shalt  }
0x4f: {  	_ =	shalt  }
0x50: {  	_ =	shalt  }
0x51: {  	_ =	shalt  }
0x52: {  	_ =	shalt  }
0x53: {  	_ =	shalt  }
0x54: {  	_ =	shalt  }
0x55: {  	_ =	shalt  }
0x56: {  	_ =	shalt  }
0x57: {  	_ =	shalt  }
0x58: {  	_ =	shalt  }
0x59: {  	_ =	shalt  }
0x5a: {  	_ =	shalt  }
0x5b: {  	_ =	shalt  }
0x5c: {  	_ =	shalt  }
0x5d: {  	_ =	shalt  }
0x5e: {  	_ =	shalt  }
0x5f: {  	_ =	shalt  }
0x60: {  	_ =	shalt  }
0x61: {  	_ =	shalt  }
0x62: {  	_ =	shalt  }
0x63: {  	_ =	shalt  }
0x64: {  	_ =	shalt  }
0x65: {  	_ =	shalt  }
0x66: {  	_ =	shalt  }
0x67: {  	_ =	shalt  }
0x68: {  	_ =	shalt  }
0x69: {  	_ =	shalt  }
0x6a: {  	_ =	shalt  }
0x6b: {  	_ =	shalt  }
0x6c: {  	_ =	shalt  }
0x6d: {  	_ =	shalt  }
0x6e: {  	_ =	shalt  }
0x6f: {  	_ =	shalt  }
0x70: {  	_ =	shalt  }
0x71: {  	_ =	shalt  }
0x72: {  	_ =	shalt  }
0x73: {  	_ =	shalt  }
0x74: {  	_ =	shalt  }
0x75: {  	_ =	shalt  }
0x76: {  	_ =	shalt  }
0x77: {  	_ =	shalt  }
0x78: {  	_ =	shalt  }
0x79: {  	_ =	shalt  }
0x7a: {  	_ =	shalt  }
0x7b: {  	_ =	shalt  }
0x7c: {  	_ =	shalt  }
0x7d: {  	_ =	shalt  }
0x7e: {  	_ =	shalt  }
0x7f: {  	_ =	shalt  }
0x80: {  	_ =	shalt  }
0x81: {  	_ =	shalt  }
0x82: {  	_ =	shalt  }
0x83: {  	_ =	shalt  }
0x84: {  	_ =	shalt  }
0x85: {  	_ =	shalt  }
0x86: {  	_ =	shalt  }
0x87: {  	_ =	shalt  }
.Lfunc_end0:
.L_simem_size_0:
called_computation.1_lowered:
.L_overlay_start_0:
0x88: {  	s2 =	sld [smem:$0x3FD9]  }
0x89: {  	s3 =	sld [smem:$0x3FFE];
	_ =	sdelay $0x1  }
0x8a: {  	s1 =	srdreg.scid  }
0x8b: {  	s0 =	sand.u32 $0x1, s1  }
0x8c: {  	s17 =	sshll.u32 s0, $0xA;
	s2 =	sadd.s32 s3, s2  }
0x8d: {  	s2 =	sadd.s32 s2, s17  }
0x8e: {  	[smem:$0x3FBF] =	sst s2  }
0x8f: {  	_ = 	snop  }
0x90: {  	s2 =	sld [smem:$0x3FD0];
	(tm) =	ssettm $0x1  }
0x91: {  	s18 =	sld [smem:$0x3FFB];
	_ =	sdelay $0x3  }
0x92: {  	_ =	strace s18  }
0x93: {  	s3 =	sld [smem:$0x3FFC];
	_ =	sdelay $0x3  }
0x94: {  	_ =	strace s3  }
0x95: {  	s3 =	sld [smem:$0x3FFD];
	_ =	sdelay $0x3  }
0x96: {  	_ =	strace s3  }
0x97: {  	_ =	strace $0x8FFFFFFF  }
0x98: {  	s19 =	sld [smem:$0x3FDB];
	_ =	sdelay $0x1  }
0x99: {  	s4 =	simm.s32 $_scs_section_size  }
0x9a: {  	s5 =	simm.s32 $_size__tile_overlayer_lowered;
	s6 =	simm.s32 $_tile_overlayer_lowered  }
0x9b: {  	s22 =	simm.s32 $0x1BFF;
	s21 =	sshll.u32 s6, $0x1;
	s3 =	sadd.s32 s4, s19  }
0x9c: {  	s7 =	simm.s32 $0x0;
	s20 =	sshll.u32 s5, $0x1;
	s5 =	sadd.s32 s21, s3  }
0x9d: {  	[timem:s7], [sflag:s22] =	dma.local [hbm:s5], s20  }
0x9e: {  	_ =	swait.ge [sflag:s22], s20  }
0x9f: {  	s4 =	ssub.s32 $0x0, s20;
	[sflag:s22] =	ssyncset.done $0x0  }
0xa0: {  	[sflag:s22] =	ssyncadd.s32 s4;
	_ =	sdelay $0x1  }
0xa1: {  	s23 =	simm.s32 $0x1B8B  }
0xa2: {  	_ =	swait.ge [sflag:s23], $0x1  }
0xa3: {  	[sflag:s23] =	ssyncset.done $0x0  }
0xa4: {  	s25 =	simm.s32 $0x1B8E;
	s24 =	sld [smem:$0x3FFE];
	[sflag:s23] =	ssyncadd.s32 $0xFFFFFFFF  }
0xa5: {  	s26 =	simm.s32 $execute0_lowered;
	[smem:$0x3FD2] =	sst s25  }
0xa6: {  	s5 =	sshll.u32 s26, $0x1;
	_ =	strace $0x80000046;
	[dreg:$0x1] =	wrdreg $0xFFFFFFFF  }
0xa7: {  	s28 =	simm.s32 $_size_execute0_lowered;
	s3 =	sadd.s32 s3, s5;
	[dreg:$0x0] =	wrdreg $0x0  }
0xa8: {  	s5 =	sshll.u32 s28, $0x1;
	[dreg:$0x2] =	wrdreg s3  }
0xa9: {  	[dreg:$0x3] =	wrdreg s5  }
0xaa: {  	[dreg:$0x4] =	wrdreg $0xC0  }
0xab: {  	_ =	task [dreg:s7], $0x5FFFF  }
0xac: {  	[dreg:$0x1] =	wrdreg $0xFFFFFFFF  }
0xad: {  	[dreg:$0x0] =	wrdreg $0x60  }
0xae: {  	[dreg:$0x2] =	wrdreg s2  }
0xaf: {  	[dreg:$0x3] =	wrdreg s24  }
0xb0: {  	[dreg:$0x4] =	wrdreg $0x9  }
0xb1: {  	_ =	task.clear_ibuf [dreg:s7], $0x5FFFF;
	_ =	strace $0x90000046  }
0xb2: {  	s29 =	simm.s32 $0x9;
	_ =	strace $0x80000048  }
0xb3: {  	_ =	swait.ge [sflag:s29], $0x1  }
0xb4: {  	[sflag:s29] =	ssyncadd.s32 $0xFFFFFFFF  }
0xb5: {  	_ =	strace $0x90000048  }
0xb6: {  	_ =	sfence  }
0xb7: {  	s30 =	sld [smem:$0x0];
	_ =	sdelay $0x2  }
0xb8: {  	s31 =	sshll.u32 s1, $0xD;
	s1 =	sshrl.u32 s1, $0x2  }
0xb9: {  	s3 =	sand.u32 $0x4000, s31;
	s1 =	sadd.s32 s1, s30  }
0xba: {  	s0 =	sor.u32 s3, s0;
	s1 =	sshll.u32 s1, $0x11  }
0xbb: {  	s0 =	sor.u32 s1, s0  }
0xbc: {  	s0 =	sadd.s32 $0x8F2B, s0  }
0xbd: {  	[sflag:s0] =	ssyncadd.remote.s32 $0x1  }
0xbe: {  	_ =	sfence.sel $0xFFFF  }
0xbf: {  	[dreg:$0x0] =	wrdreg $0xFFFFFFFF;
	(pc) =	sbr.abs _section_cstart, $3  }
0xc0: {  	[dreg:$0x1] =	wrdreg $0xFFFFFFFF  }
0xc1: {  	_ =	task.clear_ibuf [dreg:s7], $0x2FFFF;
	_ =	strace $0x9FFFFFFF  }
0xc2: {  	(tm) =	ssettm $0x7FFFFFFF  }
0xc3: {  	_ =	shalt  }
tec
execute0_lowered:
.L_overlay_start_1:
0x0: {  	(tag) =	ssettag $0x1  }
0x1: {  	s2 =	rddreg [dreg:$0x0]  }
0x2: {  	s4 =	rddreg [dreg:$0x1];
	s3 =	srdreg.scid  }
0x3: {  	s0 =	rddreg [dreg:$0x2];
	s1 =	stileid.u32  }
0x4: {  	s10 =	simm.s32 $0x2;
	s11 =	simm.s32 $0x8000;
	s12 =	simm.s32 $0x0  }
0x5: {  	s7 =	sand.u32 $0x1, s3;
	s3 =	simm.s32 $0x0;
	s5 =	sshll.u32 s1, $0xF  }
0x6: {  	s9 =	sadd.s32 $0x310C00, s4;
	s31 =	sshll.u32 s1, $0x13;
	s6 =	sshll.u32 s7, $0xE  }
0x7: {  	[smem:$0x7FF] =	sst s3;
	s8 =	ssub.s32 $0x2, s7;
	s7 =	sshll.u32 s7, $0x12  }
0x8: {  	s5 =	sor.u32 s6, s5;
	_ =	strace $0x80000047;
	s29 =	sshrl.u32 s8, $0x1  }
0x9: {  	s6 =	sshrl.u32 s5, $0x3;
	s8 =	ssub.s32 s8, s29;
	s5 =	sshll.u32 s5, $0x4  }
0xa: {  	s6 =	sadd.s32 s6, s4;
	s30 =	sadd.s32 s9, s5;
	s5 =	smax.u32 s8, $0x1  }
0xb: {  	s8 =	sadd.s32 s31, s9;
	s9 =	simm.s32 $0x4000;
	s4 =	sadd.s32 $0x180C00, s6  }
0xc: {  	s6 =	sadd.s32 $0x3F800, s30;
	s7 =	sadd.s32 s7, s8;
	s8 =	simm.s32 $0x3  }
.LBB2_1:
0xd: {  	[tilespmem:s3], [sflag:$0x3] =	stream.linear.gather [hbm4b:s4+s3], $0x4000, $0x38;
	[tilespmem:$0xC000] =	vst v63  }
0xe: {  	_ =	swait.ge [sflag:s8], $0x4000  }
0xf: {  	s14 =	sand.u32 $0x1, s3;
	[sflag:s8] =	ssyncset.done $0x0  }
0x10: {  	s13 =	simm.s32 $0x80;
	p0 =	seq.s32 s14, $0x1;
	[sflag:s8] =	ssyncadd.s32 $0xFFFFC000  }
0x11: {  	[tilespmem:s9], [sflag:$0x1] =	stream.indirect.gather [hbm4b:s2+s13], $0x80, s3, s13, $0xb8;
	[tilespmem:$0xC000] =	vst v63  }
0x12: {  	s14 =	simm.s32 @p0 $0x80;
	s15 =	simm.s32 @p0 $0x4000;
	s16 =	simm.s32 @p0 $0x2  }
0x13: {  	[tilespmem:s15], [sflag:$0x1] =	stream.indirect.gather @p0 [hbm4b:s2+s14], $0x80, s13, s14, $0xb8;
	[tilespmem:$0xC000] =	vst v63  }
0x14: {  	_ =	swait.ge @p0 [sflag:s16], $0x4000  }
0x15: {  	[sflag:s16] =	ssyncset.done @p0 $0x0  }
0x16: {  	s14 =	simm.s32 @p0 $0x0;
	s15 =	simm.s32 @p0 $0x8000;
	[sflag:s16] =	ssyncadd.s32 @p0 $0xFFFFC000  }
0x17: {  	[hbm4b:s7+s14] =	stream.linear.scatter @p0 [tilespmem:s15], [sflag:$0x3], $0x4000, $0x38;
	[tilespmem:$0xC000] =	vst v63  }
0x18: {  	s17 =	simm.s32 @!p0 $0x1;
	s14 =	simm.s32 @!p0 $0x80;
	s15 =	simm.s32 @!p0 $0x8000  }
0x19: {  	[tilespmem:s15], [sflag:$0x2] =	stream.indirect.gather @!p0 [hbm4b:s2+s14], $0x80, s13, s14, $0xb8;
	[tilespmem:$0xC000] =	vst v63  }
0x1a: {  	s16 =	simm.s32 @!p0 $0x4;
	_ =	swait.ge @!p0 [sflag:s17], $0x4000  }
0x1b: {  	s31 =	simm.s32 $0x1;
	s16 =	simm.s32 @p0 $0x3;
	[sflag:s17] =	ssyncset.done @!p0 $0x0  }
0x1c: {  	s14 =	simm.s32 @!p0 $0x4000;
	[sflag:s17] =	ssyncadd.s32 @!p0 $0xFFFFC000;
	s17 =	simm.s32 @!p0 $0x0  }
0x1d: {  	[hbm4b:s7+s17] =	stream.linear.scatter @!p0 [tilespmem:s14], [sflag:$0x4], $0x4000, $0x38;
	[tilespmem:$0xC000] =	vst v63  }
0x1e: {  	s15 =	simm.s32 $0x2;
	s13 =	sand.u32 $0x1, s31;
	s14 =	simm.s32 $0x100  }
0x1f: {  	p0 =	seq.s32 s13, $0x1;
	s13 =	sadd.s32 $0x800, s7;
	_ =	swait.ge [sflag:s16], $0x4000  }
.LBB2_2:
0x20: {  	s17 =	simm.s32 @p0 $0x80;
	s18 =	simm.s32 @p0 $0x4000  }
0x21: {  	[sflag:s16] =	ssyncset.done $0x0;
	s19 =	smov.u32 s15;
	s20 =	smov.u32 s14  }
0x22: {  	s15 =	sadd.s32 $0x1, s15;
	s21 =	simm.s32 @p0 $0x2;
	[sflag:s16] =	ssyncadd.s32 $0xFFFFC000  }
0x23: {  	[tilespmem:s18], [sflag:$0x1] =	stream.indirect.gather @p0 [hbm4b:s2+s17], $0x80, s14, s17, $0xb8;
	[tilespmem:$0xC000] =	vst v63  }
0x24: {  	p1 =	sne.s32 s15, $0x7F;
	_ =	swait.ge @p0 [sflag:s21], $0x4000  }
0x25: {  	s14 =	sadd.s32 $0x80, s14;
	[sflag:s21] =	ssyncset.done @p0 $0x0  }
0x26: {  	s16 =	simm.s32 @p0 $0x0;
	s17 =	simm.s32 @p0 $0x8000;
	[sflag:s21] =	ssyncadd.s32 @p0 $0xFFFFC000  }
0x27: {  	[hbm4b:s13+s16] =	stream.linear.scatter @p0 [tilespmem:s17], [sflag:$0x3], $0x4000, $0x38;
	[tilespmem:$0xC000] =	vst v63  }
0x28: {  	s18 =	simm.s32 @!p0 $0x1;
	s16 =	simm.s32 @!p0 $0x80;
	s17 =	simm.s32 @!p0 $0x8000  }
0x29: {  	[tilespmem:s17], [sflag:$0x2] =	stream.indirect.gather @!p0 [hbm4b:s2+s16], $0x80, s20, s16, $0xb8;
	[tilespmem:$0xC000] =	vst v63  }
.Ltmp0:
0x2a: {  	s17 =	sand.u32 $0x1, s19;
	_ =	swait.ge @!p0 [sflag:s18], $0x4000;
	(pc) =	sbr.rel @p1 .LBB2_2-.Ltmp0, $4  }
0x2b: {  	s19 =	simm.s32 @!p0 $0x4000;
	s16 =	simm.s32 @!p0 $0x4;
	[sflag:s18] =	ssyncset.done @!p0 $0x0  }
0x2c: {  	s16 =	simm.s32 @p0 $0x3;
	[sflag:s18] =	ssyncadd.s32 @!p0 $0xFFFFC000;
	s18 =	simm.s32 @!p0 $0x0  }
0x2d: {  	[hbm4b:s13+s18] =	stream.linear.scatter @!p0 [tilespmem:s19], [sflag:$0x4], $0x4000, $0x38;
	[tilespmem:$0xC000] =	vst v63  }
0x2e: {  	p0 =	seq.s32 s17, $0x1;
	s13 =	sadd.s32 $0x800, s13;
	_ =	swait.ge [sflag:s16], $0x4000  }
0x2f: {  	s15 =	simm.s32 @p0 $0x80;
	[sflag:s16] =	ssyncset.done $0x0  }
0x30: {  	s17 =	simm.s32 @p0 $0x4000;
	s18 =	simm.s32 @p0 $0x2;
	[sflag:s16] =	ssyncadd.s32 $0xFFFFC000  }
0x31: {  	[tilespmem:s17], [sflag:$0x1] =	stream.indirect.gather @p0 [hbm4b:s2+s15], $0x80, s14, s15, $0xb8;
	[tilespmem:$0xC000] =	vst v63  }
0x32: {  	_ =	swait.ge @p0 [sflag:s18], $0x4000  }
0x33: {  	[sflag:s18] =	ssyncset.done @p0 $0x0  }
0x34: {  	s16 =	simm.s32 @p0 $0x8000;
	s15 =	simm.s32 @p0 $0x0;
	[sflag:s18] =	ssyncadd.s32 @p0 $0xFFFFC000  }
0x35: {  	[hbm4b:s13+s15] =	stream.linear.scatter @p0 [tilespmem:s16], [sflag:$0x3], $0x4000, $0x38;
	[tilespmem:$0xC000] =	vst v63  }
0x36: {  	s17 =	simm.s32 @!p0 $0x1;
	s15 =	simm.s32 @!p0 $0x80;
	s16 =	simm.s32 @!p0 $0x8000  }
0x37: {  	[tilespmem:s16], [sflag:$0x2] =	stream.indirect.gather @!p0 [hbm4b:s2+s15], $0x80, s14, s15, $0xb8;
	[tilespmem:$0xC000] =	vst v63  }
0x38: {  	_ =	swait.ge @!p0 [sflag:s17], $0x4000  }
0x39: {  	s14 =	simm.s32 @!p0 $0x4000;
	s15 =	simm.s32 @!p0 $0x4;
	[sflag:s17] =	ssyncset.done @!p0 $0x0  }
0x3a: {  	s16 =	simm.s32 @!p0 $0x0;
	s15 =	simm.s32 @p0 $0x3;
	[sflag:s17] =	ssyncadd.s32 @!p0 $0xFFFFC000  }
0x3b: {  	[hbm4b:s13+s16] =	stream.linear.scatter @!p0 [tilespmem:s14], [sflag:$0x4], $0x4000, $0x38;
	[tilespmem:$0xC000] =	vst v63  }
0x3c: {  	_ =	swait.ge [sflag:s15], $0x4000  }
0x3d: {  	[sflag:s15] =	ssyncset.done $0x0  }
0x3e: {  	[sflag:s15] =	ssyncadd.s32 $0xFFFFC000  }
0x3f: {  	s12 =	sadd.s32 $0x1, s12;
	_ =	swait.ge [sflag:s10], $0x4000  }
0x40: {  	p0 =	sne.s32 s12, s5;
	[sflag:s10] =	ssyncset.done $0x0  }
.Ltmp1:
0x41: {  	[sflag:s10] =	ssyncadd.s32 $0xFFFFC000;
	(pc) =	sbr.rel @p0 .LBB2_1-.Ltmp1, $4  }
0x42: {  	[hbm4b:s6+s3] =	stream.linear.scatter [tilespmem:s11], [sflag:$0x3], $0x4000, $0x38;
	[tilespmem:$0xC000] =	vst v63  }
0x43: {  	_ =	swait.ge [sflag:s8], $0x4000  }
0x44: {  	[sflag:s8] =	ssyncset.done $0x0  }
0x45: {  	[sflag:s8] =	ssyncadd.s32 $0xFFFFC000  }
0x46: {  	_ =	sfence.sel $0x180000  }
0x47: {  	[bflag:$0x0] =	sbarrier.arrive $0xFFFF  }
0x48: {  	p0 =	sne.s32 s1, $0x0;
	_ =	strace $0x90000047  }
0x49: {  	s0 =	sadd.s32 @!p0 $0x100000, s0;
	[bflag:$0x2] =	sbarrier.arrive $0xFFFF  }
0x4a: {  	[sflag:s0] =	ssyncadd.tile.s32 @!p0 $0x1;
	_ =	shalt  }
.Lfunc_end2:
_tile_overlayer_lowered:
.L_overlay_start_2:
0x4b: {  	(tag) =	ssettag $0x2  }
0x4c: {  	s0 =	rddreg [dreg:$0x0];
	s2 =	stileid.u32  }
0x4d: {  	s1 =	rddreg [dreg:$0x1];
	p0 =	sne.s32 s2, $0x0  }
0x4e: {  	s3 =	rddreg [dreg:$0x2];
	[bflag:$0x3] =	sbarrier.arrive $0xFFFF;
	s2 =	simm.s32 @!p0 $0x1C03  }
0x4f: {  	[timem:s3], [sflag:s2] =	dma.local @!p0 [hbm:s0], s1  }
0x50: {  	s0 =	simm.s32 @!p0 $0x3  }
0x51: {  	_ =	swait.ge @!p0 [sflag:s0], s1  }
0x52: {  	s1 =	ssub.s32 @!p0 $0x0, s1;
	[sflag:s0] =	ssyncset.done @!p0 $0x0  }
0x53: {  	[sflag:s0] =	ssyncadd.s32 @!p0 s1  }
0x54: {  	[bflag:$0x3] =	sbarrier.arrive $0xFFFF  }
0x55: {  	_ =	shalt  }

// kernel: scatter_offload_async_start
scs
__scs_entry_jumppad:
0x0: {  	(pc) =	sbr.rel $0x88, $3  }
0x1: {  	(tag) =	ssettag $0x0;
	lr =	simm.s32 $0x1  }
0x2: {  	[smem:$0x3F98] =	sst lr;
	_ =	strace $0xD0000000  }
0x3: {  	_ = 	snop  }
0x4: {  	_ = 	snop  }
0x5: {  	_ = 	snop  }
0x6: {  	_ = 	snop  }
0x7: {  	_ = 	snop  }
__scs_overlays_trampoline_lowered:
0x8: {  	[smem:$0x3FA7] =	sst s0  }
0x9: {  	[smem:$0x3FA8] =	sst s1  }
0xa: {  	[smem:$0x3FA9] =	sst s2  }
0xb: {  	[smem:$0x3FAA] =	sst s3  }
0xc: {  	[smem:$0x3FAB] =	sst s4  }
0xd: {  	[smem:$0x3FAC] =	sst s5  }
0xe: {  	[smem:$0x3FAD] =	sst s6  }
0xf: {  	[smem:$0x3FAE] =	sst s7  }
0x10: {  	[smem:$0x3FAF] =	sst s8  }
0x11: {  	[smem:$0x3FB0] =	sst s9;
	s0 =	simm.s32 @!p0 $0x0  }
0x12: {  	s1 =	sld [smem:$0x3F96];
	s0 =	simm.s32 @p0 $0x1  }
0x13: {  	[smem:$0x3FB1] =	sst s0;
	s0 =	simm.s32 @!p1 $0x0  }
0x14: {  	s2 =	sld [smem:$0x3F95];
	s0 =	simm.s32 @p1 $0x1  }
0x15: {  	[smem:$0x3FB2] =	sst s0;
	s0 =	simm.s32 @!p2 $0x0  }
0x16: {  	s3 =	sld [smem:$0x3FDB];
	s0 =	simm.s32 @p2 $0x1  }
0x17: {  	s4 =	simm.s32 $0x1BF5;
	[smem:$0x3FB4] =	sst s0  }
0x18: {  	s0 =	sld [smem:$0x3F97];
	_ =	swait.ge [sflag:s4], $0x0  }
0x19: {  	s7 =	sld [smem:$0x3F98]  }
0x1a: {  	s8 =	sadd.s32 $0xFFFFE003, lr  }
0x1b: {  	s9 =	sadd.s32 $0xFFFFFEF7, lr;
	s5 =	simm.s32 $0xFFFFFFFF;
	p2 =	slt.u32 s8, $0xFFFFF086  }
0x1c: {  	p1 =	slt.u32 s9, $0xF7A;
	s5 =	simm.s32 @!p2 $0x0  }
0x1d: {  	s5 =	simm.s32 @p1 $0x1;
	p0 =	seq.s32 s7, s2  }
0x1e: {  	s7 =	smul.u32 @!p0 $0xF7A, s2;
	p2 =	seq.s32 @!p0 s5, $0x0  }
0x1f: {  	s9 =	smul.u32 $0xF7A, s1;
	s8 =	simm.s32 @!p0 $0x1BF5;
	p2 =	por !p2, p0  }
0x20: {  	[sflag:s8] =	ssyncset.s32 @!p0 $0xFFFFF086;
	s6 =	sadd.s32 @!p0 s3, s7;
	s7 =	simm.s32 @!p0 $0x108  }
0x21: {  	s3 =	sadd.s32 s3, s9;
	s6 =	sadd.s32 @!p0 $0x88, s6;
	s7 =	simm.s32 @p2 $0x1082  }
0x22: {  	[simem:s7], [sflag:s8] =	dma.local @!p0 [hbm:s6], $0xF7A  }
0x23: {  	s9 =	sor.u32 $0xD0000000, s2;
	s6 =	simm.s32 $0x108;
	_ =	swait.ge @!p0 [sflag:s8], $0x0  }
0x24: {  	s3 =	sadd.s32 $0x88, s3;
	s6 =	simm.s32 @!p1 $0x1082;
	[sflag:s4] =	ssyncset.s32 $0xFFFFF086  }
0x25: {  	[simem:s6], [sflag:s4] =	dma.local [hbm:s3], $0xF7A  }
0x26: {  	[smem:$0x3F98] =	sst s1;
	(tag) =	ssettag s2;
	_ =	strace s9  }
0x27: {  	s1 =	sld [smem:$0x3FA8]  }
0x28: {  	s2 =	sld [smem:$0x3FA9]  }
0x29: {  	s4 =	sld [smem:$0x3FAB]  }
0x2a: {  	p0 =	seq.s32 s5, $0x0;
	s5 =	sld [smem:$0x3FAC]  }
0x2b: {  	s6 =	sld [smem:$0x3FAD]  }
0x2c: {  	s7 =	sld [smem:$0x3FAE]  }
0x2d: {  	s3 =	simm.s32 $0x108;
	s8 =	sld [smem:$0x3FAF]  }
0x2e: {  	s3 =	simm.s32 @!p0 $0x1082;
	s9 =	sld [smem:$0x3FB0]  }
0x2f: {  	lr =	sadd.s32 s0, s3;
	s0 =	sld [smem:$0x3FA7]  }
0x30: {  	s3 =	sld [smem:$0x3FAA]  }
0x31: {  	[smem:$0x3FB3] =	sst s10  }
0x32: {  	s10 =	sld [smem:$0x3FB1];
	_ =	sdelay $0x3  }
0x33: {  	p0 =	seq.s32 s10, $0x1;
	s10 =	sld [smem:$0x3FB3];
	_ =	sdelay $0x3  }
0x34: {  	[smem:$0x3FB3] =	sst s10  }
0x35: {  	s10 =	sld [smem:$0x3FB2];
	_ =	sdelay $0x3  }
0x36: {  	p1 =	seq.s32 s10, $0x1;
	s10 =	sld [smem:$0x3FB3];
	_ =	sdelay $0x3  }
0x37: {  	[smem:$0x3FB3] =	sst s10  }
0x38: {  	s10 =	sld [smem:$0x3FB4]  }
0x39: {  	_ = 	snop;
	(pc) =	sbr.ind lr, $3  }
0x3a: {  	_ = 	snop  }
0x3b: {  	_ = 	snop  }
0x3c: {  	p2 =	seq.s32 s10, $0x1;
	s10 =	sld [smem:$0x3FB3]  }
0x3d: {  	_ =	shalt  }
0x3e: {  	_ =	shalt  }
0x3f: {  	_ =	shalt  }
0x40: {  	_ =	shalt  }
0x41: {  	_ =	shalt  }
0x42: {  	_ =	shalt  }
0x43: {  	_ =	shalt  }
0x44: {  	_ =	shalt  }
0x45: {  	_ =	shalt  }
0x46: {  	_ =	shalt  }
0x47: {  	_ =	shalt  }
0x48: {  	_ =	shalt  }
0x49: {  	_ =	shalt  }
0x4a: {  	_ =	shalt  }
0x4b: {  	_ =	shalt  }
0x4c: {  	_ =	shalt  }
0x4d: {  	_ =	shalt  }
0x4e: {  	_ =	shalt  }
0x4f: {  	_ =	shalt  }
0x50: {  	_ =	shalt  }
0x51: {  	_ =	shalt  }
0x52: {  	_ =	shalt  }
0x53: {  	_ =	shalt  }
0x54: {  	_ =	shalt  }
0x55: {  	_ =	shalt  }
0x56: {  	_ =	shalt  }
0x57: {  	_ =	shalt  }
0x58: {  	_ =	shalt  }
0x59: {  	_ =	shalt  }
0x5a: {  	_ =	shalt  }
0x5b: {  	_ =	shalt  }
0x5c: {  	_ =	shalt  }
0x5d: {  	_ =	shalt  }
0x5e: {  	_ =	shalt  }
0x5f: {  	_ =	shalt  }
0x60: {  	_ =	shalt  }
0x61: {  	_ =	shalt  }
0x62: {  	_ =	shalt  }
0x63: {  	_ =	shalt  }
0x64: {  	_ =	shalt  }
0x65: {  	_ =	shalt  }
0x66: {  	_ =	shalt  }
0x67: {  	_ =	shalt  }
0x68: {  	_ =	shalt  }
0x69: {  	_ =	shalt  }
0x6a: {  	_ =	shalt  }
0x6b: {  	_ =	shalt  }
0x6c: {  	_ =	shalt  }
0x6d: {  	_ =	shalt  }
0x6e: {  	_ =	shalt  }
0x6f: {  	_ =	shalt  }
0x70: {  	_ =	shalt  }
0x71: {  	_ =	shalt  }
0x72: {  	_ =	shalt  }
0x73: {  	_ =	shalt  }
0x74: {  	_ =	shalt  }
0x75: {  	_ =	shalt  }
0x76: {  	_ =	shalt  }
0x77: {  	_ =	shalt  }
0x78: {  	_ =	shalt  }
0x79: {  	_ =	shalt  }
0x7a: {  	_ =	shalt  }
0x7b: {  	_ =	shalt  }
0x7c: {  	_ =	shalt  }
0x7d: {  	_ =	shalt  }
0x7e: {  	_ =	shalt  }
0x7f: {  	_ =	shalt  }
0x80: {  	_ =	shalt  }
0x81: {  	_ =	shalt  }
0x82: {  	_ =	shalt  }
0x83: {  	_ =	shalt  }
0x84: {  	_ =	shalt  }
0x85: {  	_ =	shalt  }
0x86: {  	_ =	shalt  }
0x87: {  	_ =	shalt  }
.Lfunc_end0:
.L_simem_size_0:
called_computation_lowered:
.L_overlay_start_0:
0x88: {  	s2 =	sld [smem:$0x3FD9]  }
0x89: {  	s3 =	sld [smem:$0x3FFE];
	_ =	sdelay $0x1  }
0x8a: {  	s1 =	srdreg.scid  }
0x8b: {  	s0 =	sand.u32 $0x1, s1  }
0x8c: {  	s16 =	sshll.u32 s0, $0xA;
	s2 =	sadd.s32 s3, s2  }
0x8d: {  	s2 =	sadd.s32 s2, s16  }
0x8e: {  	[smem:$0x3FBF] =	sst s2  }
0x8f: {  	_ = 	snop  }
0x90: {  	s2 =	sld [smem:$0x3FD0];
	(tm) =	ssettm $0x1  }
0x91: {  	s17 =	sld [smem:$0x3FFB];
	_ =	sdelay $0x3  }
0x92: {  	_ =	strace s17  }
0x93: {  	s3 =	sld [smem:$0x3FFC];
	_ =	sdelay $0x3  }
0x94: {  	_ =	strace s3  }
0x95: {  	s3 =	sld [smem:$0x3FFD];
	_ =	sdelay $0x3  }
0x96: {  	_ =	strace s3  }
0x97: {  	_ =	strace $0x8FFFFFFF  }
0x98: {  	s18 =	sld [smem:$0x3FDB];
	_ =	sdelay $0x1  }
0x99: {  	s4 =	simm.s32 $_scs_section_size  }
0x9a: {  	s5 =	simm.s32 $_size__tile_overlayer_lowered;
	s6 =	simm.s32 $_tile_overlayer_lowered  }
0x9b: {  	s21 =	simm.s32 $0x1BFF;
	s20 =	sshll.u32 s6, $0x1;
	s3 =	sadd.s32 s4, s18  }
0x9c: {  	s7 =	simm.s32 $0x0;
	s19 =	sshll.u32 s5, $0x1;
	s5 =	sadd.s32 s20, s3  }
0x9d: {  	[timem:s7], [sflag:s21] =	dma.local [hbm:s5], s19  }
0x9e: {  	_ =	swait.ge [sflag:s21], s19  }
0x9f: {  	s4 =	ssub.s32 $0x0, s19;
	[sflag:s21] =	ssyncset.done $0x0  }
0xa0: {  	[sflag:s21] =	ssyncadd.s32 s4;
	_ =	sdelay $0x1  }
0xa1: {  	s22 =	simm.s32 $0x1B8B  }
0xa2: {  	_ =	swait.ge [sflag:s22], $0x1  }
0xa3: {  	[sflag:s22] =	ssyncset.done $0x0  }
0xa4: {  	s23 =	sld [smem:$0x3FFE];
	[sflag:s22] =	ssyncadd.s32 $0xFFFFFFFF  }
0xa5: {  	s25 =	simm.s32 $0x1B8E;
	s24 =	sld [smem:$0x0]  }
0xa6: {  	s26 =	simm.s32 $execute0_lowered;
	[smem:$0x3FD2] =	sst s25  }
0xa7: {  	s6 =	sshll.u32 s26, $0x1;
	_ =	strace $0x80000049;
	[dreg:$0x1] =	wrdreg $0xFFFFFFFF  }
0xa8: {  	s28 =	simm.s32 $_size_execute0_lowered;
	s3 =	sadd.s32 s3, s6;
	[dreg:$0x0] =	wrdreg $0x0  }
0xa9: {  	s6 =	sshll.u32 s28, $0x1;
	[dreg:$0x2] =	wrdreg s3  }
0xaa: {  	[dreg:$0x3] =	wrdreg s6  }
0xab: {  	[dreg:$0x4] =	wrdreg $0xC0  }
0xac: {  	_ =	task [dreg:s7], $0x5FFFF  }
0xad: {  	[dreg:$0x1] =	wrdreg $0xFFFFFFFF  }
0xae: {  	[dreg:$0x0] =	wrdreg $0x60  }
0xaf: {  	[dreg:$0x2] =	wrdreg s2  }
0xb0: {  	[dreg:$0x3] =	wrdreg s23  }
0xb1: {  	[dreg:$0x4] =	wrdreg s1  }
0xb2: {  	[dreg:$0x5] =	wrdreg s24  }
0xb3: {  	[dreg:$0x6] =	wrdreg $0x9  }
0xb4: {  	_ =	task.clear_ibuf [dreg:s7], $0x7FFFF;
	_ =	strace $0x90000049  }
0xb5: {  	s29 =	simm.s32 $0x9;
	_ =	strace $0x8000004B  }
0xb6: {  	_ =	swait.ge [sflag:s29], $0x1  }
0xb7: {  	[sflag:s29] =	ssyncadd.s32 $0xFFFFFFFF  }
0xb8: {  	_ =	strace $0x9000004B  }
0xb9: {  	_ =	sfence  }
0xba: {  	s30 =	sld [smem:$0x0];
	_ =	sdelay $0x2  }
0xbb: {  	s31 =	sshll.u32 s1, $0xD;
	s1 =	sshrl.u32 s1, $0x2  }
0xbc: {  	s3 =	sand.u32 $0x4000, s31;
	s1 =	sadd.s32 s1, s30  }
0xbd: {  	s0 =	sor.u32 s3, s0;
	s1 =	sshll.u32 s1, $0x11  }
0xbe: {  	s0 =	sor.u32 s1, s0  }
0xbf: {  	s0 =	sadd.s32 $0x8F2B, s0  }
0xc0: {  	[sflag:s0] =	ssyncadd.remote.s32 $0x1  }
0xc1: {  	_ =	sfence.sel $0xFFFF  }
0xc2: {  	[dreg:$0x0] =	wrdreg $0xFFFFFFFF;
	(pc) =	sbr.abs _section_cstart, $3  }
0xc3: {  	[dreg:$0x1] =	wrdreg $0xFFFFFFFF  }
0xc4: {  	_ =	task.clear_ibuf [dreg:s7], $0x2FFFF;
	_ =	strace $0x9FFFFFFF  }
0xc5: {  	(tm) =	ssettm $0x7FFFFFFF  }
tec
execute0_lowered:
.L_overlay_start_1:
0x0: {  	(tag) =	ssettag $0x1  }
0x1: {  	s1 =	rddreg [dreg:$0x0]  }
0x2: {  	s2 =	rddreg [dreg:$0x1]  }
0x3: {  	s3 =	rddreg [dreg:$0x2];
	_ =	strace $0x8000004A;
	s0 =	simm.s32 $0x1  }
0x4: {  	v0 =	vimm.s32 $0x0;
	[sflag:s0] =	ssyncpa.u1 $0x0;
	s0 =	simm.s32 $0x108  }
0x5: {  	[tilespmem:s0+$0x70] =	vst v0  }
0x6: {  	[tilespmem:s0+$0x60] =	vst v0  }
0x7: {  	[tilespmem:s0+$0x50] =	vst v0  }
0x8: {  	[tilespmem:s0+$0x40] =	vst v0  }
0x9: {  	s15 =	sadd.s32 $0xC00, s2;
	[tilespmem:s0+$0x30] =	vst v0  }
0xa: {  	s6 =	sadd.s32 $0x2C00, s2;
	s3 =	sand.u32 $0x1, s3;
	s14 =	sadd.s32 $0x1C00, s2;
	[tilespmem:s0+$0x20] =	vst v0  }
0xb: {  	[dreg:$0x5] =	wrdreg s3;
	s16 =	sshll.u32 s3, $0xB;
	s3 =	simm.s32 $0x40;
	[tilespmem:s0+$0x10] =	vst v0  }
.LBB2_1:
0xc: {  	s3 =	sadd.s32 $0x40, s3;
	[tilespmem:s0+$0x0] =	vst v0;
	s0 =	sadd.s32 $0x80, s0  }
0xd: {  	p0 =	slt.u32 s3, $0x3C40;
	[tilespmem:s0+$0x70] =	vst v0  }
0xe: {  	[tilespmem:s0+$0x60] =	vst v0  }
.Ltmp0:
0xf: {  	[tilespmem:s0+$0x50] =	vst v0;
	(pc) =	sbr.rel @p0 .LBB2_1-.Ltmp0, $4  }
0x10: {  	[tilespmem:s0+$0x40] =	vst v0  }
0x11: {  	[tilespmem:s0+$0x30] =	vst v0  }
0x12: {  	[tilespmem:s0+$0x20] =	vst v0  }
0x13: {  	[tilespmem:s0+$0x10] =	vst v0  }
0x14: {  	s5 =	stileid.u32  }
0x15: {  	s2 =	smin.u32 s5, $0x5;
	s3 =	sshll.u32 s5, $0x2  }
0x16: {  	s2 =	sadd.s32 s2, s3  }
0x17: {  	p0 =	slt.u32 s5, $0x5;
	s7 =	smul.u32 $0xF0, s2;
	s2 =	simm.s32 $0x4B0  }
0x18: {  	s2 =	simm.s32 @!p0 $0x3C0  }
0x19: {  	s2 =	sadd.s32 s2, s7  }
0x1a: {  	s8 =	smin.u32 s2, $0x4000  }
0x1b: {  	s2 =	ssub.s32 s8, s7  }
0x1c: {  	p0 =	sgt.s32 s2, $0x0  }
0x1d: {  	s2 =	simm.s32 @!p0 $0x0  }
0x1e: {  	s30 =	simm.s32 $0x2;
	s10 =	simm.s32 $0x9;
	s29 =	smul.u32 $0x8889, s2  }
0x1f: {  	s4 =	simm.s32 $0xA;
	s11 =	simm.s32 $0xB;
	s12 =	simm.s32 $0x1  }
0x20: {  	s14 =	sadd.s32 s16, s14;
	s15 =	sadd.s32 s16, s15;
	s31 =	sshrl.u32 s29, $0x17  }
0x21: {  	s22 =	simm.s32 $0x0;
	s18 =	simm.s32 $0xC;
	s3 =	smul.u32 $0xF0, s31  }
.Ltmp1:
0x22: {  	[tilespmem:s0+$0x0] =	vst v0;
	v0 =	vimm.s32 $0xFFFFFFFF;
	s20 =	simm.s32 $0x0;
	[sflag:s30] =	ssyncpa.u1 $0x0;
	(pc) =	sbr.rel .LBB2_3-.Ltmp1, $4  }
0x23: {  	[tilespmem:$0xF208] =	vst v0;
	[sflag:s10] =	ssyncpa.u1 $0x0;
	p0 =	sne.s32 s2, s3;
	s2 =	simm.s32 $0x1  }
0x24: {  	s21 =	simm.s32 $0x0;
	[sflag:s4] =	ssyncpa.u1 $0x0;
	s2 =	simm.s32 @!p0 $0x0  }
0x25: {  	s16 =	sshll.u32 s5, $0x8;
	[sflag:s11] =	ssyncpa.u1 $0x0;
	s13 =	sadd.s32 s31, s2  }
0x26: {  	v0 =	vlaneseq.u32;
	s19 =	smov.u32 s7;
	p0 =	por $0x0, $0x0;
	s17 =	sadd.s32 $0x1, s13  }
.LBB2_18:
0x27: {  	s0 =	sshrl.u32 s31, $0x2  }
.LBB2_20:
0x28: {  	_ =	swait.ge [sflag:s18], s0  }
0x29: {  	s31 =	ssub.s32 $0x0, s0;
	v1 =	vmov s24;
	vm0 =	veq.s32 v0, $0x0;
	[sflag:s18] =	ssyncset.done $0x0  }
0x2a: {  	vm15 =	veq.s32 v0, $0x2;
	v1 =	vsel vm0, s30, v1;
	[sflag:s18] =	ssyncadd.s32 s31  }
0x2b: {  	v1 =	vsel vm15, s22, v1;
	[sflag:s18] =	ssyncpa.u1 $0x1  }
0x2c: {  	[tilespmem:$0xF208] =	vst v1  }
.LBB2_21:
0x2d: {  	s0 =	sadd.s32 $0xF0, s19  }
0x2e: {  	s2 =	smov.u32 s7;
	p1 =	slt.s32 s0, s8  }
0x2f: {  	s2 =	smov.u32 @p1 s0;
	p1 =	sne.s32 s21, s17  }
.Ltmp2:
0x30: {  	_ = 	snop;
	(pc) =	sbr.rel @!p1 .LBB2_22-.Ltmp2, $3  }
0x31: {  	_ =	sdelay $0x1  }
0x32: {  	s22 =	smov.u32 s20;
	s31 =	sadd.s32 $0x1, s21;
	s20 =	smov.u32 s19  }
0x33: {  	p0 =	por !p0, !p0;
	s21 =	smov.u32 s31;
	s19 =	smov.u32 s2  }
.LBB2_3:
0x34: {  	p1 =	sge.u32 s21, s13  }
0x35: {  	s0 =	smulhi.u32 @!p1 $0xAAAAAAAB, s21  }
0x36: {  	s2 =	smov.u32 s19;
	p2 =	sgt.s32 @!p1 s19, $0x3F10  }
0x37: {  	s3 =	sshra.s32 @!p1 s19, $0x1F;
	p2 =	por !p2, p1;
	s0 =	sshrl.u32 @!p1 s0, $0x1  }
0x38: {  	s3 =	sand.u32 @!p1 s3, s19;
	s2 =	simm.s32 @p2 $0x3F10;
	s0 =	smul.u32 @!p1 $0x3, s0  }
0x39: {  	s2 =	ssub.s32 @!p1 s2, s3  }
0x3a: {  	s2 =	sadd.s32 @!p1 $0xFFFFC0F0, s2;
	s0 =	ssub.s32 @!p1 s21, s0  }
0x3b: {  	s3 =	sshll.u32 @!p1 s2, $0x2;
	p2 =	sgt.s32 @!p1 s2, $0xEF;
	s0 =	smul.u32 @!p1 $0x3C0, s0  }
0x3c: {  	s4 =	sand.u32 @!p1 $0x7, s19;
	s2 =	ssub.s32 @!p1 $0x3C0, s3;
	p2 =	por !p2, p1  }
0x3d: {  	s3 =	sshrl.u32 @!p1 s19, $0x3;
	s2 =	sshrl.u32 @!p1 s2, $0x2;
	s0 =	sshrl.u32 @!p1 s0, $0x2  }
0x3e: {  	s3 =	sadd.s32 @!p1 s3, s14;
	s2 =	simm.s32 @!p2 $0x0;
	s0 =	sadd.s32 @!p1 $0x10248, s0  }
0x3f: {  	[tilespmem:s0], [sflag:$0xA] =	stream.linear.gather @!p1 [hbm4b:s3+s4], s2, $0x38;
	[tilespmem:$0x1F6F8] =	vst v63  }
0x40: {  	s0 =	sadd.s32 $0xFFFFFFFF, s21  }
0x41: {  	p1 =	sge.u32 s0, s13  }
0x42: {  	p2 =	sgt.s32 @!p1 s20, $0x3F10  }
0x43: {  	s2 =	smov.u32 s20;
	s3 =	sshra.s32 @!p1 s20, $0x1F;
	p2 =	por !p2, p1  }
0x44: {  	s3 =	sand.u32 @!p1 s3, s20;
	s2 =	simm.s32 @p2 $0x3F10  }
0x45: {  	s2 =	ssub.s32 @!p1 s2, s3  }
0x46: {  	s2 =	sadd.s32 @!p1 $0xFFFFC0F0, s2  }
0x47: {  	s4 =	sand.u32 @!p1 $0x1, s0;
	s3 =	sshll.u32 @!p1 s2, $0x2  }
0x48: {  	p2 =	sgt.s32 @!p1 s2, $0xEF;
	s2 =	ssub.s32 @!p1 $0x3C0, s3;
	s3 =	smulhi.u32 @!p1 $0xAAAAAAAB, s0  }
0x49: {  	s23 =	smul.u32 @!p1 $0x3C0, s4;
	p2 =	por !p2, p1;
	s2 =	sshrl.u32 @!p1 s2, $0x2  }
0x4a: {  	s5 =	simm.s32 @!p1 $0xA;
	s2 =	simm.s32 @!p2 $0x0;
	s3 =	sshrl.u32 @!p1 s3, $0x1  }
0x4b: {  	s23 =	sshrl.u32 @!p1 s23, $0x2;
	_ =	swait.ge @!p1 [sflag:s5], s2;
	s3 =	smul.u32 @!p1 $0x3, s3  }
0x4c: {  	s23 =	sadd.s32 @!p1 $0x10518, s23;
	s24 =	ssub.s32 @!p1 $0x0, s2;
	[sflag:s5] =	ssyncset.done @!p1 $0x0  }
0x4d: {  	[sflag:s5] =	ssyncadd.s32 @!p1 s24;
	s5 =	sshrl.u32 @!p1 s20, $0x3;
	s0 =	ssub.s32 @!p1 s0, s3  }
0x4e: {  	s24 =	sand.u32 @!p1 $0x7, s20;
	s5 =	sadd.s32 @!p1 s5, s15;
	s0 =	smul.u32 @!p1 $0x3C0, s0  }
0x4f: {  	[tilespmem:s23], [sflag:$0xB] =	stream.linear.gather @!p1 [hbm4b:s5+s24], s2, $0x38;
	[tilespmem:$0x1F6F8] =	vst v63  }
0x50: {  	s3 =	ssub.s32 @!p1 $0x4000, s20;
	s2 =	smul.u32 @!p1 $0x1E000, s4  }
0x51: {  	p2 =	slt.s32 @!p1 s3, $0xF0  }
0x52: {  	p2 =	por !p2, p1;
	s0 =	sshrl.u32 @!p1 s0, $0x2;
	s2 =	sshrl.u32 @!p1 s2, $0x2  }
0x53: {  	s3 =	simm.s32 @p2 $0xF0;
	s0 =	sadd.s32 @!p1 $0x10248, s0;
	s2 =	sor.u32 @!p1 $0x106F8, s2  }
0x54: {  	[tilespmem:s2], [sflag:$0x9] =	stream.indirect.gather @!p1 [hbm4b:s6+s3], $0x80, s0, s3, $0xb8;
	[tilespmem:$0x1F6F8] =	vst v63  }
0x55: {  	p1 =	slt.u32 s21, $0x2  }
.Ltmp3:
0x56: {  	_ = 	snop;
	(pc) =	sbr.rel @p1 .LBB2_21-.Ltmp3, $1  }
0x57: {  	_ =	sdelay $0x3  }
0x58: {  	p1 =	sgt.s32 s22, $0x3F10  }
0x59: {  	s0 =	smov.u32 s22;
	s2 =	sshra.s32 s22, $0x1F;
	s3 =	ssub.s32 $0x4000, s22  }
0x5a: {  	s0 =	simm.s32 @!p1 $0x3F10;
	s2 =	sand.u32 s2, s22;
	p1 =	slt.s32 s3, $0xF0  }
0x5b: {  	s0 =	ssub.s32 s0, s2;
	s3 =	simm.s32 @!p1 $0xF0  }
0x5c: {  	s0 =	sadd.s32 $0xFFFFC0F0, s0;
	s25 =	sshll.u32 s3, $0x7  }
0x5d: {  	s26 =	sshll.u32 s0, $0x2;
	s2 =	sand.u32 $0x3FFFFF80, s25  }
0x5e: {  	p1 =	sgt.s32 s0, $0xEF;
	s29 =	ssub.s32 $0x3C0, s26;
	_ =	swait.ge [sflag:s10], s2  }
0x5f: {  	s2 =	ssub.s32 $0x0, s2;
	[sflag:s10] =	ssyncset.done $0x0;
	s0 =	sshrl.u32 s29, $0x2  }
0x60: {  	[sflag:s10] =	ssyncadd.s32 s2;
	s0 =	simm.s32 @p1 $0x0  }
0x61: {  	_ =	swait.ge [sflag:s11], s0  }
0x62: {  	s0 =	ssub.s32 $0x0, s0;
	[sflag:s11] =	ssyncset.done $0x0  }
0x63: {  	[sflag:s11] =	ssyncadd.s32 s0  }
0x64: {  	v1 =	vld [tilespmem:$0xF208];
	_ =	sdelay $0x4  }
0x65: {  	(v2sf) =	vpush v1, $0x0  }
0x66: {  	(v2sf) =	vpush v1, $0x1  }
0x67: {  	(v2sf) =	vpush v1, $0x2;
	_ =	sdelay $0x3  }
0x68: {  	s0 =	sadd.s32 $0xF0, s22  }
0x69: {  	s2 =	ssub.s32 $0x8000, s22;
	p1 =	slt.s32 s8, s0  }
0x6a: {  	s0 =	smov.u32 @p1 s8;
	p1 =	sgt.s32 s2, $0x0  }
0x6b: {  	s26 =	ssub.s32 s0, s22;
	s2 =	simm.s32 @!p1 $0x0  }
0x6c: {  	p1 =	slt.s32 s2, s26  }
0x6d: {  	s26 =	smov.u32 @p1 s2  }
0x6e: {  	s25 =	simm.s32 $0x1;
	p1 =	slt.s32 s26, $0x1  }
.Ltmp4:
0x6f: {  	s25 =	simm.s32 @!p0 $0x0;
	(pc) =	sbr.rel @p1 .LBB2_8-.Ltmp4, $4  }
0x70: {  	s31 =	smul.u32 $0x3C0, s25  }
0x71: {  	s28 =	spop (v2sf)  }
0x72: {  	s0 =	sshrl.u32 s31, $0x2;
	s30 =	spop (v2sf)  }
0x73: {  	s23 =	sadd.s32 $0x10518, s0;
	s22 =	spop (v2sf)  }
0x74: {  	s0 =	smin.u32 s26, $0x10  }
0x75: {  	v1 =	vmov s0  }
0x76: {  	p2 =	sgt.s32 s26, $0x10;
	vm1 =	vgt.u32 v1, v0  }
.Ltmp5:
0x77: {  	_ = 	snop;
	(pc) =	sbr.rel @!p2 .LBB2_7-.Ltmp5, $2  }
0x78: {  	_ =	sdelay $0x2  }
0x79: {  	s4 =	simm.s32 $0x10;
	s24 =	sadd.s32 $0xFFFFFFF0, s26;
	s0 =	smov.u32 s23;
	vm0 =	vmmov vm1  }
.LBB2_6:
0x7a: {  	s2 =	smin.u32 s24, $0x10;
	s4 =	sadd.s32 $0x10, s4;
	v1 =	vld.msk [tilespmem:s0+$0x0 ss:$0x1], vm1  }
0x7b: {  	v2 =	vmov s2;
	p2 =	slt.s32 s4, s26  }
0x7c: {  	vm1 =	vgt.u32 v2, v0  }
.Ltmp6:
0x7d: {  	(pc) =	sbr.rel @p2 .LBB2_6-.Ltmp6, $3  }
0x7e: {  	_ =	sdelay $0x1  }
0x7f: {  	v1 =	vshll.u32 v1, $0x4  }
0x80: {  	s24 =	sadd.s32 $0xFFFFFFF0, s24;
	[tilespmem:s0+$0x0] =	vst.msk vm0, v1;
	s0 =	sadd.s32 $0x10, s0;
	vm0 =	vmmov vm1  }
.LBB2_7:
0x81: {  	_ =	sdelay $0x4  }
0x82: {  	v1 =	vld.msk [tilespmem:s0+$0x0 ss:$0x1], vm1;
	_ =	sdelay $0x4  }
0x83: {  	v1 =	vshll.u32 v1, $0x4  }
0x84: {  	[tilespmem:s0+$0x0] =	vst.msk vm0, v1  }
.LBB2_8:
0x85: {  	s0 =	sand.u32 $0x1, s21  }
0x86: {  	s2 =	smul.u32 $0x7800, s0  }
0x87: {  	p2 =	sne.s32 s30, $0xFFFFFFFF  }
0x88: {  	v1 =	vld @!p2 [tilespmem:s2+$0x106F8];
	_ =	sdelay $0x2  }
0x89: {  	s0 =	smul.u32 $0xF0, s0;
	_ =	sdelay $0x1  }
0x8a: {  	v2 =	vld.msk @!p2 [tilespmem:s0+$0x10518], $0x1;
	[tilespmem:$0x108] =	vst @!p2 v1  }
0x8b: {  	v1 =	vld @!p2 [tilespmem:s2+$0x10708];
	_ =	sdelay $0x4  }
0x8c: {  	[tilespmem:$0x118] =	vst @!p2 v1  }
0x8d: {  	v1 =	vld @!p2 [tilespmem:s2+$0x10718];
	_ =	sdelay $0x4  }
0x8e: {  	[tilespmem:$0x128] =	vst @!p2 v1  }
0x8f: {  	v1 =	vld @!p2 [tilespmem:s2+$0x10728];
	_ =	sdelay $0x4  }
0x90: {  	[tilespmem:$0x138] =	vst @!p2 v1  }
0x91: {  	v1 =	vld @!p2 [tilespmem:s2+$0x10738];
	_ =	sdelay $0x4  }
0x92: {  	[tilespmem:$0x148] =	vst @!p2 v1  }
0x93: {  	(v2sf) =	vpush @!p2 v2, $0x0;
	v1 =	vld @!p2 [tilespmem:s2+$0x10748];
	_ =	sdelay $0x4  }
0x94: {  	[tilespmem:$0x158] =	vst @!p2 v1  }
0x95: {  	v1 =	vld @!p2 [tilespmem:s2+$0x10758];
	_ =	sdelay $0x4  }
0x96: {  	[tilespmem:$0x168] =	vst @!p2 v1  }
0x97: {  	v1 =	vld @!p2 [tilespmem:s2+$0x10768]  }
.Ltmp7:
0x98: {  	_ = 	snop;
	(pc) =	sbr.rel @p1 .LBB2_19-.Ltmp7, $4  }
0x99: {  	_ = 	snop  }
0x9a: {  	s29 =	spop @!p2 (v2sf)  }
0x9b: {  	s22 =	simm.s32 @!p2 $0x0;
	s24 =	smov.u32 s29  }
0x9c: {  	s29 =	smov.u32 @p2 s28;
	s24 =	smov.u32 @p2 s30;
	[tilespmem:$0x178] =	vst @!p2 v1;
	[sflag:s18] =	ssyncpa.u1 $0x0  }
0x9d: {  	v1 =	vld.msk [tilespmem:s23+$0x0], $0x1;
	_ =	sdelay $0x4  }
0x9e: {  	(v2sf) =	vpush v1, $0x0;
	_ =	sdelay $0xe  }
0x9f: {  	s2 =	smul.u32 $0x1E000, s25;
	s0 =	spop (v2sf)  }
0xa0: {  	s26 =	ssub.s32 $0x0, s26;
	p1 =	seq.s32 s29, s0  }
0xa1: {  	s30 =	sadd.s32 $0x1, s26;
	s2 =	sshrl.u32 s2, $0x2;
	p2 =	sgt.s32 @!p1 s29, $0x0  }
0xa2: {  	s25 =	sor.u32 $0x10738, s2;
	s2 =	smov.u32 s29;
	p2 =	por !p2, p1  }
0xa3: {  	s2 =	simm.s32 @p2 $0x0;
	p2 =	seq.s32 s30, $0x0  }
.Ltmp8:
0xa4: {  	_ = 	snop;
	(pc) =	sbr.rel @p2 .LBB2_11-.Ltmp8, $4  }
0xa5: {  	_ = 	snop  }
0xa6: {  	s28 =	simm.s32 $0x0;
	s31 =	sadd.s32 $0x1, s23;
	s2 =	smin.u32 @!p1 s2, $0xFFFF0  }
0xa7: {  	s4 =	simm.s32 @!p1 $0x1;
	s5 =	simm.s32 @!p1 $0x7988;
	s3 =	sand.u32 @!p1 $0xFFFF8, s2  }
0xa8: {  	s4 =	smov.u32 @p1 s28;
	s2 =	sand.u32 @!p1 $0x7, s2;
	s3 =	sadd.s32 @!p1 s1, s3  }
.LBB2_10:
0xa9: {  	s9 =	smov.u32 s4  }
0xaa: {  	[tilespmem:s5], [sflag:$0x2] =	stream.linear.gather @!p1 [hbm4b:s3+s2], $0x80, $0x38;
	[tilespmem:$0x1F6F8] =	vst v63  }
0xab: {  	s30 =	sadd.s32 $0x1, s30;
	s2 =	smov.u32 s0;
	v1 =	vld.msk [tilespmem:s31+$0x0], $0x1  }
0xac: {  	p2 =	seq.s32 s30, $0x0;
	_ =	sdelay $0x3  }
0xad: {  	(v2sf) =	vpush v1, $0x0;
	_ =	sdelay $0xe  }
0xae: {  	s0 =	spop (v2sf)  }
0xaf: {  	p1 =	seq.s32 s2, s0  }
0xb0: {  	p3 =	sgt.s32 @!p1 s2, $0x0;
	s3 =	sshll.u32 @!p1 s4, $0x9;
	s4 =	sadd.s32 @!p1 $0x1, s4  }
.Ltmp9:
0xb1: {  	p3 =	por !p3, p1;
	s3 =	sshra.s32 @!p1 s3, $0x2;
	(pc) =	sbr.rel @!p2 .LBB2_10-.Ltmp9, $4  }
0xb2: {  	s4 =	smov.u32 @p1 s9;
	s2 =	simm.s32 @p3 $0x0;
	s5 =	sadd.s32 @!p1 $0x7988, s3  }
0xb3: {  	s2 =	smin.u32 @!p1 s2, $0xFFFF0  }
0xb4: {  	s3 =	sand.u32 @!p1 $0xFFFF8, s2;
	s2 =	sand.u32 @!p1 $0x7, s2  }
0xb5: {  	s31 =	sadd.s32 $0x1, s31;
	s3 =	sadd.s32 @!p1 s1, s3  }
.LBB2_11:
0xb6: {  	[tilespmem:s5], [sflag:$0x2] =	stream.linear.gather @!p1 [hbm4b:s3+s2], $0x80, $0x38;
	[tilespmem:$0x1F6F8] =	vst v63  }
.Ltmp10:
0xb7: {  	s0 =	sshll.u32 s4, $0x7;
	(pc) =	sbr.rel .LBB2_12-.Ltmp10, $4  }
0xb8: {  	s30 =	simm.s32 $0x2;
	s0 =	sand.u32 $0x3FFFFF80, s0  }
0xb9: {  	_ =	swait.ge [sflag:s30], s0  }
0xba: {  	s0 =	ssub.s32 $0x0, s0;
	[sflag:s30] =	ssyncset.done $0x0  }
0xbb: {  	s31 =	simm.s32 $0x0;
	[sflag:s30] =	ssyncadd.s32 s0  }
.LBB2_13:
0xbc: {  	s0 =	sshra.s32 s0, $0x2;
	v1 =	vld [tilespmem:s25+$0xFFFFFFC0]  }
0xbd: {  	v2 =	vld [tilespmem:s0+$0x108];
	_ =	sdelay $0x4  }
0xbe: {  	v1 =	vmax.f32 v1, v2  }
0xbf: {  	v2 =	vld [tilespmem:s0+$0x118];
	[tilespmem:s0+$0x108] =	vst v1  }
0xc0: {  	v1 =	vld [tilespmem:s25+$0xFFFFFFD0];
	_ =	sdelay $0x4  }
0xc1: {  	v1 =	vmax.f32 v1, v2  }
0xc2: {  	v2 =	vld [tilespmem:s0+$0x128];
	[tilespmem:s0+$0x118] =	vst v1  }
0xc3: {  	v1 =	vld [tilespmem:s25+$0xFFFFFFE0];
	_ =	sdelay $0x4  }
0xc4: {  	v1 =	vmax.f32 v1, v2  }
0xc5: {  	v2 =	vld [tilespmem:s0+$0x138];
	[tilespmem:s0+$0x128] =	vst v1  }
0xc6: {  	v1 =	vld [tilespmem:s25+$0xFFFFFFF0];
	_ =	sdelay $0x4  }
0xc7: {  	v1 =	vmax.f32 v1, v2  }
0xc8: {  	v2 =	vld [tilespmem:s0+$0x148];
	[tilespmem:s0+$0x138] =	vst v1  }
0xc9: {  	v1 =	vld [tilespmem:s25+$0x0];
	_ =	sdelay $0x4  }
0xca: {  	v1 =	vmax.f32 v1, v2  }
0xcb: {  	v2 =	vld [tilespmem:s0+$0x158];
	[tilespmem:s0+$0x148] =	vst v1  }
0xcc: {  	v1 =	vld [tilespmem:s25+$0x10];
	_ =	sdelay $0x4  }
0xcd: {  	v1 =	vmax.f32 v1, v2  }
0xce: {  	v2 =	vld [tilespmem:s0+$0x168];
	[tilespmem:s0+$0x158] =	vst v1  }
0xcf: {  	v1 =	vld [tilespmem:s25+$0x20];
	_ =	sdelay $0x4  }
0xd0: {  	v1 =	vmax.f32 v1, v2  }
0xd1: {  	v2 =	vld [tilespmem:s0+$0x178];
	[tilespmem:s0+$0x168] =	vst v1  }
0xd2: {  	v1 =	vld [tilespmem:s25+$0x30];
	_ =	sdelay $0x4  }
0xd3: {  	v1 =	vmax.f32 v1, v2  }
0xd4: {  	[tilespmem:s0+$0x178] =	vst v1  }
.LBB2_17:
0xd5: {  	s26 =	sadd.s32 $0x1, s26  }
0xd6: {  	p1 =	seq.s32 s26, $0x0  }
.Ltmp11:
0xd7: {  	_ = 	snop;
	(pc) =	sbr.rel @p1 .LBB2_18-.Ltmp11, $2  }
0xd8: {  	_ =	sdelay $0x2  }
0xd9: {  	s23 =	sadd.s32 $0x1, s23;
	s25 =	sadd.s32 $0x80, s25;
	s29 =	smov.u32 s30  }
.LBB2_12:
0xda: {  	v1 =	vld.msk [tilespmem:s23+$0x0], $0x1;
	_ =	sdelay $0x4  }
0xdb: {  	(v2sf) =	vpush v1, $0x0;
	_ =	sdelay $0xe  }
0xdc: {  	s30 =	spop (v2sf)  }
0xdd: {  	p1 =	sne.s32 s29, s30  }
.Ltmp12:
0xde: {  	_ = 	snop;
	(pc) =	sbr.rel @!p1 .LBB2_13-.Ltmp12, $2  }
0xdf: {  	_ =	sdelay $0x2  }
0xe0: {  	s0 =	sshll.u32 s22, $0x9  }
0xe1: {  	p1 =	seq.s32 s29, s24  }
.Ltmp13:
0xe2: {  	_ = 	snop;
	(pc) =	sbr.rel @!p1 .LBB2_15-.Ltmp13, $1  }
0xe3: {  	_ =	sdelay $0x3  }
0xe4: {  	s0 =	sshra.s32 s0, $0x2  }
.Ltmp14:
0xe5: {  	s0 =	sadd.s32 $0x108, s0;
	(pc) =	sbr.rel .LBB2_16-.Ltmp14, $4  }
0xe6: {  	[spmem:s16] =	stream.linear.scatter [tilespmem:s0], [sflag:$0x1], $0x80, $0x38;
	[tilespmem:$0x1F6F8] =	vst v63  }
0xe7: {  	_ =	swait.ge [sflag:s12], $0x80  }
0xe8: {  	[sflag:s12] =	ssyncset.done $0x0  }
0xe9: {  	[sflag:s12] =	ssyncadd.s32 $0xFFFFFF80  }
.LBB2_15:
0xea: {  	s2 =	sshll.u32 s28, $0x9;
	s0 =	sshra.s32 s0, $0x2  }
0xeb: {  	s2 =	sshra.s32 s2, $0x2;
	v2 =	vld [tilespmem:s0+$0x108]  }
0xec: {  	v1 =	vld [tilespmem:s2+$0x7988];
	_ =	sdelay $0x4  }
0xed: {  	v1 =	vmax.f32 v1, v2  }
0xee: {  	v2 =	vld [tilespmem:s0+$0x118];
	[tilespmem:s0+$0x108] =	vst v1  }
0xef: {  	v1 =	vld [tilespmem:s2+$0x7998];
	_ =	sdelay $0x4  }
0xf0: {  	v1 =	vmax.f32 v1, v2  }
0xf1: {  	v2 =	vld [tilespmem:s0+$0x128];
	[tilespmem:s0+$0x118] =	vst v1  }
0xf2: {  	v1 =	vld [tilespmem:s2+$0x79A8];
	_ =	sdelay $0x4  }
0xf3: {  	v1 =	vmax.f32 v1, v2  }
0xf4: {  	v2 =	vld [tilespmem:s0+$0x138];
	[tilespmem:s0+$0x128] =	vst v1  }
0xf5: {  	v1 =	vld [tilespmem:s2+$0x79B8];
	_ =	sdelay $0x4  }
0xf6: {  	v1 =	vmax.f32 v1, v2  }
0xf7: {  	v2 =	vld [tilespmem:s0+$0x148];
	[tilespmem:s0+$0x138] =	vst v1  }
0xf8: {  	v1 =	vld [tilespmem:s2+$0x79C8];
	_ =	sdelay $0x4  }
0xf9: {  	v1 =	vmax.f32 v1, v2  }
0xfa: {  	v2 =	vld [tilespmem:s0+$0x158];
	[tilespmem:s0+$0x148] =	vst v1  }
0xfb: {  	v1 =	vld [tilespmem:s2+$0x79D8];
	_ =	sdelay $0x4  }
0xfc: {  	v1 =	vmax.f32 v1, v2  }
0xfd: {  	v2 =	vld [tilespmem:s0+$0x168];
	[tilespmem:s0+$0x158] =	vst v1  }
0xfe: {  	v1 =	vld [tilespmem:s2+$0x79E8];
	_ =	sdelay $0x4  }
0xff: {  	v1 =	vmax.f32 v1, v2  }
0x100: {  	v2 =	vld [tilespmem:s0+$0x178];
	[tilespmem:s0+$0x168] =	vst v1  }
0x101: {  	v1 =	vld [tilespmem:s2+$0x79F8];
	_ =	sdelay $0x3  }
0x102: {  	p1 =	sgt.u32 s29, $0xFFFF0  }
0x103: {  	s2 =	sand.u32 @!p1 $0xFFFF8, s29;
	v1 =	vmax.f32 v1, v2  }
0x104: {  	s3 =	sadd.s32 $0x108, s0;
	[tilespmem:s0+$0x178] =	vst v1;
	s0 =	sadd.s32 @!p1 s1, s2;
	s2 =	sand.u32 @!p1 $0x7, s29  }
0x105: {  	[hbm4b:s0+s2] =	stream.linear.scatter @!p1 [tilespmem:s3], [sflag:$0xC], $0x80, $0x38;
	[tilespmem:$0x1F6F8] =	vst v63  }
0x106: {  	s0 =	simm.s32 $0x0  }
0x107: {  	s0 =	simm.s32 @!p1 $0x200  }
0x108: {  	s31 =	sadd.s32 s0, s31  }
.LBB2_16:
0x109: {  	s0 =	sadd.s32 $0x1, s22  }
0x10a: {  	s2 =	smulhi.u32 $0x88888889, s0;
	_ =	sdelay $0x1  }
0x10b: {  	v1 =	vld [tilespmem:s25+$0xFFFFFFC0];
	s2 =	sshrl.u32 s2, $0x7  }
0x10c: {  	s2 =	smul.u32 $0xF0, s2;
	_ =	sdelay $0x1  }
0x10d: {  	s22 =	ssub.s32 s0, s2  }
0x10e: {  	s0 =	sshll.u32 s22, $0x7  }
0x10f: {  	[tilespmem:s0+$0x108] =	vst v1  }
0x110: {  	v1 =	vld [tilespmem:s25+$0xFFFFFFD0];
	_ =	sdelay $0x4  }
0x111: {  	[tilespmem:s0+$0x118] =	vst v1  }
0x112: {  	v1 =	vld [tilespmem:s25+$0xFFFFFFE0];
	_ =	sdelay $0x4  }
0x113: {  	[tilespmem:s0+$0x128] =	vst v1  }
0x114: {  	v1 =	vld [tilespmem:s25+$0xFFFFFFF0];
	_ =	sdelay $0x4  }
0x115: {  	[tilespmem:s0+$0x138] =	vst v1  }
0x116: {  	v1 =	vld [tilespmem:s25+$0x0];
	_ =	sdelay $0x4  }
0x117: {  	[tilespmem:s0+$0x148] =	vst v1  }
0x118: {  	v1 =	vld [tilespmem:s25+$0x10];
	_ =	sdelay $0x4  }
0x119: {  	[tilespmem:s0+$0x158] =	vst v1  }
0x11a: {  	v1 =	vld [tilespmem:s25+$0x20];
	_ =	sdelay $0x4  }
0x11b: {  	[tilespmem:s0+$0x168] =	vst v1  }
0x11c: {  	v1 =	vld [tilespmem:s25+$0x30]  }
.Ltmp15:
0x11d: {  	_ = 	snop;
	(pc) =	sbr.rel .LBB2_17-.Ltmp15, $2  }
0x11e: {  	_ =	sdelay $0x2  }
0x11f: {  	s28 =	sadd.s32 $0x1, s28;
	[tilespmem:s0+$0x178] =	vst v1  }
.LBB2_19:
.Ltmp16:
0x120: {  	(pc) =	sbr.rel .LBB2_20-.Ltmp16, $4  }
0x121: {  	_ = 	snop  }
0x122: {  	s0 =	simm.s32 $0x2  }
0x123: {  	_ =	swait.ge [sflag:s0], $0x0  }
0x124: {  	s30 =	smov.u32 s29;
	[sflag:s0] =	ssyncset.done $0x0;
	s0 =	simm.s32 $0x0  }
.LBB2_22:
0x125: {  	_ =	sfence.sel $0x180000  }
0x126: {  	s0 =	simm.s32 $0x9;
	[bflag:$0x0] =	sbarrier.arrive $0xFFFF  }
0x127: {  	s24 =	simm.s32 $0xA;
	[sflag:s0] =	ssyncpa.u1 $0x1  }
0x128: {  	s25 =	simm.s32 $0xB;
	[sflag:s24] =	ssyncpa.u1 $0x1  }
0x129: {  	s26 =	simm.s32 $0x2;
	[sflag:s25] =	ssyncpa.u1 $0x1  }
0x12a: {  	[sflag:s26] =	ssyncpa.u1 $0x1  }
0x12b: {  	v0 =	vld [tilespmem:$0xF208];
	_ =	sdelay $0x4  }
0x12c: {  	(v2sf) =	vpush v0, $0x0  }
0x12d: {  	(v2sf) =	vpush v0, $0x1;
	_ =	sdelay $0x1  }
0x12e: {  	(v2sf) =	vpush v0, $0x2;
	_ =	sdelay $0xb  }
0x12f: {  	s0 =	spop (v2sf)  }
0x130: {  	s2 =	spop (v2sf)  }
0x131: {  	s3 =	smov.u32 s0;
	p0 =	sne.s32 s0, s2  }
0x132: {  	s4 =	spop (v2sf);
	s3 =	simm.s32 @!p0 $0xFFFFFFFF  }
0x133: {  	v2 =	vimm.s32 $0x1;
	v3 =	vlaneseq.u32;
	p0 =	seq.s32 s4, $0xFFFFFFFF;
	v1 =	vmov s3  }
0x134: {  	s16 =	stileid.u32;
	v0 =	vperm.xlane v0, v2;
	p1 =	sne.s32 @!p0 s0, s2;
	v1 =	vperm.xlane v1, v3  }
0x135: {  	vm0 =	vcmask $0x3F04;
	s6 =	simm.s32 $0xF208;
	s0 =	simm.s32 @!p0 $0x1;
	p1 =	por !p1, p0  }
0x136: {  	s3 =	sshll.u32 s16, $0x1;
	s2 =	sshll.u32 @!p0 s4, $0x9;
	s0 =	simm.s32 @p1 $0x0;
	v0 =	vsel vm0, v1, v0  }
0x137: {  	s5 =	sor.u32 $0x1000, s3;
	s2 =	sshra.s32 @!p0 s2, $0x2;
	s0 =	sor.u32 @!p0 s0, s3;
	[tilespmem:$0xF208] =	vst v0  }
0x138: {  	[spmem:s5] =	stream.linear.scatter [tilespmem:s6], [sflag:$0x1], $0x2, $0x38;
	[tilespmem:$0x1F6F8] =	vst v63  }
0x139: {  	s2 =	sadd.s32 @!p0 $0x108, s2;
	s0 =	sshll.u32 @!p0 s0, $0x7  }
0x13a: {  	[spmem:s0] =	stream.linear.scatter @!p0 [tilespmem:s2], [sflag:$0x1], $0x80, $0x38;
	[tilespmem:$0x1F6F8] =	vst v63  }
0x13b: {  	s0 =	simm.s32 @!p0 $0x82  }
0x13c: {  	s28 =	simm.s32 $0x1;
	s0 =	simm.s32 @p0 $0x2  }
0x13d: {  	_ =	swait.ge [sflag:s28], s0  }
0x13e: {  	s0 =	ssub.s32 $0x0, s0;
	[sflag:s28] =	ssyncset.done $0x0  }
0x13f: {  	p0 =	sne.s32 s16, $0x0;
	[sflag:s28] =	ssyncadd.s32 s0  }
.Ltmp17:
0x140: {  	_ =	sfence.stream.spmem;
	(pc) =	sbr.rel @p0 .LBB2_39-.Ltmp17, $4  }
0x141: {  	s29 =	simm.s32 $0x3;
	[bflag:$0x0] =	sbarrier.arrive $0xFFFF  }
0x142: {  	s30 =	simm.s32 $0x4;
	[sflag:s29] =	ssyncpa.u1 $0x1  }
0x143: {  	s31 =	simm.s32 $0x3C;
	[sflag:s30] =	ssyncpa.u1 $0x1  }
0x144: {  	s15 =	rddreg [dreg:$0x5];
	[sflag:s31] =	ssyncpa.u1 $0x1  }
0x145: {  	_ =	sfence.stream.spmem;
	s0 =	simm.s32 $0x5  }
0x146: {  	s2 =	simm.s32 $0x1000;
	s3 =	simm.s32 $0xF218;
	[sflag:s0] =	ssyncpa.u1 $0x0  }
0x147: {  	[tilespmem:s3], [sflag:$0x5] =	stream.linear.gather [spmem:s2], $0x20, $0x38;
	[tilespmem:$0x1F6F8] =	vst v63  }
0x148: {  	s26 =	simm.s32 $0x0;
	s28 =	simm.s32 $0xF238  }
0x149: {  	[tilespmem:s28], [sflag:$0x5] =	stream.linear.gather [spmem:s26], $0x1000, $0x38;
	[tilespmem:$0x1F6F8] =	vst v63  }
0x14a: {  	_ =	swait.ge [sflag:s0], $0x1020  }
0x14b: {  	[sflag:s0] =	ssyncset.done $0x0  }
0x14c: {  	s29 =	simm.s32 $0x0;
	[sflag:s0] =	ssyncadd.s32 $0xFFFFEFE0  }
0x14d: {  	v0 =	vld.msk [tilespmem:s29+$0xF218], $0x1;
	_ =	sdelay $0x1  }
0x14e: {  	s30 =	simm.s32 $0x1  }
0x14f: {  	v1 =	vld.msk [tilespmem:s30+$0xF218], $0x1;
	_ =	sdelay $0x1  }
0x150: {  	(v2sf) =	vpush v0, $0x0;
	_ =	sdelay $0x2  }
0x151: {  	(v2sf) =	vpush v1, $0x0;
	_ =	sdelay $0x2  }
0x152: {  	s31 =	simm.s32 $0x2  }
0x153: {  	v0 =	vld.msk [tilespmem:s31+$0xF218], $0x1;
	_ =	sdelay $0x2  }
0x154: {  	s4 =	simm.s32 $0xFFFFFFFF;
	s5 =	simm.s32 $0xFFFFFFFF;
	s0 =	simm.s32 $0xC  }
.LBB2_24:
0x155: {  	s2 =	smov.u32 s5;
	s3 =	smov.u32 s4  }
0x156: {  	s4 =	sshra.s32 s0, $0x2;
	p1 =	sne.s32 s0, $0x7C;
	s0 =	sadd.s32 $0x4, s0;
	(v2sf) =	vpush v0, $0x0  }
0x157: {  	v0 =	vld.msk [tilespmem:s4+$0xF218], $0x1  }
.Ltmp18:
0x158: {  	(pc) =	sbr.rel @p1 .LBB2_24-.Ltmp18, $4  }
0x159: {  	s5 =	spop (v2sf)  }
0x15a: {  	p2 =	sne.s32 s3, $0xFFFFFFFF;
	s4 =	smov.u32 s5  }
0x15b: {  	p3 =	seq.s32 s5, $0xFFFFFFFF;
	s4 =	smov.u32 @p2 s3  }
0x15c: {  	s5 =	smov.u32 @p3 s2;
	s4 =	smov.u32 @p3 s3  }
0x15d: {  	(v2sf) =	vpush v0, $0x0;
	_ =	sdelay $0x8  }
0x15e: {  	s0 =	spop (v2sf)  }
0x15f: {  	p1 =	sne.s32 s4, $0xFFFFFFFF;
	s2 =	smov.u32 s0  }
0x160: {  	s9 =	simm.s32 $0x6;
	p2 =	seq.s32 s0, $0xFFFFFFFF;
	s2 =	smov.u32 @p1 s4  }
0x161: {  	s6 =	simm.s32 $0x0;
	s2 =	smov.u32 @p2 s4;
	s3 =	spop (v2sf)  }
0x162: {  	s0 =	smov.u32 @p2 s5;
	p1 =	sne.s32 s2, $0xFFFFFFFF;
	s4 =	smov.u32 s3  }
.Ltmp19:
0x163: {  	p2 =	seq.s32 s3, $0xFFFFFFFF;
	s4 =	smov.u32 @p1 s2;
	(pc) =	sbr.rel .LBB2_26-.Ltmp19, $4  }
0x164: {  	s10 =	simm.s32 $0xF188;
	s4 =	smov.u32 @p2 s2;
	s7 =	spop (v2sf)  }
0x165: {  	s11 =	simm.s32 $0x0;
	p1 =	sne.s32 s4, $0xFFFFFFFF;
	s8 =	smov.u32 s7  }
0x166: {  	s3 =	smov.u32 @p2 s0;
	p2 =	seq.s32 s7, $0xFFFFFFFF;
	s8 =	smov.u32 @p1 s4  }
0x167: {  	[sflag:s9] =	ssyncpa.u1 $0x0;
	s7 =	smov.u32 @p2 s3;
	s8 =	smov.u32 @p2 s4  }
.LBB2_32:
0x168: {  	p1 =	sgt.u32 s12, $0xFFFF0  }
0x169: {  	p2 =	seq.s32 @!p1 s12, s8  }
0x16a: {  	p1 =	por p1, p2  }
0x16b: {  	p2 =	sne.s32 @!p1 s12, s7  }
0x16c: {  	p1 =	por p1, !p2  }
0x16d: {  	s0 =	sshll.u32 @p1 s11, $0x9  }
0x16e: {  	s0 =	sand.u32 @!p1 $0xFFFF8, s12  }
0x16f: {  	s2 =	sand.u32 @!p1 $0x7, s12;
	s0 =	sadd.s32 @!p1 s1, s0  }
0x170: {  	[tilespmem:s10], [sflag:$0x6] =	stream.linear.gather @!p1 [hbm4b:s0+s2], $0x80, $0x38;
	[tilespmem:$0x1F6F8] =	vst v63  }
0x171: {  	_ =	swait.ge @!p1 [sflag:s9], $0x80  }
0x172: {  	[sflag:s9] =	ssyncset.done @!p1 $0x0  }
0x173: {  	s0 =	sshll.u32 @!p1 s11, $0x9;
	[sflag:s9] =	ssyncadd.s32 @!p1 $0xFFFFFF80  }
0x174: {  	s2 =	sshrl.u32 @!p1 s0, $0x2;
	v1 =	vld @!p1 [tilespmem:$0xF188]  }
0x175: {  	v2 =	vld @!p1 [tilespmem:s2+$0xF238];
	_ =	sdelay $0x4  }
0x176: {  	v1 =	vmax.f32 @!p1 v1, v2  }
0x177: {  	v2 =	vld @!p1 [tilespmem:s2+$0xF248];
	[tilespmem:s2+$0xF238] =	vst @!p1 v1  }
0x178: {  	v1 =	vld @!p1 [tilespmem:$0xF198];
	_ =	sdelay $0x4  }
0x179: {  	v1 =	vmax.f32 @!p1 v1, v2  }
0x17a: {  	v2 =	vld @!p1 [tilespmem:s2+$0xF258];
	[tilespmem:s2+$0xF248] =	vst @!p1 v1  }
0x17b: {  	v1 =	vld @!p1 [tilespmem:$0xF1A8];
	_ =	sdelay $0x4  }
0x17c: {  	v1 =	vmax.f32 @!p1 v1, v2  }
0x17d: {  	v2 =	vld @!p1 [tilespmem:s2+$0xF268];
	[tilespmem:s2+$0xF258] =	vst @!p1 v1  }
0x17e: {  	v1 =	vld @!p1 [tilespmem:$0xF1B8];
	_ =	sdelay $0x4  }
0x17f: {  	v1 =	vmax.f32 @!p1 v1, v2  }
0x180: {  	v2 =	vld @!p1 [tilespmem:s2+$0xF278];
	[tilespmem:s2+$0xF268] =	vst @!p1 v1  }
0x181: {  	v1 =	vld @!p1 [tilespmem:$0xF1C8];
	_ =	sdelay $0x4  }
0x182: {  	v1 =	vmax.f32 @!p1 v1, v2  }
0x183: {  	v2 =	vld @!p1 [tilespmem:s2+$0xF288];
	[tilespmem:s2+$0xF278] =	vst @!p1 v1  }
0x184: {  	v1 =	vld @!p1 [tilespmem:$0xF1D8];
	_ =	sdelay $0x4  }
0x185: {  	v1 =	vmax.f32 @!p1 v1, v2  }
0x186: {  	v2 =	vld @!p1 [tilespmem:s2+$0xF298];
	[tilespmem:s2+$0xF288] =	vst @!p1 v1  }
0x187: {  	v1 =	vld @!p1 [tilespmem:$0xF1E8];
	_ =	sdelay $0x4  }
0x188: {  	v1 =	vmax.f32 @!p1 v1, v2  }
0x189: {  	v2 =	vld @!p1 [tilespmem:s2+$0xF2A8];
	[tilespmem:s2+$0xF298] =	vst @!p1 v1  }
0x18a: {  	v1 =	vld @!p1 [tilespmem:$0xF1F8];
	_ =	sdelay $0x4  }
0x18b: {  	v1 =	vmax.f32 @!p1 v1, v2  }
0x18c: {  	[tilespmem:s2+$0xF2A8] =	vst @!p1 v1  }
0x18d: {  	s0 =	sshrl.u32 s0, $0x2;
	[tilespmem:s6+$0xF218] =	vst.msk $0x1, v0  }
0x18e: {  	v0 =	vld [tilespmem:s0+$0xF238];
	_ =	sdelay $0x2  }
0x18f: {  	s31 =	sshll.u32 s6, $0x9  }
0x190: {  	s2 =	sshra.s32 s31, $0x2  }
0x191: {  	[tilespmem:s2+$0xF238] =	vst v0  }
0x192: {  	v0 =	vld [tilespmem:s0+$0xF248];
	_ =	sdelay $0x4  }
0x193: {  	[tilespmem:s2+$0xF248] =	vst v0  }
0x194: {  	v0 =	vld [tilespmem:s0+$0xF258];
	_ =	sdelay $0x4  }
0x195: {  	[tilespmem:s2+$0xF258] =	vst v0  }
0x196: {  	v0 =	vld [tilespmem:s0+$0xF268];
	_ =	sdelay $0x4  }
0x197: {  	[tilespmem:s2+$0xF268] =	vst v0  }
0x198: {  	v0 =	vld [tilespmem:s0+$0xF278];
	_ =	sdelay $0x4  }
0x199: {  	[tilespmem:s2+$0xF278] =	vst v0  }
0x19a: {  	v0 =	vld [tilespmem:s0+$0xF288];
	_ =	sdelay $0x4  }
0x19b: {  	[tilespmem:s2+$0xF288] =	vst v0  }
0x19c: {  	v0 =	vld [tilespmem:s0+$0xF298];
	_ =	sdelay $0x4  }
0x19d: {  	[tilespmem:s2+$0xF298] =	vst v0  }
0x19e: {  	v0 =	vld [tilespmem:s0+$0xF2A8];
	_ =	sdelay $0x4  }
0x19f: {  	s6 =	sadd.s32 $0x1, s6;
	[tilespmem:s2+$0xF2A8] =	vst v0  }
.LBB2_33:
0x1a0: {  	s11 =	sadd.s32 $0x1, s11  }
0x1a1: {  	p1 =	sne.s32 s11, $0x20  }
.Ltmp20:
0x1a2: {  	_ = 	snop;
	(pc) =	sbr.rel @!p1 .LBB2_34-.Ltmp20, $1  }
0x1a3: {  	_ =	sdelay $0x3  }
.LBB2_26:
0x1a4: {  	v0 =	vld.msk [tilespmem:s11+$0xF218], $0x1;
	_ =	sdelay $0x4  }
0x1a5: {  	(v2sf) =	vpush v0, $0x0;
	_ =	sdelay $0xe  }
0x1a6: {  	s12 =	spop (v2sf)  }
0x1a7: {  	p1 =	seq.s32 s12, $0xFFFFFFFF  }
.Ltmp21:
0x1a8: {  	_ = 	snop;
	(pc) =	sbr.rel @p1 .LBB2_33-.Ltmp21, $1  }
0x1a9: {  	_ =	sdelay $0x3  }
0x1aa: {  	p1 =	slt.s32 s6, $0x1  }
.Ltmp22:
0x1ab: {  	_ = 	snop;
	(pc) =	sbr.rel @p1 .LBB2_32-.Ltmp22, $1  }
0x1ac: {  	_ =	sdelay $0x3  }
0x1ad: {  	s13 =	simm.s32 $0xF218;
	p1 =	por $0x0, $0x0  }
0x1ae: {  	v1 =	vld.msk @!p1 [tilespmem:s13+$0x0], $0x1;
	_ =	sdelay $0x4  }
0x1af: {  	(v2sf) =	vpush @!p1 v1, $0x0;
	_ =	sdelay $0xd  }
0x1b0: {  	p3 =	sne.s32 s6, $0x1  }
.Ltmp23:
0x1b1: {  	s0 =	spop @!p1 (v2sf);
	(pc) =	sbr.rel @!p3 .LBB2_30-.Ltmp23, $4  }
0x1b2: {  	p2 =	seq.s32 @!p1 s12, s0  }
0x1b3: {  	s14 =	simm.s32 $0x0;
	p2 =	por !p2, p1  }
0x1b4: {  	s2 =	simm.s32 $0xFFFFFFFF;
	s14 =	simm.s32 @p2 $0xFFFFFFFF  }
0x1b5: {  	s0 =	simm.s32 $0x1;
	s14 =	smov.u32 @p1 s2  }
.LBB2_29:
0x1b6: {  	s2 =	smov.u32 s14;
	p1 =	sne.s32 s14, $0xFFFFFFFF  }
0x1b7: {  	s13 =	sadd.s32 $0x1, s13;
	s14 =	smov.u32 s0;
	s0 =	sadd.s32 $0x1, s0  }
0x1b8: {  	p2 =	sne.s32 s6, s0;
	v1 =	vld.msk @!p1 [tilespmem:s13+$0x0], $0x1;
	_ =	sdelay $0x4  }
0x1b9: {  	(v2sf) =	vpush @!p1 v1, $0x0;
	_ =	sdelay $0xe  }
.Ltmp24:
0x1ba: {  	s3 =	spop @!p1 (v2sf);
	(pc) =	sbr.rel @p2 .LBB2_29-.Ltmp24, $4  }
0x1bb: {  	p3 =	seq.s32 @!p1 s12, s3  }
0x1bc: {  	p3 =	por !p3, p1  }
0x1bd: {  	s14 =	simm.s32 @p3 $0xFFFFFFFF  }
0x1be: {  	s14 =	smov.u32 @p1 s2  }
.LBB2_30:
0x1bf: {  	p1 =	seq.s32 s14, $0xFFFFFFFF  }
.Ltmp25:
0x1c0: {  	_ = 	snop;
	(pc) =	sbr.rel @p1 .LBB2_32-.Ltmp25, $1  }
0x1c1: {  	_ =	sdelay $0x3  }
0x1c2: {  	s0 =	sshll.u32 s11, $0x7  }
0x1c3: {  	s2 =	sshll.u32 s14, $0x9;
	s0 =	sand.u32 $0x3FFFFF80, s0  }
0x1c4: {  	s2 =	sshra.s32 s2, $0x2;
	v0 =	vld [tilespmem:s0+$0xF238]  }
0x1c5: {  	v1 =	vld [tilespmem:s2+$0xF238];
	_ =	sdelay $0x4  }
0x1c6: {  	v0 =	vmax.f32 v0, v1  }
0x1c7: {  	v57 =	vld [tilespmem:s2+$0xF248];
	[tilespmem:s2+$0xF238] =	vst v0  }
0x1c8: {  	v0 =	vld [tilespmem:s0+$0xF248];
	_ =	sdelay $0x4  }
0x1c9: {  	v0 =	vmax.f32 v0, v57  }
0x1ca: {  	v58 =	vld [tilespmem:s2+$0xF258];
	[tilespmem:s2+$0xF248] =	vst v0  }
0x1cb: {  	v0 =	vld [tilespmem:s0+$0xF258];
	_ =	sdelay $0x4  }
0x1cc: {  	v0 =	vmax.f32 v0, v58  }
0x1cd: {  	v59 =	vld [tilespmem:s2+$0xF268];
	[tilespmem:s2+$0xF258] =	vst v0  }
0x1ce: {  	v0 =	vld [tilespmem:s0+$0xF268];
	_ =	sdelay $0x4  }
0x1cf: {  	v0 =	vmax.f32 v0, v59  }
0x1d0: {  	v60 =	vld [tilespmem:s2+$0xF278];
	[tilespmem:s2+$0xF268] =	vst v0  }
0x1d1: {  	v0 =	vld [tilespmem:s0+$0xF278];
	_ =	sdelay $0x4  }
0x1d2: {  	v0 =	vmax.f32 v0, v60  }
0x1d3: {  	v61 =	vld [tilespmem:s2+$0xF288];
	[tilespmem:s2+$0xF278] =	vst v0  }
0x1d4: {  	v0 =	vld [tilespmem:s0+$0xF288];
	_ =	sdelay $0x4  }
0x1d5: {  	v0 =	vmax.f32 v0, v61  }
0x1d6: {  	v62 =	vld [tilespmem:s2+$0xF298];
	[tilespmem:s2+$0xF288] =	vst v0  }
0x1d7: {  	v0 =	vld [tilespmem:s0+$0xF298];
	_ =	sdelay $0x4  }
0x1d8: {  	v0 =	vmax.f32 v0, v62  }
0x1d9: {  	v63 =	vld [tilespmem:s2+$0xF2A8];
	[tilespmem:s2+$0xF298] =	vst v0  }
0x1da: {  	v0 =	vld [tilespmem:s0+$0xF2A8];
	_ =	sdelay $0x1  }
.Ltmp26:
0x1db: {  	_ = 	snop;
	(pc) =	sbr.rel .LBB2_33-.Ltmp26, $3  }
0x1dc: {  	_ =	sdelay $0x1  }
0x1dd: {  	v0 =	vmax.f32 v0, v63  }
0x1de: {  	[tilespmem:s2+$0xF2A8] =	vst v0  }
.LBB2_34:
0x1df: {  	s0 =	simm.s32 $0x6;
	p1 =	seq.s32 s6, $0x0  }
0x1e0: {  	[sflag:s0] =	ssyncpa.u1 $0x1;
	v0 =	vimm.s32 @p1 $0xFFFFFFFF  }
0x1e1: {  	s9 =	sadd.s32 $0xFFFFFFFF, s6;
	[tilespmem:$0x10238] =	vst @p1 v0  }
0x1e2: {  	v0 =	vld.msk @!p1 [tilespmem:s9+$0xF218], $0x1;
	_ =	sdelay $0x1  }
0x1e3: {  	v1 =	vld.msk @!p1 [tilespmem:$0xF218], $0x1;
	_ =	sdelay $0x2  }
0x1e4: {  	p2 =	seq.s32 @!p1 s9, $0x0;
	v0 =	vbroadcast @!p1 v0, $0x0  }
0x1e5: {  	vm0 =	vmmov @!p1 $0x1;
	p2 =	por !p2, p1  }
0x1e6: {  	v1 =	vnsel @!p1 vm0, $0xFFFFFFFF, v1;
	vm0 =	vcmask @!p1 $0x308;
	v0 =	vpsel !p2, $0xFFFFFFFF, v0  }
0x1e7: {  	p2 =	sne.s32 @!p1 s8, s7;
	v0 =	vsel @!p1 vm0, v1, v0  }
0x1e8: {  	s0 =	simm.s32 @!p1 $0xF238;
	s2 =	simm.s32 @!p1 $0x0;
	p3 =	por !p2, p1;
	[tilespmem:$0x10238] =	vst @!p1 v0  }
0x1e9: {  	[spmem:s2] =	stream.linear.scatter @!p1 [tilespmem:s0], [sflag:$0x1], $0x80, $0x38;
	[tilespmem:$0x1F6F8] =	vst v63  }
0x1ea: {  	s0 =	sshll.u32 @!p3 s9, $0x9  }
0x1eb: {  	s0 =	sshra.s32 @!p3 s0, $0x2  }
0x1ec: {  	s2 =	simm.s32 @!p3 $0x80;
	s0 =	sadd.s32 @!p3 $0xF238, s0  }
0x1ed: {  	[spmem:s2] =	stream.linear.scatter @!p3 [tilespmem:s0], [sflag:$0x1], $0x80, $0x38;
	[tilespmem:$0x1F6F8] =	vst v63  }
0x1ee: {  	s0 =	simm.s32 @!p3 $0x1  }
0x1ef: {  	_ =	swait.ge @!p3 [sflag:s0], $0x100  }
0x1f0: {  	p1 =	por p2, p1;
	[sflag:s0] =	ssyncset.done @!p3 $0x0  }
0x1f1: {  	[sflag:s0] =	ssyncadd.s32 @!p3 $0xFFFFFF00;
	s0 =	simm.s32 @!p1 $0x1  }
0x1f2: {  	_ =	swait.ge @!p1 [sflag:s0], $0x80  }
0x1f3: {  	s29 =	simm.s32 $0x10238;
	[sflag:s0] =	ssyncset.done @!p1 $0x0  }
0x1f4: {  	s30 =	simm.s32 $0x1000;
	s31 =	simm.s32 $0x1;
	[sflag:s0] =	ssyncadd.s32 @!p1 $0xFFFFFF80  }
0x1f5: {  	[spmem:s30] =	stream.linear.scatter [tilespmem:s29], [sflag:$0x1], $0x10, $0x38;
	[tilespmem:$0x1F6F8] =	vst v63  }
0x1f6: {  	_ =	swait.ge [sflag:s31], $0x10  }
0x1f7: {  	[sflag:s31] =	ssyncset.done $0x0  }
0x1f8: {  	p1 =	seq.s32 s15, $0x0;
	s8 =	rddreg [dreg:$0x2];
	[sflag:s31] =	ssyncadd.s32 $0xFFFFFFF0  }
0x1f9: {  	s2 =	sshll.u32 @p1 s8, $0xE;
	s7 =	rddreg [dreg:$0x3]  }
0x1fa: {  	s0 =	sadd.s32 @p1 $0x15C3C, s2;
	s2 =	sshll.u32 @p1 s7, $0x11  }
0x1fb: {  	_ =	sfence.stream.spmem;
	s0 =	sor.u32 @p1 s2, s0  }
0x1fc: {  	[sflag:s0] =	ssyncadd.remote.s32 @p1 $0x1;
	s0 =	simm.s32 @p1 $0x4  }
0x1fd: {  	s3 =	simm.s32 @!p1 $0x3C;
	s2 =	sand.u32 $0xFFFFFFFE, s8;
	_ =	swait.ge @p1 [sflag:s0], $0x22  }
0x1fe: {  	s4 =	simm.s32 @!p1 $0x0;
	s2 =	sadd.s32 @!p1 $0x4, s2;
	[sflag:s0] =	ssyncset.done @p1 $0x0  }
0x1ff: {  	s5 =	simm.s32 @!p1 $0x100;
	[sflag:s0] =	ssyncadd.s32 @p1 $0xFFFFFFDE;
	s0 =	sshll.u32 @!p1 s2, $0x1A  }
0x200: {  	s2 =	sshll.u32 @!p1 s2, $0xD;
	s0 =	sor.u32 @!p1 s0, s7;
	_ =	swait.eq @!p1 [sflag:s3], $0x1  }
0x201: {  	s2 =	sor.u32 @!p1 $0x1C04, s2;
	s3 =	simm.s32 @!p1 $0x1C03;
	s0 =	sor.u32 @!p1 $0x80004000, s0  }
0x202: {  	[spmem:s5], [sflag:s2] =	dma.general @!p1 [spmem:s4], [sflag:s3], length:$0x20, [dreg:$0x0], stride_count:$0x0, ici_dest:s0, dma_misc:DstOpCode:WRITE  }
0x203: {  	p2 =	slt.s32 s9, $0x2;
	s4 =	simm.s32 @!p1 $0x200;
	s5 =	simm.s32 @!p1 $0x202  }
0x204: {  	[spmem:s5], [sflag:s2] =	dma.general @!p1 [spmem:s4], [sflag:s3], length:$0x2, [dreg:$0x0], stride_count:$0x0, ici_dest:s0, dma_misc:DstOpCode:WRITE  }
.Ltmp27:
0x205: {  	s0 =	simm.s32 @!p1 $0x3;
	(pc) =	sbr.rel @p2 .LBB2_38-.Ltmp27, $4  }
0x206: {  	s2 =	sshll.u32 @!p1 s8, $0xE;
	_ =	swait.ge @!p1 [sflag:s0], $0x22  }
0x207: {  	s3 =	sshll.u32 @!p1 s7, $0x11;
	s2 =	sadd.s32 @!p1 $0x11C3C, s2;
	[sflag:s0] =	ssyncset.done @!p1 $0x0  }
0x208: {  	[sflag:s0] =	ssyncadd.s32 @!p1 $0xFFFFFFDE;
	s0 =	sor.u32 @!p1 s3, s2  }
0x209: {  	[sflag:s0] =	ssyncadd.remote.s32 @!p1 $0xFFFFFFFF;
	s0 =	simm.s32 $0x0  }
0x20a: {  	s0 =	simm.s32 $0xF219  }
0x20b: {  	v0 =	vld.msk [tilespmem:s0+$0x0], $0x1;
	_ =	sdelay $0x4  }
0x20c: {  	(v2sf) =	vpush v0, $0x0;
	_ =	sdelay $0xb  }
0x20d: {  	s31 =	sadd.s32 $0xFFFFFFFE, s6  }
0x20e: {  	s0 =	sadd.s32 $0xFFFFFFFF, s31  }
0x20f: {  	p2 =	sne.s32 s0, $0x0  }
.Ltmp28:
0x210: {  	s2 =	spop (v2sf);
	(pc) =	sbr.rel @!p2 .LBB2_37-.Ltmp28, $4  }
0x211: {  	s4 =	simm.s32 $0xF2B8;
	s7 =	simm.s32 $0x0;
	p1 =	sgt.u32 s2, $0xFFFF0  }
0x212: {  	s5 =	simm.s32 $0x0;
	s6 =	simm.s32 $0xF21A;
	s3 =	sand.u32 @!p1 $0xFFFF8, s2  }
0x213: {  	s2 =	sand.u32 @!p1 $0x7, s2;
	s7 =	simm.s32 @!p1 $0x200;
	s3 =	sadd.s32 @!p1 s1, s3  }
0x214: {  	[hbm4b:s3+s2] =	stream.linear.scatter @!p1 [tilespmem:s4], [sflag:$0x5], $0x80, $0x38;
	[tilespmem:$0x1F6F8] =	vst v63  }
.LBB2_36:
0x215: {  	v0 =	vld.msk [tilespmem:s6+$0x0], $0x1;
	s0 =	sadd.s32 $0xFFFFFFFF, s0;
	s5 =	sadd.s32 s5, s7  }
0x216: {  	p1 =	sne.s32 s0, $0x0;
	_ =	sdelay $0x3  }
0x217: {  	(v2sf) =	vpush v0, $0x0;
	_ =	sdelay $0xe  }
.Ltmp29:
0x218: {  	s2 =	spop (v2sf);
	(pc) =	sbr.rel @p1 .LBB2_36-.Ltmp29, $4  }
0x219: {  	s7 =	simm.s32 $0x0;
	p2 =	sgt.u32 s2, $0xFFFF0  }
0x21a: {  	s4 =	sadd.s32 $0x80, s4;
	s7 =	simm.s32 @!p2 $0x200;
	s3 =	sand.u32 @!p2 $0xFFFF8, s2  }
0x21b: {  	s6 =	sadd.s32 $0x1, s6;
	s2 =	sand.u32 @!p2 $0x7, s2;
	s3 =	sadd.s32 @!p2 s1, s3  }
0x21c: {  	[hbm4b:s3+s2] =	stream.linear.scatter @!p2 [tilespmem:s4], [sflag:$0x5], $0x80, $0x38;
	[tilespmem:$0x1F6F8] =	vst v63  }
.LBB2_37:
0x21d: {  	s0 =	sadd.s32 s5, s7  }
0x21e: {  	s0 =	sshrl.u32 s0, $0x2  }
.LBB2_38:
0x21f: {  	s2 =	simm.s32 $0x5  }
0x220: {  	_ =	swait.ge [sflag:s2], s0  }
0x221: {  	s31 =	ssub.s32 $0x0, s0;
	[sflag:s2] =	ssyncset.done $0x0  }
0x222: {  	[sflag:s2] =	ssyncadd.s32 s31  }
0x223: {  	[sflag:s2] =	ssyncpa.u1 $0x1  }
.LBB2_39:
0x224: {  	s0 =	sor.u32 s15, s16  }
0x225: {  	p1 =	sne.s32 s0, $0x0  }
.Ltmp30:
0x226: {  	_ = 	snop;
	(pc) =	sbr.rel @p1 .LBB2_54-.Ltmp30, $3  }
0x227: {  	_ =	sdelay $0x1  }
0x228: {  	[bflag:$0x0] =	sbarrier.arrive $0xFFFF  }
0x229: {  	_ =	sfence  }
0x22a: {  	s0 =	simm.s32 $0x7  }
0x22b: {  	s2 =	simm.s32 $0x1000;
	s3 =	simm.s32 $0xF218;
	[sflag:s0] =	ssyncpa.u1 $0x0  }
0x22c: {  	[tilespmem:s3], [sflag:$0x7] =	stream.linear.gather [spmem:s2], $0x20, $0x38;
	[tilespmem:$0x1F6F8] =	vst v63  }
0x22d: {  	s30 =	simm.s32 $0xF238;
	s2 =	simm.s32 $0x0  }
0x22e: {  	[tilespmem:s30], [sflag:$0x7] =	stream.linear.gather [spmem:s2], $0x1000, $0x38;
	[tilespmem:$0x1F6F8] =	vst v63  }
.Ltmp31:
0x22f: {  	_ = 	snop;
	(pc) =	sbr.rel .LBB2_41-.Ltmp31, $4  }
0x230: {  	_ =	swait.ge [sflag:s0], $0x1020  }
0x231: {  	[sflag:s0] =	ssyncset.done $0x0  }
0x232: {  	s31 =	simm.s32 $0x8;
	[sflag:s0] =	ssyncadd.s32 $0xFFFFEFE0  }
0x233: {  	s3 =	simm.s32 $0x0;
	[sflag:s31] =	ssyncpa.u1 $0x0  }
.LBB2_47:
0x234: {  	p1 =	slt.u32 s4, $0xFFFF1  }
0x235: {  	s0 =	sand.u32 @p1 $0xFFFF8, s4  }
0x236: {  	s4 =	sand.u32 @p1 $0x7, s4;
	s5 =	simm.s32 @p1 $0xF188;
	s0 =	sadd.s32 @p1 s1, s0  }
0x237: {  	[tilespmem:s5], [sflag:$0x8] =	stream.linear.gather @p1 [hbm4b:s0+s4], $0x80, $0x38;
	[tilespmem:$0x1F6F8] =	vst v63  }
0x238: {  	s0 =	simm.s32 @p1 $0x8  }
0x239: {  	_ =	swait.ge @p1 [sflag:s0], $0x80  }
0x23a: {  	[sflag:s0] =	ssyncset.done @p1 $0x0  }
0x23b: {  	[sflag:s0] =	ssyncadd.s32 @p1 $0xFFFFFF80;
	s0 =	sshll.u32 @p1 s3, $0x9  }
0x23c: {  	s4 =	sshrl.u32 @p1 s0, $0x2;
	v1 =	vld @p1 [tilespmem:$0xF188]  }
0x23d: {  	v2 =	vld @p1 [tilespmem:s4+$0xF238];
	_ =	sdelay $0x4  }
0x23e: {  	v1 =	vmax.f32 @p1 v1, v2  }
0x23f: {  	v2 =	vld @p1 [tilespmem:s4+$0xF248];
	[tilespmem:s4+$0xF238] =	vst @p1 v1  }
0x240: {  	v1 =	vld @p1 [tilespmem:$0xF198];
	_ =	sdelay $0x4  }
0x241: {  	v1 =	vmax.f32 @p1 v1, v2  }
0x242: {  	v2 =	vld @p1 [tilespmem:s4+$0xF258];
	[tilespmem:s4+$0xF248] =	vst @p1 v1  }
0x243: {  	v1 =	vld @p1 [tilespmem:$0xF1A8];
	_ =	sdelay $0x4  }
0x244: {  	v1 =	vmax.f32 @p1 v1, v2  }
0x245: {  	v2 =	vld @p1 [tilespmem:s4+$0xF268];
	[tilespmem:s4+$0xF258] =	vst @p1 v1  }
0x246: {  	v1 =	vld @p1 [tilespmem:$0xF1B8];
	_ =	sdelay $0x4  }
0x247: {  	v1 =	vmax.f32 @p1 v1, v2  }
0x248: {  	v2 =	vld @p1 [tilespmem:s4+$0xF278];
	[tilespmem:s4+$0xF268] =	vst @p1 v1  }
0x249: {  	v1 =	vld @p1 [tilespmem:$0xF1C8];
	_ =	sdelay $0x4  }
0x24a: {  	v1 =	vmax.f32 @p1 v1, v2  }
0x24b: {  	v2 =	vld @p1 [tilespmem:s4+$0xF288];
	[tilespmem:s4+$0xF278] =	vst @p1 v1  }
0x24c: {  	v1 =	vld @p1 [tilespmem:$0xF1D8];
	_ =	sdelay $0x4  }
0x24d: {  	v1 =	vmax.f32 @p1 v1, v2  }
0x24e: {  	v2 =	vld @p1 [tilespmem:s4+$0xF298];
	[tilespmem:s4+$0xF288] =	vst @p1 v1  }
0x24f: {  	v1 =	vld @p1 [tilespmem:$0xF1E8];
	_ =	sdelay $0x4  }
0x250: {  	v1 =	vmax.f32 @p1 v1, v2  }
0x251: {  	v2 =	vld @p1 [tilespmem:s4+$0xF2A8];
	[tilespmem:s4+$0xF298] =	vst @p1 v1  }
0x252: {  	v1 =	vld @p1 [tilespmem:$0xF1F8];
	_ =	sdelay $0x4  }
0x253: {  	s5 =	sshll.u32 @!p1 s3, $0x9;
	v1 =	vmax.f32 @p1 v1, v2  }
0x254: {  	s5 =	smov.u32 @p1 s0;
	[tilespmem:s4+$0xF2A8] =	vst @p1 v1  }
0x255: {  	s0 =	sshrl.u32 s5, $0x2;
	[tilespmem:s2+$0xF218] =	vst.msk $0x1, v0  }
0x256: {  	v0 =	vld [tilespmem:s0+$0xF238];
	_ =	sdelay $0x2  }
0x257: {  	s31 =	sshll.u32 s2, $0x9  }
0x258: {  	s4 =	sshra.s32 s31, $0x2  }
0x259: {  	[tilespmem:s4+$0xF238] =	vst v0  }
0x25a: {  	v0 =	vld [tilespmem:s0+$0xF248];
	_ =	sdelay $0x4  }
0x25b: {  	[tilespmem:s4+$0xF248] =	vst v0  }
0x25c: {  	v0 =	vld [tilespmem:s0+$0xF258];
	_ =	sdelay $0x4  }
0x25d: {  	[tilespmem:s4+$0xF258] =	vst v0  }
0x25e: {  	v0 =	vld [tilespmem:s0+$0xF268];
	_ =	sdelay $0x4  }
0x25f: {  	[tilespmem:s4+$0xF268] =	vst v0  }
0x260: {  	v0 =	vld [tilespmem:s0+$0xF278];
	_ =	sdelay $0x4  }
0x261: {  	[tilespmem:s4+$0xF278] =	vst v0  }
0x262: {  	v0 =	vld [tilespmem:s0+$0xF288];
	_ =	sdelay $0x4  }
0x263: {  	[tilespmem:s4+$0xF288] =	vst v0  }
0x264: {  	v0 =	vld [tilespmem:s0+$0xF298];
	_ =	sdelay $0x4  }
0x265: {  	[tilespmem:s4+$0xF298] =	vst v0  }
0x266: {  	v0 =	vld [tilespmem:s0+$0xF2A8];
	_ =	sdelay $0x4  }
0x267: {  	s2 =	sadd.s32 $0x1, s2;
	[tilespmem:s4+$0xF2A8] =	vst v0  }
.LBB2_48:
0x268: {  	s3 =	sadd.s32 $0x1, s3  }
0x269: {  	p1 =	sne.s32 s3, $0x20  }
.Ltmp32:
0x26a: {  	_ = 	snop;
	(pc) =	sbr.rel @!p1 .LBB2_49-.Ltmp32, $1  }
0x26b: {  	_ =	sdelay $0x3  }
.LBB2_41:
0x26c: {  	v0 =	vld.msk [tilespmem:s3+$0xF218], $0x1;
	_ =	sdelay $0x4  }
0x26d: {  	(v2sf) =	vpush v0, $0x0;
	_ =	sdelay $0xe  }
0x26e: {  	s4 =	spop (v2sf)  }
0x26f: {  	p1 =	seq.s32 s4, $0xFFFFFFFF  }
.Ltmp33:
0x270: {  	_ = 	snop;
	(pc) =	sbr.rel @p1 .LBB2_48-.Ltmp33, $1  }
0x271: {  	_ =	sdelay $0x3  }
0x272: {  	p1 =	slt.s32 s2, $0x1  }
.Ltmp34:
0x273: {  	_ = 	snop;
	(pc) =	sbr.rel @p1 .LBB2_47-.Ltmp34, $1  }
0x274: {  	_ =	sdelay $0x3  }
0x275: {  	s5 =	simm.s32 $0xF218;
	p1 =	por $0x0, $0x0  }
0x276: {  	v1 =	vld.msk @!p1 [tilespmem:s5+$0x0], $0x1;
	_ =	sdelay $0x4  }
0x277: {  	(v2sf) =	vpush @!p1 v1, $0x0;
	_ =	sdelay $0xd  }
0x278: {  	p3 =	sne.s32 s2, $0x1  }
.Ltmp35:
0x279: {  	s0 =	spop @!p1 (v2sf);
	(pc) =	sbr.rel @!p3 .LBB2_45-.Ltmp35, $4  }
0x27a: {  	p2 =	seq.s32 @!p1 s4, s0  }
0x27b: {  	s6 =	simm.s32 $0x0;
	p2 =	por !p2, p1  }
0x27c: {  	s7 =	simm.s32 $0xFFFFFFFF;
	s6 =	simm.s32 @p2 $0xFFFFFFFF  }
0x27d: {  	s0 =	simm.s32 $0x1;
	s6 =	smov.u32 @p1 s7  }
.LBB2_44:
0x27e: {  	s7 =	smov.u32 s6;
	p1 =	sne.s32 s6, $0xFFFFFFFF  }
0x27f: {  	s5 =	sadd.s32 $0x1, s5;
	s6 =	smov.u32 s0;
	s0 =	sadd.s32 $0x1, s0  }
0x280: {  	p2 =	sne.s32 s2, s0;
	v1 =	vld.msk @!p1 [tilespmem:s5+$0x0], $0x1;
	_ =	sdelay $0x4  }
0x281: {  	(v2sf) =	vpush @!p1 v1, $0x0;
	_ =	sdelay $0xe  }
.Ltmp36:
0x282: {  	s8 =	spop @!p1 (v2sf);
	(pc) =	sbr.rel @p2 .LBB2_44-.Ltmp36, $4  }
0x283: {  	p3 =	seq.s32 @!p1 s4, s8  }
0x284: {  	p3 =	por !p3, p1  }
0x285: {  	s6 =	simm.s32 @p3 $0xFFFFFFFF  }
0x286: {  	s6 =	smov.u32 @p1 s7  }
.LBB2_45:
0x287: {  	p1 =	seq.s32 s6, $0xFFFFFFFF  }
.Ltmp37:
0x288: {  	_ = 	snop;
	(pc) =	sbr.rel @p1 .LBB2_47-.Ltmp37, $1  }
0x289: {  	_ =	sdelay $0x3  }
0x28a: {  	s0 =	sshll.u32 s3, $0x7  }
0x28b: {  	s4 =	sshll.u32 s6, $0x9;
	s0 =	sand.u32 $0x3FFFFF80, s0  }
0x28c: {  	s4 =	sshra.s32 s4, $0x2;
	v0 =	vld [tilespmem:s0+$0xF238]  }
0x28d: {  	v1 =	vld [tilespmem:s4+$0xF238];
	_ =	sdelay $0x4  }
0x28e: {  	v0 =	vmax.f32 v0, v1  }
0x28f: {  	v57 =	vld [tilespmem:s4+$0xF248];
	[tilespmem:s4+$0xF238] =	vst v0  }
0x290: {  	v0 =	vld [tilespmem:s0+$0xF248];
	_ =	sdelay $0x4  }
0x291: {  	v0 =	vmax.f32 v0, v57  }
0x292: {  	v58 =	vld [tilespmem:s4+$0xF258];
	[tilespmem:s4+$0xF248] =	vst v0  }
0x293: {  	v0 =	vld [tilespmem:s0+$0xF258];
	_ =	sdelay $0x4  }
0x294: {  	v0 =	vmax.f32 v0, v58  }
0x295: {  	v59 =	vld [tilespmem:s4+$0xF268];
	[tilespmem:s4+$0xF258] =	vst v0  }
0x296: {  	v0 =	vld [tilespmem:s0+$0xF268];
	_ =	sdelay $0x4  }
0x297: {  	v0 =	vmax.f32 v0, v59  }
0x298: {  	v60 =	vld [tilespmem:s4+$0xF278];
	[tilespmem:s4+$0xF268] =	vst v0  }
0x299: {  	v0 =	vld [tilespmem:s0+$0xF278];
	_ =	sdelay $0x4  }
0x29a: {  	v0 =	vmax.f32 v0, v60  }
0x29b: {  	v61 =	vld [tilespmem:s4+$0xF288];
	[tilespmem:s4+$0xF278] =	vst v0  }
0x29c: {  	v0 =	vld [tilespmem:s0+$0xF288];
	_ =	sdelay $0x4  }
0x29d: {  	v0 =	vmax.f32 v0, v61  }
0x29e: {  	v62 =	vld [tilespmem:s4+$0xF298];
	[tilespmem:s4+$0xF288] =	vst v0  }
0x29f: {  	v0 =	vld [tilespmem:s0+$0xF298];
	_ =	sdelay $0x4  }
0x2a0: {  	v0 =	vmax.f32 v0, v62  }
0x2a1: {  	v63 =	vld [tilespmem:s4+$0xF2A8];
	[tilespmem:s4+$0xF298] =	vst v0  }
0x2a2: {  	v0 =	vld [tilespmem:s0+$0xF2A8];
	_ =	sdelay $0x1  }
.Ltmp38:
0x2a3: {  	_ = 	snop;
	(pc) =	sbr.rel .LBB2_48-.Ltmp38, $3  }
0x2a4: {  	_ =	sdelay $0x1  }
0x2a5: {  	v0 =	vmax.f32 v0, v63  }
0x2a6: {  	[tilespmem:s4+$0xF2A8] =	vst v0  }
.LBB2_49:
0x2a7: {  	p1 =	slt.s32 s2, $0x1  }
.Ltmp39:
0x2a8: {  	_ = 	snop;
	(pc) =	sbr.rel @p1 .LBB2_53-.Ltmp39, $3  }
0x2a9: {  	_ =	sdelay $0x1  }
0x2aa: {  	s0 =	simm.s32 $0x8  }
0x2ab: {  	s3 =	simm.s32 $0x0;
	[sflag:s0] =	ssyncpa.u1 $0x1  }
0x2ac: {  	s0 =	simm.s32 $0xF218  }
0x2ad: {  	v0 =	vld.msk [tilespmem:s0+$0x0], $0x1;
	_ =	sdelay $0x4  }
0x2ae: {  	(v2sf) =	vpush v0, $0x0;
	_ =	sdelay $0xe  }
0x2af: {  	s0 =	sadd.s32 $0xFFFFFFFF, s2;
	s5 =	spop (v2sf)  }
0x2b0: {  	p2 =	sne.s32 s0, $0x0;
	p1 =	sgt.u32 s5, $0xFFFF0  }
.Ltmp40:
0x2b1: {  	s6 =	sand.u32 @!p1 $0xFFFF8, s5;
	(pc) =	sbr.rel @!p2 .LBB2_52-.Ltmp40, $4  }
0x2b2: {  	s4 =	simm.s32 $0xF238;
	s5 =	sand.u32 @!p1 $0x7, s5;
	s2 =	sadd.s32 @!p1 s1, s6  }
0x2b3: {  	[hbm4b:s2+s5] =	stream.linear.scatter @!p1 [tilespmem:s4], [sflag:$0x7], $0x80, $0x38;
	[tilespmem:$0x1F6F8] =	vst v63  }
0x2b4: {  	s5 =	simm.s32 $0x0  }
0x2b5: {  	s2 =	simm.s32 $0xF219;
	s5 =	simm.s32 @!p1 $0x200  }
.LBB2_51:
0x2b6: {  	v0 =	vld.msk [tilespmem:s2+$0x0], $0x1;
	s0 =	sadd.s32 $0xFFFFFFFF, s0;
	s3 =	sadd.s32 s3, s5  }
0x2b7: {  	p1 =	sne.s32 s0, $0x0;
	_ =	sdelay $0x3  }
0x2b8: {  	(v2sf) =	vpush v0, $0x0;
	_ =	sdelay $0xe  }
.Ltmp41:
0x2b9: {  	s6 =	spop (v2sf);
	(pc) =	sbr.rel @p1 .LBB2_51-.Ltmp41, $4  }
0x2ba: {  	s5 =	simm.s32 $0x0;
	p2 =	sgt.u32 s6, $0xFFFF0  }
0x2bb: {  	s4 =	sadd.s32 $0x80, s4;
	s5 =	simm.s32 @!p2 $0x200;
	s7 =	sand.u32 @!p2 $0xFFFF8, s6  }
0x2bc: {  	s2 =	sadd.s32 $0x1, s2;
	s6 =	sand.u32 @!p2 $0x7, s6;
	s7 =	sadd.s32 @!p2 s1, s7  }
0x2bd: {  	[hbm4b:s7+s6] =	stream.linear.scatter @!p2 [tilespmem:s4], [sflag:$0x7], $0x80, $0x38;
	[tilespmem:$0x1F6F8] =	vst v63  }
.LBB2_52:
0x2be: {  	s0 =	sadd.s32 s3, s5  }
0x2bf: {  	s3 =	sshrl.u32 s0, $0x2  }
.LBB2_53:
0x2c0: {  	s0 =	simm.s32 $0x7  }
0x2c1: {  	_ =	swait.ge [sflag:s0], s3  }
0x2c2: {  	s1 =	ssub.s32 $0x0, s3;
	[sflag:s0] =	ssyncset.done $0x0  }
0x2c3: {  	[sflag:s0] =	ssyncadd.s32 s1  }
0x2c4: {  	[sflag:s0] =	ssyncpa.u1 $0x1  }
.LBB2_54:
0x2c5: {  	_ =	sfence;
	s0 =	simm.s32 $0x1  }
0x2c6: {  	[sflag:s0] =	ssyncpa.u1 $0x1  }
0x2c7: {  	_ =	strace $0x9000004A  }
0x2c8: {  	[bflag:$0x2] =	sbarrier.arrive $0xFFFF  }
0x2c9: {  	s0 =	rddreg [dreg:$0x4]  }
0x2ca: {  	s0 =	sadd.s32 @!p0 $0x100000, s0  }
0x2cb: {  	[sflag:s0] =	ssyncadd.tile.s32 @!p0 $0x1;
	_ =	shalt  }
.Lfunc_end2:
_tile_overlayer_lowered:
.L_overlay_start_2:
0x2cc: {  	(tag) =	ssettag $0x2  }
0x2cd: {  	s0 =	rddreg [dreg:$0x0];
	s2 =	stileid.u32  }
0x2ce: {  	s1 =	rddreg [dreg:$0x1];
	p0 =	sne.s32 s2, $0x0  }
0x2cf: {  	s3 =	rddreg [dreg:$0x2];
	[bflag:$0x3] =	sbarrier.arrive $0xFFFF;
	s2 =	simm.s32 @!p0 $0x1C01  }
0x2d0: {  	[timem:s3], [sflag:s2] =	dma.local @!p0 [hbm:s0], s1  }
0x2d1: {  	s0 =	simm.s32 @!p0 $0x1  }
0x2d2: {  	_ =	swait.ge @!p0 [sflag:s0], s1  }
0x2d3: {  	s1 =	ssub.s32 @!p0 $0x0, s1;
	[sflag:s0] =	ssyncset.done @!p0 $0x0  }
0x2d4: {  	[sflag:s0] =	ssyncadd.s32 @!p0 s1  }
0x2d5: {  	[bflag:$0x3] =	sbarrier.arrive $0xFFFF  }
0x2d6: {  	_ =	shalt  }

</sc_bundles>
